<compile_context>
chip_gen: v7x
topology: tpu7x:2x2x1
jax: 0.10.2.dev20260603
libtpu: 0.0.44.dev20260713+nightly
codegen_flags: <defaults>
</compile_context>

<pallas_src>
import functools
import jax
import jax.numpy as jnp
from jax import lax
from jax.experimental import pallas as pl
from jax.experimental.pallas import tpu as pltpu
from jax.experimental.pallas import tpu_sc as plsc

N = 10000
E = 320000
D = 128
H = 16
C = 2

NC = 2
NS = 16
NW = NC * NS
CHUNK = 125
CH = 80
NPAD = 10240
RPT = NPAD // NS

_mesh = plsc.VectorSubcoreMesh(core_axis_name="c", subcore_axis_name="s")
_sc_params = pltpu.CompilerParams(use_tc_tiling_on_sc=False)


@functools.partial(
    pl.kernel,
    out_type=jax.ShapeDtypeStruct((NC, NPAD), jnp.float32),
    mesh=_mesh,
    scratch_types=[
        pltpu.VMEM((CH, CHUNK), jnp.int32),
        pltpu.VMEM((CHUNK,), jnp.float32),
        pltpu.VMEM_SHARED((NPAD,), jnp.float32),
        pltpu.SemaphoreType.DMA,
    ],
    compiler_params=_sc_params,
)
def _sc_degree(ei_hbm, ones_hbm, zeros_hbm, out_hbm, dst_v, ones_v, acc, sem):
    cid = lax.axis_index("c")
    sid = lax.axis_index("s")
    wid = sid * NC + cid
    base = sid * RPT
    pltpu.sync_copy(ei_hbm.at[1, wid], dst_v)
    pltpu.sync_copy(ones_hbm, ones_v)
    pltpu.sync_copy(zeros_hbm.at[pl.ds(base, RPT)], acc.at[pl.ds(base, RPT)])
    plsc.subcore_barrier()

    def body(j, carry):
        pltpu.sync_copy(ones_v, acc.at[dst_v.at[j]], add=True)
        return carry

    lax.fori_loop(0, CH, body, 0)
    plsc.subcore_barrier()
    pltpu.sync_copy(acc.at[pl.ds(base, RPT)], out_hbm.at[cid, pl.ds(base, RPT)])


NBUF = 10
LOOKAHEAD = 5


@functools.partial(
    pl.kernel,
    out_type=jax.ShapeDtypeStruct((NC, NPAD, H), jnp.float32),
    mesh=_mesh,
    scratch_types=[
        pltpu.VMEM((CH, CHUNK), jnp.int32),
        pltpu.VMEM((CH, CHUNK), jnp.int32),
        [pltpu.VMEM((CHUNK, H), jnp.float32) for _ in range(NBUF)],
        pltpu.VMEM_SHARED((NPAD, H), jnp.float32),
        pltpu.VMEM_SHARED((NPAD, H), jnp.float32),
        [pltpu.SemaphoreType.DMA for _ in range(NBUF)],
        [pltpu.SemaphoreType.DMA for _ in range(NBUF)],
    ],
    compiler_params=_sc_params,
)
def _sc_scatter(rows_hbm, ei_hbm, zeros_hbm, out_hbm,
                src_v, dst_v, bufs, acc, rows_sp, gsem, ssem):
    cid = lax.axis_index("c")
    sid = lax.axis_index("s")
    wid = sid * NC + cid
    base = sid * RPT
    pltpu.sync_copy(ei_hbm.at[0, wid], src_v)
    pltpu.sync_copy(ei_hbm.at[1, wid], dst_v)
    pltpu.sync_copy(zeros_hbm.at[pl.ds(base, RPT)], acc.at[pl.ds(base, RPT)])
    pltpu.sync_copy(rows_hbm.at[pl.ds(base, RPT)],
                    rows_sp.at[pl.ds(base, RPT)])
    plsc.subcore_barrier()

    def gather(j, b):
        pltpu.async_copy(rows_sp.at[src_v.at[j]], bufs[b], gsem[b])

    def scatter_desc(j, b):
        return pltpu.make_async_copy(bufs[b], acc.at[dst_v.at[j]], ssem[b])

    for b in range(LOOKAHEAD):
        gather(b, b)

    def body(i, carry):
        for b in range(NBUF):
            j = NBUF * i + b
            pltpu.make_async_copy(rows_sp.at[src_v.at[j]], bufs[b],
                                  gsem[b]).wait()
            pltpu.async_copy(bufs[b], acc.at[dst_v.at[j]], ssem[b], add=True)
            jn = j + LOOKAHEAD
            bn = (b + LOOKAHEAD) % NBUF

            @pl.when(jn < CH)
            def _():
                @pl.when(jn >= NBUF)
                def _():
                    scatter_desc(jn - NBUF, bn).wait()

                gather(jn, bn)
        return carry

    lax.fori_loop(0, CH // NBUF, body, 0)
    for b in range(NBUF):
        scatter_desc(CH - NBUF + b, b).wait()
    plsc.subcore_barrier()
    pltpu.sync_copy(acc.at[pl.ds(base, RPT)],
                    out_hbm.at[cid, pl.ds(base, RPT)])


NP8 = NPAD // 8
NB1 = 9984 // 8


def _tc_mm1_body(xb1_ref, xbt_ref, w1b_ref, h1p_ref):
    h1p_ref[:NB1] = jnp.dot(xb1_ref[...], w1b_ref[...],
                            preferred_element_type=jnp.float32)
    h1p_ref[NB1:N // 8] = jnp.dot(xbt_ref[...], w1b_ref[...],
                                  preferred_element_type=jnp.float32)


def _tc_prep_body(degp_ref, selr_ref, h1p_ref, h1sp_ref, disp_ref):
    degv = degp_ref[0] + degp_ref[1] + 1.0
    disp = jnp.dot(lax.rsqrt(degv), selr_ref[...],
                   preferred_element_type=jnp.float32)
    disp_ref[...] = disp
    h1sp_ref[...] = h1p_ref[...] * disp


def _tc_comb1_body(s1p_ref, h1sp_ref, disp_ref, b1t_ref, gsp_ref):
    disp = disp_ref[...]
    out1 = disp * (s1p_ref[0] + s1p_ref[1] + h1sp_ref[...]) + b1t_ref[...]
    gsp_ref[...] = jnp.maximum(out1, 0.0) * disp


def _tc_final_body(s2p_ref, gsp_ref, disp_ref, w2b_ref, b2t_ref, out_ref):
    o = disp_ref[...] * (s2p_ref[0] + s2p_ref[1] + gsp_ref[...])
    out_ref[...] = jnp.dot(o[:N // 8], w2b_ref[...],
                           preferred_element_type=jnp.float32) + b2t_ref[...]


def _tc_call(body, out_shapes, *args):
    return pl.pallas_call(
        body,
        out_shape=[jax.ShapeDtypeStruct(s, jnp.float32) for s in out_shapes],
    )(*args)


@jax.jit
def kernel(x, edge_index, W1, b1, W2, b2):
    ei = edge_index.astype(jnp.int32).reshape(2, NW, CH, CHUNK)

    ones = jnp.ones((CHUNK,), jnp.float32)
    zeros1 = jnp.zeros((NPAD,), jnp.float32)
    zeros2 = jnp.zeros((NPAD, H), jnp.float32)
    eye8 = jnp.eye(8, dtype=jnp.float32)
    w1b = jnp.kron(eye8, W1)
    w2b = jnp.kron(eye8, W2)
    selr = jnp.kron(eye8, jnp.ones((1, H), jnp.float32))
    b1t = jnp.tile(b1, 8).reshape(1, 8 * H)
    b2t = jnp.tile(b2, 8).reshape(1, 8 * C)
    xb1 = x[:NB1 * 8].reshape(NB1, 8 * D)
    xbt = x[NB1 * 8:].reshape(N // 8 - NB1, 8 * D)

    degp = _sc_degree(ei, ones, zeros1)

    (h1p,) = _tc_call(_tc_mm1_body, [(NP8, 8 * H)], xb1, xbt, w1b)

    h1sp, disp = _tc_call(
        _tc_prep_body, [(NP8, 8 * H), (NP8, 8 * H)],
        degp.reshape(NC, NP8, 8), selr, h1p)

    s1p = _sc_scatter(h1sp.reshape(NPAD, H), ei, zeros2)

    (gsp,) = _tc_call(
        _tc_comb1_body, [(NP8, 8 * H)],
        s1p.reshape(NC, NP8, 8 * H), h1sp, disp, b1t)

    s2p = _sc_scatter(gsp.reshape(NPAD, H), ei, zeros2)

    (out_p,) = _tc_call(
        _tc_final_body, [(N // 8, 8 * C)],
        s2p.reshape(NC, NP8, 8 * H), gsp, disp, w2b, b2t)

    return out_p.reshape(N, C)

# --- scband reference (transcript-rebuilt; emitter-appended) ---
"""Pipeline reference for scband-gcn-42374147342368 (READ-ONLY COPY).

The authoritative reference and input builder live on the scoring server;
editing this copy changes nothing except your own understanding.
"""

import jax, jax.numpy as jnp
import numpy as np

N = 10000
E = 320000
D = 128
H = 16
C = 2


def setup_inputs(seed: int = 0) -> dict:
    key = jax.random.key(seed)
    k1, k2, k3, k4 = jax.random.split(key, 4)
    x = jax.random.normal(k1, (N, D), dtype=jnp.float32)
    edge_index = jax.random.randint(k2, (2, E), 0, N)
    W1 = jax.random.normal(k3, (D, H), dtype=jnp.float32) * (1.0 / np.sqrt(D))
    b1 = jnp.zeros((H,), dtype=jnp.float32)
    W2 = jax.random.normal(k4, (H, C), dtype=jnp.float32) * (1.0 / np.sqrt(H))
    b2 = jnp.zeros((C,), dtype=jnp.float32)
    return {"x": x, "edge_index": edge_index, "W1": W1, "b1": b1, "W2": W2, "b2": b2}


def _gcn_conv(x, edge_index, W, b):
    # GCNConv: out = D^{-1/2} (A + I) D^{-1/2} X W + b
    n = x.shape[0]
    src = edge_index[0]
    dst = edge_index[1]
    loop = jnp.arange(n, dtype=src.dtype)
    src = jnp.concatenate([src, loop])
    dst = jnp.concatenate([dst, loop])
    ones = jnp.ones(src.shape[0], dtype=x.dtype)
    deg = jnp.zeros((n,), dtype=x.dtype).at[dst].add(ones)
    deg_inv_sqrt = jnp.where(deg > 0, deg ** -0.5, 0.0)
    norm = deg_inv_sqrt[src] * deg_inv_sqrt[dst]
    h = x @ W
    msg = jnp.take(h, src, axis=0) * norm[:, None]
    out = jax.ops.segment_sum(msg, dst, num_segments=n)
    return out + b


def reference(x, edge_index, W1, b1, W2, b2):
    h = _gcn_conv(x, edge_index, W1, b1)
    h = jax.nn.relu(h)
    out = _gcn_conv(h, edge_index, W2, b2)
    return out

if __name__ == "__main__":
    import jax
    _d = setup_inputs()
    print(jax.jit(kernel)(*tuple(_d.values())))

</pallas_src>

<mosaic_0001>
#map = affine_map<(d0, d1) -> (0, 0)>
#map1 = affine_map<(d0, d1) -> (0, 0, 0, 0)>
#map2 = affine_map<(d0, d1) -> (0, 0, 0)>
module attributes {stable_mosaic.version = 14 : i64} {
  func.func @_sc_scatter(%arg0: i32, %arg1: i32, %arg2: memref<10240x16xf32, #tpu.memory_space<hbm>>, %arg3: memref<2x32x80x125xi32, #tpu.memory_space<hbm>>, %arg4: memref<10240x16xf32, #tpu.memory_space<hbm>>, %arg5: memref<2x10240x16xf32, #tpu.memory_space<hbm>>, %arg6: memref<80x125xi32, #tpu.memory_space<vmem>>, %arg7: memref<80x125xi32, #tpu.memory_space<vmem>>, %arg8: memref<125x16xf32, #tpu.memory_space<vmem>>, %arg9: memref<125x16xf32, #tpu.memory_space<vmem>>, %arg10: memref<125x16xf32, #tpu.memory_space<vmem>>, %arg11: memref<125x16xf32, #tpu.memory_space<vmem>>, %arg12: memref<125x16xf32, #tpu.memory_space<vmem>>, %arg13: memref<125x16xf32, #tpu.memory_space<vmem>>, %arg14: memref<125x16xf32, #tpu.memory_space<vmem>>, %arg15: memref<125x16xf32, #tpu.memory_space<vmem>>, %arg16: memref<125x16xf32, #tpu.memory_space<vmem>>, %arg17: memref<125x16xf32, #tpu.memory_space<vmem>>, %arg18: memref<10240x16xf32, #tpu.memory_space<vmem_shared>>, %arg19: memref<10240x16xf32, #tpu.memory_space<vmem_shared>>, %arg20: memref<!tpu.dma_semaphore, #tpu.memory_space<semaphore_mem>>, %arg21: memref<!tpu.dma_semaphore, #tpu.memory_space<semaphore_mem>>, %arg22: memref<!tpu.dma_semaphore, #tpu.memory_space<semaphore_mem>>, %arg23: memref<!tpu.dma_semaphore, #tpu.memory_space<semaphore_mem>>, %arg24: memref<!tpu.dma_semaphore, #tpu.memory_space<semaphore_mem>>, %arg25: memref<!tpu.dma_semaphore, #tpu.memory_space<semaphore_mem>>, %arg26: memref<!tpu.dma_semaphore, #tpu.memory_space<semaphore_mem>>, %arg27: memref<!tpu.dma_semaphore, #tpu.memory_space<semaphore_mem>>, %arg28: memref<!tpu.dma_semaphore, #tpu.memory_space<semaphore_mem>>, %arg29: memref<!tpu.dma_semaphore, #tpu.memory_space<semaphore_mem>>, %arg30: memref<!tpu.dma_semaphore, #tpu.memory_space<semaphore_mem>>, %arg31: memref<!tpu.dma_semaphore, #tpu.memory_space<semaphore_mem>>, %arg32: memref<!tpu.dma_semaphore, #tpu.memory_space<semaphore_mem>>, %arg33: memref<!tpu.dma_semaphore, #tpu.memory_space<semaphore_mem>>, %arg34: memref<!tpu.dma_semaphore, #tpu.memory_space<semaphore_mem>>, %arg35: memref<!tpu.dma_semaphore, #tpu.memory_space<semaphore_mem>>, %arg36: memref<!tpu.dma_semaphore, #tpu.memory_space<semaphore_mem>>, %arg37: memref<!tpu.dma_semaphore, #tpu.memory_space<semaphore_mem>>, %arg38: memref<!tpu.dma_semaphore, #tpu.memory_space<semaphore_mem>>, %arg39: memref<!tpu.dma_semaphore, #tpu.memory_space<semaphore_mem>>) attributes {dimension_semantics = [#tpu.dimension_semantics<core_parallel>, #tpu.dimension_semantics<subcore_parallel>], iteration_bounds = array<i64: 2, 16>, scalar_prefetch = 0 : i64, scratch_operands = 34 : i64, tpu.core_type = #tpu.core_type<sc_vector_subcore>, window_params = [{transform_indices = #map}, {transform_indices = #map1}, {transform_indices = #map}, {transform_indices = #map2}]} {
    %mul3A = arith.constant 2 : i32
    %mul3A_0 = arith.muli %arg1, %mul3A : i32
    %add3A = arith.addi %mul3A_0, %arg0 : i32
    %mul3A_1 = arith.constant 640 : i32
    %mul3A_2 = arith.muli %arg1, %mul3A_1 : i32
    %run_scoped3A = arith.constant 0 : i32
    "tpu.region"() ({
      %run_scoped3A_113 = tpu.sem_alloc : memref<!tpu.dma_semaphore, #tpu.memory_space<semaphore_mem>>
      %dma_start3A_114 = arith.constant 0 : i32
      %dma_start3A_115 = arith.constant 0 : i32
      %dma_start3A_116 = tpu.memref_slice %arg3[%run_scoped3A, %add3A, %dma_start3A_114, %dma_start3A_115] : memref<2x32x80x125xi32, #tpu.memory_space<hbm>> -> memref<1x1x80x125xi32, #tpu.memory_space<hbm>>
      %dma_start3A_117 = tpu.memref_squeeze %dma_start3A_116 : memref<1x1x80x125xi32, #tpu.memory_space<hbm>> -> memref<80x125xi32, #tpu.memory_space<hbm>>
      %dma_start3A_118 = arith.constant 0 : i32
      %dma_start3A_119 = arith.constant 0 : i32
      %dma_start3A_120 = tpu.memref_slice %arg3[%run_scoped3A, %add3A, %dma_start3A_118, %dma_start3A_119] : memref<2x32x80x125xi32, #tpu.memory_space<hbm>> -> memref<1x1x80x125xi32, #tpu.memory_space<hbm>>
      %dma_start3A_121 = tpu.memref_squeeze %dma_start3A_120 : memref<1x1x80x125xi32, #tpu.memory_space<hbm>> -> memref<80x125xi32, #tpu.memory_space<hbm>>
      tpu.enqueue_dma source(%dma_start3A_121 : memref<80x125xi32, #tpu.memory_space<hbm>>) target(%arg6 : memref<80x125xi32, #tpu.memory_space<vmem>>) target_semaphore(%run_scoped3A_113 : memref<!tpu.dma_semaphore, #tpu.memory_space<semaphore_mem>>)
      %dma_wait3A_122 = arith.constant 0 : i32
      %dma_wait3A_123 = arith.constant 0 : i32
      %dma_wait3A_124 = tpu.memref_slice %arg3[%run_scoped3A, %add3A, %dma_wait3A_122, %dma_wait3A_123] : memref<2x32x80x125xi32, #tpu.memory_space<hbm>> -> memref<1x1x80x125xi32, #tpu.memory_space<hbm>>
      %dma_wait3A_125 = tpu.memref_squeeze %dma_wait3A_124 : memref<1x1x80x125xi32, #tpu.memory_space<hbm>> -> memref<80x125xi32, #tpu.memory_space<hbm>>
      %dma_wait3A_126 = arith.constant 0 : i32
      %dma_wait3A_127 = arith.constant 0 : i32
      %dma_wait3A_128 = tpu.memref_slice %arg3[%run_scoped3A, %add3A, %dma_wait3A_126, %dma_wait3A_127] : memref<2x32x80x125xi32, #tpu.memory_space<hbm>> -> memref<1x1x80x125xi32, #tpu.memory_space<hbm>>
      %dma_wait3A_129 = tpu.memref_squeeze %dma_wait3A_128 : memref<1x1x80x125xi32, #tpu.memory_space<hbm>> -> memref<80x125xi32, #tpu.memory_space<hbm>>
      tpu.wait_dma2 semaphore(%run_scoped3A_113 : memref<!tpu.dma_semaphore, #tpu.memory_space<semaphore_mem>>) src(%dma_wait3A_129 : memref<80x125xi32, #tpu.memory_space<hbm>>) dst(%arg6 : memref<80x125xi32, #tpu.memory_space<vmem>>)
      tpu.yield
    }) : () -> ()
    %run_scoped3A_3 = arith.constant 1 : i32
    "tpu.region"() ({
      %run_scoped3A_113 = tpu.sem_alloc : memref<!tpu.dma_semaphore, #tpu.memory_space<semaphore_mem>>
      %dma_start3A_114 = arith.constant 0 : i32
      %dma_start3A_115 = arith.constant 0 : i32
      %dma_start3A_116 = tpu.memref_slice %arg3[%run_scoped3A_3, %add3A, %dma_start3A_114, %dma_start3A_115] : memref<2x32x80x125xi32, #tpu.memory_space<hbm>> -> memref<1x1x80x125xi32, #tpu.memory_space<hbm>>
      %dma_start3A_117 = tpu.memref_squeeze %dma_start3A_116 : memref<1x1x80x125xi32, #tpu.memory_space<hbm>> -> memref<80x125xi32, #tpu.memory_space<hbm>>
      %dma_start3A_118 = arith.constant 0 : i32
      %dma_start3A_119 = arith.constant 0 : i32
      %dma_start3A_120 = tpu.memref_slice %arg3[%run_scoped3A_3, %add3A, %dma_start3A_118, %dma_start3A_119] : memref<2x32x80x125xi32, #tpu.memory_space<hbm>> -> memref<1x1x80x125xi32, #tpu.memory_space<hbm>>
      %dma_start3A_121 = tpu.memref_squeeze %dma_start3A_120 : memref<1x1x80x125xi32, #tpu.memory_space<hbm>> -> memref<80x125xi32, #tpu.memory_space<hbm>>
      tpu.enqueue_dma source(%dma_start3A_121 : memref<80x125xi32, #tpu.memory_space<hbm>>) target(%arg7 : memref<80x125xi32, #tpu.memory_space<vmem>>) target_semaphore(%run_scoped3A_113 : memref<!tpu.dma_semaphore, #tpu.memory_space<semaphore_mem>>)
      %dma_wait3A_122 = arith.constant 0 : i32
      %dma_wait3A_123 = arith.constant 0 : i32
      %dma_wait3A_124 = tpu.memref_slice %arg3[%run_scoped3A_3, %add3A, %dma_wait3A_122, %dma_wait3A_123] : memref<2x32x80x125xi32, #tpu.memory_space<hbm>> -> memref<1x1x80x125xi32, #tpu.memory_space<hbm>>
      %dma_wait3A_125 = tpu.memref_squeeze %dma_wait3A_124 : memref<1x1x80x125xi32, #tpu.memory_space<hbm>> -> memref<80x125xi32, #tpu.memory_space<hbm>>
      %dma_wait3A_126 = arith.constant 0 : i32
      %dma_wait3A_127 = arith.constant 0 : i32
      %dma_wait3A_128 = tpu.memref_slice %arg3[%run_scoped3A_3, %add3A, %dma_wait3A_126, %dma_wait3A_127] : memref<2x32x80x125xi32, #tpu.memory_space<hbm>> -> memref<1x1x80x125xi32, #tpu.memory_space<hbm>>
      %dma_wait3A_129 = tpu.memref_squeeze %dma_wait3A_128 : memref<1x1x80x125xi32, #tpu.memory_space<hbm>> -> memref<80x125xi32, #tpu.memory_space<hbm>>
      tpu.wait_dma2 semaphore(%run_scoped3A_113 : memref<!tpu.dma_semaphore, #tpu.memory_space<semaphore_mem>>) src(%dma_wait3A_129 : memref<80x125xi32, #tpu.memory_space<hbm>>) dst(%arg7 : memref<80x125xi32, #tpu.memory_space<vmem>>)
      tpu.yield
    }) : () -> ()
    "tpu.region"() ({
      %run_scoped3A_113 = tpu.sem_alloc : memref<!tpu.dma_semaphore, #tpu.memory_space<semaphore_mem>>
      %dma_start3A_114 = arith.constant 0 : i32
      %dma_start3A_115 = tpu.memref_slice %arg18[%mul3A_2, %dma_start3A_114] : memref<10240x16xf32, #tpu.memory_space<vmem_shared>> -> memref<640x16xf32, #tpu.memory_space<vmem_shared>>
      %dma_start3A_116 = arith.constant 0 : i32
      %dma_start3A_117 = tpu.memref_slice %arg4[%mul3A_2, %dma_start3A_116] : memref<10240x16xf32, #tpu.memory_space<hbm>> -> memref<640x16xf32, #tpu.memory_space<hbm>>
      tpu.enqueue_dma source(%dma_start3A_117 : memref<640x16xf32, #tpu.memory_space<hbm>>) target(%dma_start3A_115 : memref<640x16xf32, #tpu.memory_space<vmem_shared>>) target_semaphore(%run_scoped3A_113 : memref<!tpu.dma_semaphore, #tpu.memory_space<semaphore_mem>>)
      %dma_wait3A_118 = arith.constant 0 : i32
      %dma_wait3A_119 = tpu.memref_slice %arg18[%mul3A_2, %dma_wait3A_118] : memref<10240x16xf32, #tpu.memory_space<vmem_shared>> -> memref<640x16xf32, #tpu.memory_space<vmem_shared>>
      %dma_wait3A_120 = arith.constant 0 : i32
      %dma_wait3A_121 = tpu.memref_slice %arg4[%mul3A_2, %dma_wait3A_120] : memref<10240x16xf32, #tpu.memory_space<hbm>> -> memref<640x16xf32, #tpu.memory_space<hbm>>
      tpu.wait_dma2 semaphore(%run_scoped3A_113 : memref<!tpu.dma_semaphore, #tpu.memory_space<semaphore_mem>>) src(%dma_wait3A_121 : memref<640x16xf32, #tpu.memory_space<hbm>>) dst(%dma_wait3A_119 : memref<640x16xf32, #tpu.memory_space<vmem_shared>>)
      tpu.yield
    }) : () -> ()
    "tpu.region"() ({
      %run_scoped3A_113 = tpu.sem_alloc : memref<!tpu.dma_semaphore, #tpu.memory_space<semaphore_mem>>
      %dma_start3A_114 = arith.constant 0 : i32
      %dma_start3A_115 = tpu.memref_slice %arg19[%mul3A_2, %dma_start3A_114] : memref<10240x16xf32, #tpu.memory_space<vmem_shared>> -> memref<640x16xf32, #tpu.memory_space<vmem_shared>>
      %dma_start3A_116 = arith.constant 0 : i32
      %dma_start3A_117 = tpu.memref_slice %arg2[%mul3A_2, %dma_start3A_116] : memref<10240x16xf32, #tpu.memory_space<hbm>> -> memref<640x16xf32, #tpu.memory_space<hbm>>
      tpu.enqueue_dma source(%dma_start3A_117 : memref<640x16xf32, #tpu.memory_space<hbm>>) target(%dma_start3A_115 : memref<640x16xf32, #tpu.memory_space<vmem_shared>>) target_semaphore(%run_scoped3A_113 : memref<!tpu.dma_semaphore, #tpu.memory_space<semaphore_mem>>)
      %dma_wait3A_118 = arith.constant 0 : i32
      %dma_wait3A_119 = tpu.memref_slice %arg19[%mul3A_2, %dma_wait3A_118] : memref<10240x16xf32, #tpu.memory_space<vmem_shared>> -> memref<640x16xf32, #tpu.memory_space<vmem_shared>>
      %dma_wait3A_120 = arith.constant 0 : i32
      %dma_wait3A_121 = tpu.memref_slice %arg2[%mul3A_2, %dma_wait3A_120] : memref<10240x16xf32, #tpu.memory_space<hbm>> -> memref<640x16xf32, #tpu.memory_space<hbm>>
      tpu.wait_dma2 semaphore(%run_scoped3A_113 : memref<!tpu.dma_semaphore, #tpu.memory_space<semaphore_mem>>) src(%dma_wait3A_121 : memref<640x16xf32, #tpu.memory_space<hbm>>) dst(%dma_wait3A_119 : memref<640x16xf32, #tpu.memory_space<vmem_shared>>)
      tpu.yield
    }) : () -> ()
    %barrier3A = arith.constant 0 : index
    tpu.barrier barrier_id(%barrier3A)
    %dma_start3A = arith.constant 0 : i32
    %dma_start3A_4 = arith.constant 0 : i32
    %dma_start3A_5 = tpu.memref_slice %arg6[%dma_start3A, %dma_start3A_4] : memref<80x125xi32, #tpu.memory_space<vmem>> -> memref<1x125xi32, #tpu.memory_space<vmem>>
    %dma_start3A_6 = tpu.memref_squeeze %dma_start3A_5 : memref<1x125xi32, #tpu.memory_space<vmem>> -> memref<125xi32, #tpu.memory_space<vmem>>
    %dma_start3A_7 = arith.constant 0 : i32
    %dma_start3A_8 = arith.constant 0 : i32
    %dma_start3A_9 = tpu.memref_slice %arg19[%dma_start3A_7, %dma_start3A_8] : memref<10240x16xf32, #tpu.memory_space<vmem_shared>> -> memref<10240x16xf32, #tpu.memory_space<vmem_shared>>
    tpu.enqueue_indirect_dma source(%dma_start3A_9 : memref<10240x16xf32, #tpu.memory_space<vmem_shared>>) target(%arg8 : memref<125x16xf32, #tpu.memory_space<vmem>>) offsets(%dma_start3A_6 : memref<125xi32, #tpu.memory_space<vmem>>) semaphore(%arg20 : memref<!tpu.dma_semaphore, #tpu.memory_space<semaphore_mem>>)
    %dma_start3A_10 = arith.constant 1 : i32
    %dma_start3A_11 = arith.constant 0 : i32
    %dma_start3A_12 = tpu.memref_slice %arg6[%dma_start3A_10, %dma_start3A_11] : memref<80x125xi32, #tpu.memory_space<vmem>> -> memref<1x125xi32, #tpu.memory_space<vmem>>
    %dma_start3A_13 = tpu.memref_squeeze %dma_start3A_12 : memref<1x125xi32, #tpu.memory_space<vmem>> -> memref<125xi32, #tpu.memory_space<vmem>>
    %dma_start3A_14 = arith.constant 0 : i32
    %dma_start3A_15 = arith.constant 0 : i32
    %dma_start3A_16 = tpu.memref_slice %arg19[%dma_start3A_14, %dma_start3A_15] : memref<10240x16xf32, #tpu.memory_space<vmem_shared>> -> memref<10240x16xf32, #tpu.memory_space<vmem_shared>>
    tpu.enqueue_indirect_dma source(%dma_start3A_16 : memref<10240x16xf32, #tpu.memory_space<vmem_shared>>) target(%arg9 : memref<125x16xf32, #tpu.memory_space<vmem>>) offsets(%dma_start3A_13 : memref<125xi32, #tpu.memory_space<vmem>>) semaphore(%arg21 : memref<!tpu.dma_semaphore, #tpu.memory_space<semaphore_mem>>)
    %dma_start3A_17 = arith.constant 2 : i32
    %dma_start3A_18 = arith.constant 0 : i32
    %dma_start3A_19 = tpu.memref_slice %arg6[%dma_start3A_17, %dma_start3A_18] : memref<80x125xi32, #tpu.memory_space<vmem>> -> memref<1x125xi32, #tpu.memory_space<vmem>>
    %dma_start3A_20 = tpu.memref_squeeze %dma_start3A_19 : memref<1x125xi32, #tpu.memory_space<vmem>> -> memref<125xi32, #tpu.memory_space<vmem>>
    %dma_start3A_21 = arith.constant 0 : i32
    %dma_start3A_22 = arith.constant 0 : i32
    %dma_start3A_23 = tpu.memref_slice %arg19[%dma_start3A_21, %dma_start3A_22] : memref<10240x16xf32, #tpu.memory_space<vmem_shared>> -> memref<10240x16xf32, #tpu.memory_space<vmem_shared>>
    tpu.enqueue_indirect_dma source(%dma_start3A_23 : memref<10240x16xf32, #tpu.memory_space<vmem_shared>>) target(%arg10 : memref<125x16xf32, #tpu.memory_space<vmem>>) offsets(%dma_start3A_20 : memref<125xi32, #tpu.memory_space<vmem>>) semaphore(%arg22 : memref<!tpu.dma_semaphore, #tpu.memory_space<semaphore_mem>>)
    %dma_start3A_24 = arith.constant 3 : i32
    %dma_start3A_25 = arith.constant 0 : i32
    %dma_start3A_26 = tpu.memref_slice %arg6[%dma_start3A_24, %dma_start3A_25] : memref<80x125xi32, #tpu.memory_space<vmem>> -> memref<1x125xi32, #tpu.memory_space<vmem>>
    %dma_start3A_27 = tpu.memref_squeeze %dma_start3A_26 : memref<1x125xi32, #tpu.memory_space<vmem>> -> memref<125xi32, #tpu.memory_space<vmem>>
    %dma_start3A_28 = arith.constant 0 : i32
    %dma_start3A_29 = arith.constant 0 : i32
    %dma_start3A_30 = tpu.memref_slice %arg19[%dma_start3A_28, %dma_start3A_29] : memref<10240x16xf32, #tpu.memory_space<vmem_shared>> -> memref<10240x16xf32, #tpu.memory_space<vmem_shared>>
    tpu.enqueue_indirect_dma source(%dma_start3A_30 : memref<10240x16xf32, #tpu.memory_space<vmem_shared>>) target(%arg11 : memref<125x16xf32, #tpu.memory_space<vmem>>) offsets(%dma_start3A_27 : memref<125xi32, #tpu.memory_space<vmem>>) semaphore(%arg23 : memref<!tpu.dma_semaphore, #tpu.memory_space<semaphore_mem>>)
    %dma_start3A_31 = arith.constant 4 : i32
    %dma_start3A_32 = arith.constant 0 : i32
    %dma_start3A_33 = tpu.memref_slice %arg6[%dma_start3A_31, %dma_start3A_32] : memref<80x125xi32, #tpu.memory_space<vmem>> -> memref<1x125xi32, #tpu.memory_space<vmem>>
    %dma_start3A_34 = tpu.memref_squeeze %dma_start3A_33 : memref<1x125xi32, #tpu.memory_space<vmem>> -> memref<125xi32, #tpu.memory_space<vmem>>
    %dma_start3A_35 = arith.constant 0 : i32
    %dma_start3A_36 = arith.constant 0 : i32
    %dma_start3A_37 = tpu.memref_slice %arg19[%dma_start3A_35, %dma_start3A_36] : memref<10240x16xf32, #tpu.memory_space<vmem_shared>> -> memref<10240x16xf32, #tpu.memory_space<vmem_shared>>
    tpu.enqueue_indirect_dma source(%dma_start3A_37 : memref<10240x16xf32, #tpu.memory_space<vmem_shared>>) target(%arg12 : memref<125x16xf32, #tpu.memory_space<vmem>>) offsets(%dma_start3A_34 : memref<125xi32, #tpu.memory_space<vmem>>) semaphore(%arg24 : memref<!tpu.dma_semaphore, #tpu.memory_space<semaphore_mem>>)
    %scan3A = arith.constant 0 : i32
    %scan3A_38 = arith.constant 0 : i32
    %scan3A_39 = arith.constant 8 : i32
    %scan3A_40 = arith.addi %scan3A_38, %scan3A_39 : i32
    %scan3A_41 = arith.constant 1 : i32
    scf.for %scan3A_113 = %scan3A_38 to %scan3A_40 step %scan3A_41  : i32 {
      %mul3A_114 = arith.constant 10 : i32
      %mul3A_115 = arith.muli %mul3A_114, %scan3A_113 : i32
      %add3A_116 = arith.constant 0 : i32
      %add3A_117 = arith.addi %mul3A_115, %add3A_116 : i32
      %dma_wait3A_118 = arith.constant 0 : i32
      %dma_wait3A_119 = tpu.memref_slice %arg6[%add3A_117, %dma_wait3A_118] : memref<80x125xi32, #tpu.memory_space<vmem>> -> memref<1x125xi32, #tpu.memory_space<vmem>>
      %dma_wait3A_120 = tpu.memref_squeeze %dma_wait3A_119 : memref<1x125xi32, #tpu.memory_space<vmem>> -> memref<125xi32, #tpu.memory_space<vmem>>
      %dma_wait3A_121 = arith.constant 0 : i32
      %dma_wait3A_122 = arith.constant 0 : i32
      %dma_wait3A_123 = tpu.memref_slice %arg19[%dma_wait3A_121, %dma_wait3A_122] : memref<10240x16xf32, #tpu.memory_space<vmem_shared>> -> memref<10240x16xf32, #tpu.memory_space<vmem_shared>>
      tpu.wait_indirect_dma semaphore(%arg20 : memref<!tpu.dma_semaphore, #tpu.memory_space<semaphore_mem>>) src(%dma_wait3A_123 : memref<10240x16xf32, #tpu.memory_space<vmem_shared>>) dst(%arg8 : memref<125x16xf32, #tpu.memory_space<vmem>>)
      %dma_start3A_124 = arith.constant 0 : i32
      %dma_start3A_125 = tpu.memref_slice %arg7[%add3A_117, %dma_start3A_124] : memref<80x125xi32, #tpu.memory_space<vmem>> -> memref<1x125xi32, #tpu.memory_space<vmem>>
      %dma_start3A_126 = tpu.memref_squeeze %dma_start3A_125 : memref<1x125xi32, #tpu.memory_space<vmem>> -> memref<125xi32, #tpu.memory_space<vmem>>
      %dma_start3A_127 = arith.constant 0 : i32
      %dma_start3A_128 = arith.constant 0 : i32
      %dma_start3A_129 = tpu.memref_slice %arg18[%dma_start3A_127, %dma_start3A_128] : memref<10240x16xf32, #tpu.memory_space<vmem_shared>> -> memref<10240x16xf32, #tpu.memory_space<vmem_shared>>
      tpu.enqueue_indirect_dma source(%arg8 : memref<125x16xf32, #tpu.memory_space<vmem>>) target(%dma_start3A_129 : memref<10240x16xf32, #tpu.memory_space<vmem_shared>>) offsets(%dma_start3A_126 : memref<125xi32, #tpu.memory_space<vmem>>) semaphore(%arg30 : memref<!tpu.dma_semaphore, #tpu.memory_space<semaphore_mem>>) {add = true}
      %add3A_130 = arith.constant 5 : i32
      %add3A_131 = arith.addi %add3A_117, %add3A_130 : i32
      %lt3A = arith.constant 80 : i32
      %lt3A_132 = arith.cmpi slt, %add3A_131, %lt3A : i32
      %convert_element_type3A = arith.extui %lt3A_132 : i1 to i32
      %cond3A = arith.constant 0 : i32
      %cond3A_133 = arith.cmpi ne, %convert_element_type3A, %cond3A : i32
      scf.if %cond3A_133 {
        %ge3A = arith.constant 10 : i32
        %ge3A_341 = arith.cmpi sge, %add3A_131, %ge3A : i32
        %convert_element_type3A_342 = arith.extui %ge3A_341 : i1 to i32
        %cond3A_343 = arith.constant 0 : i32
        %cond3A_344 = arith.cmpi ne, %convert_element_type3A_342, %cond3A_343 : i32
        scf.if %cond3A_344 {
          %sub3A = arith.constant 10 : i32
          %sub3A_351 = arith.subi %add3A_131, %sub3A : i32
          %dma_wait3A_352 = arith.constant 0 : i32
          %dma_wait3A_353 = tpu.memref_slice %arg7[%sub3A_351, %dma_wait3A_352] : memref<80x125xi32, #tpu.memory_space<vmem>> -> memref<1x125xi32, #tpu.memory_space<vmem>>
          %dma_wait3A_354 = tpu.memref_squeeze %dma_wait3A_353 : memref<1x125xi32, #tpu.memory_space<vmem>> -> memref<125xi32, #tpu.memory_space<vmem>>
          %dma_wait3A_355 = arith.constant 0 : i32
          %dma_wait3A_356 = arith.constant 0 : i32
          %dma_wait3A_357 = tpu.memref_slice %arg18[%dma_wait3A_355, %dma_wait3A_356] : memref<10240x16xf32, #tpu.memory_space<vmem_shared>> -> memref<10240x16xf32, #tpu.memory_space<vmem_shared>>
          tpu.wait_indirect_dma semaphore(%arg35 : memref<!tpu.dma_semaphore, #tpu.memory_space<semaphore_mem>>) src(%arg13 : memref<125x16xf32, #tpu.memory_space<vmem>>) dst(%dma_wait3A_357 : memref<10240x16xf32, #tpu.memory_space<vmem_shared>>)
        } else {
        }
        %dma_start3A_345 = arith.constant 0 : i32
        %dma_start3A_346 = tpu.memref_slice %arg6[%add3A_131, %dma_start3A_345] : memref<80x125xi32, #tpu.memory_space<vmem>> -> memref<1x125xi32, #tpu.memory_space<vmem>>
        %dma_start3A_347 = tpu.memref_squeeze %dma_start3A_346 : memref<1x125xi32, #tpu.memory_space<vmem>> -> memref<125xi32, #tpu.memory_space<vmem>>
        %dma_start3A_348 = arith.constant 0 : i32
        %dma_start3A_349 = arith.constant 0 : i32
        %dma_start3A_350 = tpu.memref_slice %arg19[%dma_start3A_348, %dma_start3A_349] : memref<10240x16xf32, #tpu.memory_space<vmem_shared>> -> memref<10240x16xf32, #tpu.memory_space<vmem_shared>>
        tpu.enqueue_indirect_dma source(%dma_start3A_350 : memref<10240x16xf32, #tpu.memory_space<vmem_shared>>) target(%arg13 : memref<125x16xf32, #tpu.memory_space<vmem>>) offsets(%dma_start3A_347 : memref<125xi32, #tpu.memory_space<vmem>>) semaphore(%arg25 : memref<!tpu.dma_semaphore, #tpu.memory_space<semaphore_mem>>)
      } else {
      }
      %mul3A_134 = arith.constant 10 : i32
      %mul3A_135 = arith.muli %mul3A_134, %scan3A_113 : i32
      %add3A_136 = arith.constant 1 : i32
      %add3A_137 = arith.addi %mul3A_135, %add3A_136 : i32
      %dma_wait3A_138 = arith.constant 0 : i32
      %dma_wait3A_139 = tpu.memref_slice %arg6[%add3A_137, %dma_wait3A_138] : memref<80x125xi32, #tpu.memory_space<vmem>> -> memref<1x125xi32, #tpu.memory_space<vmem>>
      %dma_wait3A_140 = tpu.memref_squeeze %dma_wait3A_139 : memref<1x125xi32, #tpu.memory_space<vmem>> -> memref<125xi32, #tpu.memory_space<vmem>>
      %dma_wait3A_141 = arith.constant 0 : i32
      %dma_wait3A_142 = arith.constant 0 : i32
      %dma_wait3A_143 = tpu.memref_slice %arg19[%dma_wait3A_141, %dma_wait3A_142] : memref<10240x16xf32, #tpu.memory_space<vmem_shared>> -> memref<10240x16xf32, #tpu.memory_space<vmem_shared>>
      tpu.wait_indirect_dma semaphore(%arg21 : memref<!tpu.dma_semaphore, #tpu.memory_space<semaphore_mem>>) src(%dma_wait3A_143 : memref<10240x16xf32, #tpu.memory_space<vmem_shared>>) dst(%arg9 : memref<125x16xf32, #tpu.memory_space<vmem>>)
      %dma_start3A_144 = arith.constant 0 : i32
      %dma_start3A_145 = tpu.memref_slice %arg7[%add3A_137, %dma_start3A_144] : memref<80x125xi32, #tpu.memory_space<vmem>> -> memref<1x125xi32, #tpu.memory_space<vmem>>
      %dma_start3A_146 = tpu.memref_squeeze %dma_start3A_145 : memref<1x125xi32, #tpu.memory_space<vmem>> -> memref<125xi32, #tpu.memory_space<vmem>>
      %dma_start3A_147 = arith.constant 0 : i32
      %dma_start3A_148 = arith.constant 0 : i32
      %dma_start3A_149 = tpu.memref_slice %arg18[%dma_start3A_147, %dma_start3A_148] : memref<10240x16xf32, #tpu.memory_space<vmem_shared>> -> memref<10240x16xf32, #tpu.memory_space<vmem_shared>>
      tpu.enqueue_indirect_dma source(%arg9 : memref<125x16xf32, #tpu.memory_space<vmem>>) target(%dma_start3A_149 : memref<10240x16xf32, #tpu.memory_space<vmem_shared>>) offsets(%dma_start3A_146 : memref<125xi32, #tpu.memory_space<vmem>>) semaphore(%arg31 : memref<!tpu.dma_semaphore, #tpu.memory_space<semaphore_mem>>) {add = true}
      %add3A_150 = arith.constant 5 : i32
      %add3A_151 = arith.addi %add3A_137, %add3A_150 : i32
      %lt3A_152 = arith.constant 80 : i32
      %lt3A_153 = arith.cmpi slt, %add3A_151, %lt3A_152 : i32
      %convert_element_type3A_154 = arith.extui %lt3A_153 : i1 to i32
      %cond3A_155 = arith.constant 0 : i32
      %cond3A_156 = arith.cmpi ne, %convert_element_type3A_154, %cond3A_155 : i32
      scf.if %cond3A_156 {
        %ge3A = arith.constant 10 : i32
        %ge3A_341 = arith.cmpi sge, %add3A_151, %ge3A : i32
        %convert_element_type3A_342 = arith.extui %ge3A_341 : i1 to i32
        %cond3A_343 = arith.constant 0 : i32
        %cond3A_344 = arith.cmpi ne, %convert_element_type3A_342, %cond3A_343 : i32
        scf.if %cond3A_344 {
          %sub3A = arith.constant 10 : i32
          %sub3A_351 = arith.subi %add3A_151, %sub3A : i32
          %dma_wait3A_352 = arith.constant 0 : i32
          %dma_wait3A_353 = tpu.memref_slice %arg7[%sub3A_351, %dma_wait3A_352] : memref<80x125xi32, #tpu.memory_space<vmem>> -> memref<1x125xi32, #tpu.memory_space<vmem>>
          %dma_wait3A_354 = tpu.memref_squeeze %dma_wait3A_353 : memref<1x125xi32, #tpu.memory_space<vmem>> -> memref<125xi32, #tpu.memory_space<vmem>>
          %dma_wait3A_355 = arith.constant 0 : i32
          %dma_wait3A_356 = arith.constant 0 : i32
          %dma_wait3A_357 = tpu.memref_slice %arg18[%dma_wait3A_355, %dma_wait3A_356] : memref<10240x16xf32, #tpu.memory_space<vmem_shared>> -> memref<10240x16xf32, #tpu.memory_space<vmem_shared>>
          tpu.wait_indirect_dma semaphore(%arg36 : memref<!tpu.dma_semaphore, #tpu.memory_space<semaphore_mem>>) src(%arg14 : memref<125x16xf32, #tpu.memory_space<vmem>>) dst(%dma_wait3A_357 : memref<10240x16xf32, #tpu.memory_space<vmem_shared>>)
        } else {
        }
        %dma_start3A_345 = arith.constant 0 : i32
        %dma_start3A_346 = tpu.memref_slice %arg6[%add3A_151, %dma_start3A_345] : memref<80x125xi32, #tpu.memory_space<vmem>> -> memref<1x125xi32, #tpu.memory_space<vmem>>
        %dma_start3A_347 = tpu.memref_squeeze %dma_start3A_346 : memref<1x125xi32, #tpu.memory_space<vmem>> -> memref<125xi32, #tpu.memory_space<vmem>>
        %dma_start3A_348 = arith.constant 0 : i32
        %dma_start3A_349 = arith.constant 0 : i32
        %dma_start3A_350 = tpu.memref_slice %arg19[%dma_start3A_348, %dma_start3A_349] : memref<10240x16xf32, #tpu.memory_space<vmem_shared>> -> memref<10240x16xf32, #tpu.memory_space<vmem_shared>>
        tpu.enqueue_indirect_dma source(%dma_start3A_350 : memref<10240x16xf32, #tpu.memory_space<vmem_shared>>) target(%arg14 : memref<125x16xf32, #tpu.memory_space<vmem>>) offsets(%dma_start3A_347 : memref<125xi32, #tpu.memory_space<vmem>>) semaphore(%arg26 : memref<!tpu.dma_semaphore, #tpu.memory_space<semaphore_mem>>)
      } else {
      }
      %mul3A_157 = arith.constant 10 : i32
      %mul3A_158 = arith.muli %mul3A_157, %scan3A_113 : i32
      %add3A_159 = arith.constant 2 : i32
      %add3A_160 = arith.addi %mul3A_158, %add3A_159 : i32
      %dma_wait3A_161 = arith.constant 0 : i32
      %dma_wait3A_162 = tpu.memref_slice %arg6[%add3A_160, %dma_wait3A_161] : memref<80x125xi32, #tpu.memory_space<vmem>> -> memref<1x125xi32, #tpu.memory_space<vmem>>
      %dma_wait3A_163 = tpu.memref_squeeze %dma_wait3A_162 : memref<1x125xi32, #tpu.memory_space<vmem>> -> memref<125xi32, #tpu.memory_space<vmem>>
      %dma_wait3A_164 = arith.constant 0 : i32
      %dma_wait3A_165 = arith.constant 0 : i32
      %dma_wait3A_166 = tpu.memref_slice %arg19[%dma_wait3A_164, %dma_wait3A_165] : memref<10240x16xf32, #tpu.memory_space<vmem_shared>> -> memref<10240x16xf32, #tpu.memory_space<vmem_shared>>
      tpu.wait_indirect_dma semaphore(%arg22 : memref<!tpu.dma_semaphore, #tpu.memory_space<semaphore_mem>>) src(%dma_wait3A_166 : memref<10240x16xf32, #tpu.memory_space<vmem_shared>>) dst(%arg10 : memref<125x16xf32, #tpu.memory_space<vmem>>)
      %dma_start3A_167 = arith.constant 0 : i32
      %dma_start3A_168 = tpu.memref_slice %arg7[%add3A_160, %dma_start3A_167] : memref<80x125xi32, #tpu.memory_space<vmem>> -> memref<1x125xi32, #tpu.memory_space<vmem>>
      %dma_start3A_169 = tpu.memref_squeeze %dma_start3A_168 : memref<1x125xi32, #tpu.memory_space<vmem>> -> memref<125xi32, #tpu.memory_space<vmem>>
      %dma_start3A_170 = arith.constant 0 : i32
      %dma_start3A_171 = arith.constant 0 : i32
      %dma_start3A_172 = tpu.memref_slice %arg18[%dma_start3A_170, %dma_start3A_171] : memref<10240x16xf32, #tpu.memory_space<vmem_shared>> -> memref<10240x16xf32, #tpu.memory_space<vmem_shared>>
      tpu.enqueue_indirect_dma source(%arg10 : memref<125x16xf32, #tpu.memory_space<vmem>>) target(%dma_start3A_172 : memref<10240x16xf32, #tpu.memory_space<vmem_shared>>) offsets(%dma_start3A_169 : memref<125xi32, #tpu.memory_space<vmem>>) semaphore(%arg32 : memref<!tpu.dma_semaphore, #tpu.memory_space<semaphore_mem>>) {add = true}
      %add3A_173 = arith.constant 5 : i32
      %add3A_174 = arith.addi %add3A_160, %add3A_173 : i32
      %lt3A_175 = arith.constant 80 : i32
      %lt3A_176 = arith.cmpi slt, %add3A_174, %lt3A_175 : i32
      %convert_element_type3A_177 = arith.extui %lt3A_176 : i1 to i32
      %cond3A_178 = arith.constant 0 : i32
      %cond3A_179 = arith.cmpi ne, %convert_element_type3A_177, %cond3A_178 : i32
      scf.if %cond3A_179 {
        %ge3A = arith.constant 10 : i32
        %ge3A_341 = arith.cmpi sge, %add3A_174, %ge3A : i32
        %convert_element_type3A_342 = arith.extui %ge3A_341 : i1 to i32
        %cond3A_343 = arith.constant 0 : i32
        %cond3A_344 = arith.cmpi ne, %convert_element_type3A_342, %cond3A_343 : i32
        scf.if %cond3A_344 {
          %sub3A = arith.constant 10 : i32
          %sub3A_351 = arith.subi %add3A_174, %sub3A : i32
          %dma_wait3A_352 = arith.constant 0 : i32
          %dma_wait3A_353 = tpu.memref_slice %arg7[%sub3A_351, %dma_wait3A_352] : memref<80x125xi32, #tpu.memory_space<vmem>> -> memref<1x125xi32, #tpu.memory_space<vmem>>
          %dma_wait3A_354 = tpu.memref_squeeze %dma_wait3A_353 : memref<1x125xi32, #tpu.memory_space<vmem>> -> memref<125xi32, #tpu.memory_space<vmem>>
          %dma_wait3A_355 = arith.constant 0 : i32
          %dma_wait3A_356 = arith.constant 0 : i32
          %dma_wait3A_357 = tpu.memref_slice %arg18[%dma_wait3A_355, %dma_wait3A_356] : memref<10240x16xf32, #tpu.memory_space<vmem_shared>> -> memref<10240x16xf32, #tpu.memory_space<vmem_shared>>
          tpu.wait_indirect_dma semaphore(%arg37 : memref<!tpu.dma_semaphore, #tpu.memory_space<semaphore_mem>>) src(%arg15 : memref<125x16xf32, #tpu.memory_space<vmem>>) dst(%dma_wait3A_357 : memref<10240x16xf32, #tpu.memory_space<vmem_shared>>)
        } else {
        }
        %dma_start3A_345 = arith.constant 0 : i32
        %dma_start3A_346 = tpu.memref_slice %arg6[%add3A_174, %dma_start3A_345] : memref<80x125xi32, #tpu.memory_space<vmem>> -> memref<1x125xi32, #tpu.memory_space<vmem>>
        %dma_start3A_347 = tpu.memref_squeeze %dma_start3A_346 : memref<1x125xi32, #tpu.memory_space<vmem>> -> memref<125xi32, #tpu.memory_space<vmem>>
        %dma_start3A_348 = arith.constant 0 : i32
        %dma_start3A_349 = arith.constant 0 : i32
        %dma_start3A_350 = tpu.memref_slice %arg19[%dma_start3A_348, %dma_start3A_349] : memref<10240x16xf32, #tpu.memory_space<vmem_shared>> -> memref<10240x16xf32, #tpu.memory_space<vmem_shared>>
        tpu.enqueue_indirect_dma source(%dma_start3A_350 : memref<10240x16xf32, #tpu.memory_space<vmem_shared>>) target(%arg15 : memref<125x16xf32, #tpu.memory_space<vmem>>) offsets(%dma_start3A_347 : memref<125xi32, #tpu.memory_space<vmem>>) semaphore(%arg27 : memref<!tpu.dma_semaphore, #tpu.memory_space<semaphore_mem>>)
      } else {
      }
      %mul3A_180 = arith.constant 10 : i32
      %mul3A_181 = arith.muli %mul3A_180, %scan3A_113 : i32
      %add3A_182 = arith.constant 3 : i32
      %add3A_183 = arith.addi %mul3A_181, %add3A_182 : i32
      %dma_wait3A_184 = arith.constant 0 : i32
      %dma_wait3A_185 = tpu.memref_slice %arg6[%add3A_183, %dma_wait3A_184] : memref<80x125xi32, #tpu.memory_space<vmem>> -> memref<1x125xi32, #tpu.memory_space<vmem>>
      %dma_wait3A_186 = tpu.memref_squeeze %dma_wait3A_185 : memref<1x125xi32, #tpu.memory_space<vmem>> -> memref<125xi32, #tpu.memory_space<vmem>>
      %dma_wait3A_187 = arith.constant 0 : i32
      %dma_wait3A_188 = arith.constant 0 : i32
      %dma_wait3A_189 = tpu.memref_slice %arg19[%dma_wait3A_187, %dma_wait3A_188] : memref<10240x16xf32, #tpu.memory_space<vmem_shared>> -> memref<10240x16xf32, #tpu.memory_space<vmem_shared>>
      tpu.wait_indirect_dma semaphore(%arg23 : memref<!tpu.dma_semaphore, #tpu.memory_space<semaphore_mem>>) src(%dma_wait3A_189 : memref<10240x16xf32, #tpu.memory_space<vmem_shared>>) dst(%arg11 : memref<125x16xf32, #tpu.memory_space<vmem>>)
      %dma_start3A_190 = arith.constant 0 : i32
      %dma_start3A_191 = tpu.memref_slice %arg7[%add3A_183, %dma_start3A_190] : memref<80x125xi32, #tpu.memory_space<vmem>> -> memref<1x125xi32, #tpu.memory_space<vmem>>
      %dma_start3A_192 = tpu.memref_squeeze %dma_start3A_191 : memref<1x125xi32, #tpu.memory_space<vmem>> -> memref<125xi32, #tpu.memory_space<vmem>>
      %dma_start3A_193 = arith.constant 0 : i32
      %dma_start3A_194 = arith.constant 0 : i32
      %dma_start3A_195 = tpu.memref_slice %arg18[%dma_start3A_193, %dma_start3A_194] : memref<10240x16xf32, #tpu.memory_space<vmem_shared>> -> memref<10240x16xf32, #tpu.memory_space<vmem_shared>>
      tpu.enqueue_indirect_dma source(%arg11 : memref<125x16xf32, #tpu.memory_space<vmem>>) target(%dma_start3A_195 : memref<10240x16xf32, #tpu.memory_space<vmem_shared>>) offsets(%dma_start3A_192 : memref<125xi32, #tpu.memory_space<vmem>>) semaphore(%arg33 : memref<!tpu.dma_semaphore, #tpu.memory_space<semaphore_mem>>) {add = true}
      %add3A_196 = arith.constant 5 : i32
      %add3A_197 = arith.addi %add3A_183, %add3A_196 : i32
      %lt3A_198 = arith.constant 80 : i32
      %lt3A_199 = arith.cmpi slt, %add3A_197, %lt3A_198 : i32
      %convert_element_type3A_200 = arith.extui %lt3A_199 : i1 to i32
      %cond3A_201 = arith.constant 0 : i32
      %cond3A_202 = arith.cmpi ne, %convert_element_type3A_200, %cond3A_201 : i32
      scf.if %cond3A_202 {
        %ge3A = arith.constant 10 : i32
        %ge3A_341 = arith.cmpi sge, %add3A_197, %ge3A : i32
        %convert_element_type3A_342 = arith.extui %ge3A_341 : i1 to i32
        %cond3A_343 = arith.constant 0 : i32
        %cond3A_344 = arith.cmpi ne, %convert_element_type3A_342, %cond3A_343 : i32
        scf.if %cond3A_344 {
          %sub3A = arith.constant 10 : i32
          %sub3A_351 = arith.subi %add3A_197, %sub3A : i32
          %dma_wait3A_352 = arith.constant 0 : i32
          %dma_wait3A_353 = tpu.memref_slice %arg7[%sub3A_351, %dma_wait3A_352] : memref<80x125xi32, #tpu.memory_space<vmem>> -> memref<1x125xi32, #tpu.memory_space<vmem>>
          %dma_wait3A_354 = tpu.memref_squeeze %dma_wait3A_353 : memref<1x125xi32, #tpu.memory_space<vmem>> -> memref<125xi32, #tpu.memory_space<vmem>>
          %dma_wait3A_355 = arith.constant 0 : i32
          %dma_wait3A_356 = arith.constant 0 : i32
          %dma_wait3A_357 = tpu.memref_slice %arg18[%dma_wait3A_355, %dma_wait3A_356] : memref<10240x16xf32, #tpu.memory_space<vmem_shared>> -> memref<10240x16xf32, #tpu.memory_space<vmem_shared>>
          tpu.wait_indirect_dma semaphore(%arg38 : memref<!tpu.dma_semaphore, #tpu.memory_space<semaphore_mem>>) src(%arg16 : memref<125x16xf32, #tpu.memory_space<vmem>>) dst(%dma_wait3A_357 : memref<10240x16xf32, #tpu.memory_space<vmem_shared>>)
        } else {
        }
        %dma_start3A_345 = arith.constant 0 : i32
        %dma_start3A_346 = tpu.memref_slice %arg6[%add3A_197, %dma_start3A_345] : memref<80x125xi32, #tpu.memory_space<vmem>> -> memref<1x125xi32, #tpu.memory_space<vmem>>
        %dma_start3A_347 = tpu.memref_squeeze %dma_start3A_346 : memref<1x125xi32, #tpu.memory_space<vmem>> -> memref<125xi32, #tpu.memory_space<vmem>>
        %dma_start3A_348 = arith.constant 0 : i32
        %dma_start3A_349 = arith.constant 0 : i32
        %dma_start3A_350 = tpu.memref_slice %arg19[%dma_start3A_348, %dma_start3A_349] : memref<10240x16xf32, #tpu.memory_space<vmem_shared>> -> memref<10240x16xf32, #tpu.memory_space<vmem_shared>>
        tpu.enqueue_indirect_dma source(%dma_start3A_350 : memref<10240x16xf32, #tpu.memory_space<vmem_shared>>) target(%arg16 : memref<125x16xf32, #tpu.memory_space<vmem>>) offsets(%dma_start3A_347 : memref<125xi32, #tpu.memory_space<vmem>>) semaphore(%arg28 : memref<!tpu.dma_semaphore, #tpu.memory_space<semaphore_mem>>)
      } else {
      }
      %mul3A_203 = arith.constant 10 : i32
      %mul3A_204 = arith.muli %mul3A_203, %scan3A_113 : i32
      %add3A_205 = arith.constant 4 : i32
      %add3A_206 = arith.addi %mul3A_204, %add3A_205 : i32
      %dma_wait3A_207 = arith.constant 0 : i32
      %dma_wait3A_208 = tpu.memref_slice %arg6[%add3A_206, %dma_wait3A_207] : memref<80x125xi32, #tpu.memory_space<vmem>> -> memref<1x125xi32, #tpu.memory_space<vmem>>
      %dma_wait3A_209 = tpu.memref_squeeze %dma_wait3A_208 : memref<1x125xi32, #tpu.memory_space<vmem>> -> memref<125xi32, #tpu.memory_space<vmem>>
      %dma_wait3A_210 = arith.constant 0 : i32
      %dma_wait3A_211 = arith.constant 0 : i32
      %dma_wait3A_212 = tpu.memref_slice %arg19[%dma_wait3A_210, %dma_wait3A_211] : memref<10240x16xf32, #tpu.memory_space<vmem_shared>> -> memref<10240x16xf32, #tpu.memory_space<vmem_shared>>
      tpu.wait_indirect_dma semaphore(%arg24 : memref<!tpu.dma_semaphore, #tpu.memory_space<semaphore_mem>>) src(%dma_wait3A_212 : memref<10240x16xf32, #tpu.memory_space<vmem_shared>>) dst(%arg12 : memref<125x16xf32, #tpu.memory_space<vmem>>)
      %dma_start3A_213 = arith.constant 0 : i32
      %dma_start3A_214 = tpu.memref_slice %arg7[%add3A_206, %dma_start3A_213] : memref<80x125xi32, #tpu.memory_space<vmem>> -> memref<1x125xi32, #tpu.memory_space<vmem>>
      %dma_start3A_215 = tpu.memref_squeeze %dma_start3A_214 : memref<1x125xi32, #tpu.memory_space<vmem>> -> memref<125xi32, #tpu.memory_space<vmem>>
      %dma_start3A_216 = arith.constant 0 : i32
      %dma_start3A_217 = arith.constant 0 : i32
      %dma_start3A_218 = tpu.memref_slice %arg18[%dma_start3A_216, %dma_start3A_217] : memref<10240x16xf32, #tpu.memory_space<vmem_shared>> -> memref<10240x16xf32, #tpu.memory_space<vmem_shared>>
      tpu.enqueue_indirect_dma source(%arg12 : memref<125x16xf32, #tpu.memory_space<vmem>>) target(%dma_start3A_218 : memref<10240x16xf32, #tpu.memory_space<vmem_shared>>) offsets(%dma_start3A_215 : memref<125xi32, #tpu.memory_space<vmem>>) semaphore(%arg34 : memref<!tpu.dma_semaphore, #tpu.memory_space<semaphore_mem>>) {add = true}
      %add3A_219 = arith.constant 5 : i32
      %add3A_220 = arith.addi %add3A_206, %add3A_219 : i32
      %lt3A_221 = arith.constant 80 : i32
      %lt3A_222 = arith.cmpi slt, %add3A_220, %lt3A_221 : i32
      %convert_element_type3A_223 = arith.extui %lt3A_222 : i1 to i32
      %cond3A_224 = arith.constant 0 : i32
      %cond3A_225 = arith.cmpi ne, %convert_element_type3A_223, %cond3A_224 : i32
      scf.if %cond3A_225 {
        %ge3A = arith.constant 10 : i32
        %ge3A_341 = arith.cmpi sge, %add3A_220, %ge3A : i32
        %convert_element_type3A_342 = arith.extui %ge3A_341 : i1 to i32
        %cond3A_343 = arith.constant 0 : i32
        %cond3A_344 = arith.cmpi ne, %convert_element_type3A_342, %cond3A_343 : i32
        scf.if %cond3A_344 {
          %sub3A = arith.constant 10 : i32
          %sub3A_351 = arith.subi %add3A_220, %sub3A : i32
          %dma_wait3A_352 = arith.constant 0 : i32
          %dma_wait3A_353 = tpu.memref_slice %arg7[%sub3A_351, %dma_wait3A_352] : memref<80x125xi32, #tpu.memory_space<vmem>> -> memref<1x125xi32, #tpu.memory_space<vmem>>
          %dma_wait3A_354 = tpu.memref_squeeze %dma_wait3A_353 : memref<1x125xi32, #tpu.memory_space<vmem>> -> memref<125xi32, #tpu.memory_space<vmem>>
          %dma_wait3A_355 = arith.constant 0 : i32
          %dma_wait3A_356 = arith.constant 0 : i32
          %dma_wait3A_357 = tpu.memref_slice %arg18[%dma_wait3A_355, %dma_wait3A_356] : memref<10240x16xf32, #tpu.memory_space<vmem_shared>> -> memref<10240x16xf32, #tpu.memory_space<vmem_shared>>
          tpu.wait_indirect_dma semaphore(%arg39 : memref<!tpu.dma_semaphore, #tpu.memory_space<semaphore_mem>>) src(%arg17 : memref<125x16xf32, #tpu.memory_space<vmem>>) dst(%dma_wait3A_357 : memref<10240x16xf32, #tpu.memory_space<vmem_shared>>)
        } else {
        }
        %dma_start3A_345 = arith.constant 0 : i32
        %dma_start3A_346 = tpu.memref_slice %arg6[%add3A_220, %dma_start3A_345] : memref<80x125xi32, #tpu.memory_space<vmem>> -> memref<1x125xi32, #tpu.memory_space<vmem>>
        %dma_start3A_347 = tpu.memref_squeeze %dma_start3A_346 : memref<1x125xi32, #tpu.memory_space<vmem>> -> memref<125xi32, #tpu.memory_space<vmem>>
        %dma_start3A_348 = arith.constant 0 : i32
        %dma_start3A_349 = arith.constant 0 : i32
        %dma_start3A_350 = tpu.memref_slice %arg19[%dma_start3A_348, %dma_start3A_349] : memref<10240x16xf32, #tpu.memory_space<vmem_shared>> -> memref<10240x16xf32, #tpu.memory_space<vmem_shared>>
        tpu.enqueue_indirect_dma source(%dma_start3A_350 : memref<10240x16xf32, #tpu.memory_space<vmem_shared>>) target(%arg17 : memref<125x16xf32, #tpu.memory_space<vmem>>) offsets(%dma_start3A_347 : memref<125xi32, #tpu.memory_space<vmem>>) semaphore(%arg29 : memref<!tpu.dma_semaphore, #tpu.memory_space<semaphore_mem>>)
      } else {
      }
      %mul3A_226 = arith.constant 10 : i32
      %mul3A_227 = arith.muli %mul3A_226, %scan3A_113 : i32
      %add3A_228 = arith.constant 5 : i32
      %add3A_229 = arith.addi %mul3A_227, %add3A_228 : i32
      %dma_wait3A_230 = arith.constant 0 : i32
      %dma_wait3A_231 = tpu.memref_slice %arg6[%add3A_229, %dma_wait3A_230] : memref<80x125xi32, #tpu.memory_space<vmem>> -> memref<1x125xi32, #tpu.memory_space<vmem>>
      %dma_wait3A_232 = tpu.memref_squeeze %dma_wait3A_231 : memref<1x125xi32, #tpu.memory_space<vmem>> -> memref<125xi32, #tpu.memory_space<vmem>>
      %dma_wait3A_233 = arith.constant 0 : i32
      %dma_wait3A_234 = arith.constant 0 : i32
      %dma_wait3A_235 = tpu.memref_slice %arg19[%dma_wait3A_233, %dma_wait3A_234] : memref<10240x16xf32, #tpu.memory_space<vmem_shared>> -> memref<10240x16xf32, #tpu.memory_space<vmem_shared>>
      tpu.wait_indirect_dma semaphore(%arg25 : memref<!tpu.dma_semaphore, #tpu.memory_space<semaphore_mem>>) src(%dma_wait3A_235 : memref<10240x16xf32, #tpu.memory_space<vmem_shared>>) dst(%arg13 : memref<125x16xf32, #tpu.memory_space<vmem>>)
      %dma_start3A_236 = arith.constant 0 : i32
      %dma_start3A_237 = tpu.memref_slice %arg7[%add3A_229, %dma_start3A_236] : memref<80x125xi32, #tpu.memory_space<vmem>> -> memref<1x125xi32, #tpu.memory_space<vmem>>
      %dma_start3A_238 = tpu.memref_squeeze %dma_start3A_237 : memref<1x125xi32, #tpu.memory_space<vmem>> -> memref<125xi32, #tpu.memory_space<vmem>>
      %dma_start3A_239 = arith.constant 0 : i32
      %dma_start3A_240 = arith.constant 0 : i32
      %dma_start3A_241 = tpu.memref_slice %arg18[%dma_start3A_239, %dma_start3A_240] : memref<10240x16xf32, #tpu.memory_space<vmem_shared>> -> memref<10240x16xf32, #tpu.memory_space<vmem_shared>>
      tpu.enqueue_indirect_dma source(%arg13 : memref<125x16xf32, #tpu.memory_space<vmem>>) target(%dma_start3A_241 : memref<10240x16xf32, #tpu.memory_space<vmem_shared>>) offsets(%dma_start3A_238 : memref<125xi32, #tpu.memory_space<vmem>>) semaphore(%arg35 : memref<!tpu.dma_semaphore, #tpu.memory_space<semaphore_mem>>) {add = true}
      %add3A_242 = arith.constant 5 : i32
      %add3A_243 = arith.addi %add3A_229, %add3A_242 : i32
      %lt3A_244 = arith.constant 80 : i32
      %lt3A_245 = arith.cmpi slt, %add3A_243, %lt3A_244 : i32
      %convert_element_type3A_246 = arith.extui %lt3A_245 : i1 to i32
      %cond3A_247 = arith.constant 0 : i32
      %cond3A_248 = arith.cmpi ne, %convert_element_type3A_246, %cond3A_247 : i32
      scf.if %cond3A_248 {
        %ge3A = arith.constant 10 : i32
        %ge3A_341 = arith.cmpi sge, %add3A_243, %ge3A : i32
        %convert_element_type3A_342 = arith.extui %ge3A_341 : i1 to i32
        %cond3A_343 = arith.constant 0 : i32
        %cond3A_344 = arith.cmpi ne, %convert_element_type3A_342, %cond3A_343 : i32
        scf.if %cond3A_344 {
          %sub3A = arith.constant 10 : i32
          %sub3A_351 = arith.subi %add3A_243, %sub3A : i32
          %dma_wait3A_352 = arith.constant 0 : i32
          %dma_wait3A_353 = tpu.memref_slice %arg7[%sub3A_351, %dma_wait3A_352] : memref<80x125xi32, #tpu.memory_space<vmem>> -> memref<1x125xi32, #tpu.memory_space<vmem>>
          %dma_wait3A_354 = tpu.memref_squeeze %dma_wait3A_353 : memref<1x125xi32, #tpu.memory_space<vmem>> -> memref<125xi32, #tpu.memory_space<vmem>>
          %dma_wait3A_355 = arith.constant 0 : i32
          %dma_wait3A_356 = arith.constant 0 : i32
          %dma_wait3A_357 = tpu.memref_slice %arg18[%dma_wait3A_355, %dma_wait3A_356] : memref<10240x16xf32, #tpu.memory_space<vmem_shared>> -> memref<10240x16xf32, #tpu.memory_space<vmem_shared>>
          tpu.wait_indirect_dma semaphore(%arg30 : memref<!tpu.dma_semaphore, #tpu.memory_space<semaphore_mem>>) src(%arg8 : memref<125x16xf32, #tpu.memory_space<vmem>>) dst(%dma_wait3A_357 : memref<10240x16xf32, #tpu.memory_space<vmem_shared>>)
        } else {
        }
        %dma_start3A_345 = arith.constant 0 : i32
        %dma_start3A_346 = tpu.memref_slice %arg6[%add3A_243, %dma_start3A_345] : memref<80x125xi32, #tpu.memory_space<vmem>> -> memref<1x125xi32, #tpu.memory_space<vmem>>
        %dma_start3A_347 = tpu.memref_squeeze %dma_start3A_346 : memref<1x125xi32, #tpu.memory_space<vmem>> -> memref<125xi32, #tpu.memory_space<vmem>>
        %dma_start3A_348 = arith.constant 0 : i32
        %dma_start3A_349 = arith.constant 0 : i32
        %dma_start3A_350 = tpu.memref_slice %arg19[%dma_start3A_348, %dma_start3A_349] : memref<10240x16xf32, #tpu.memory_space<vmem_shared>> -> memref<10240x16xf32, #tpu.memory_space<vmem_shared>>
        tpu.enqueue_indirect_dma source(%dma_start3A_350 : memref<10240x16xf32, #tpu.memory_space<vmem_shared>>) target(%arg8 : memref<125x16xf32, #tpu.memory_space<vmem>>) offsets(%dma_start3A_347 : memref<125xi32, #tpu.memory_space<vmem>>) semaphore(%arg20 : memref<!tpu.dma_semaphore, #tpu.memory_space<semaphore_mem>>)
      } else {
      }
      %mul3A_249 = arith.constant 10 : i32
      %mul3A_250 = arith.muli %mul3A_249, %scan3A_113 : i32
      %add3A_251 = arith.constant 6 : i32
      %add3A_252 = arith.addi %mul3A_250, %add3A_251 : i32
      %dma_wait3A_253 = arith.constant 0 : i32
      %dma_wait3A_254 = tpu.memref_slice %arg6[%add3A_252, %dma_wait3A_253] : memref<80x125xi32, #tpu.memory_space<vmem>> -> memref<1x125xi32, #tpu.memory_space<vmem>>
      %dma_wait3A_255 = tpu.memref_squeeze %dma_wait3A_254 : memref<1x125xi32, #tpu.memory_space<vmem>> -> memref<125xi32, #tpu.memory_space<vmem>>
      %dma_wait3A_256 = arith.constant 0 : i32
      %dma_wait3A_257 = arith.constant 0 : i32
      %dma_wait3A_258 = tpu.memref_slice %arg19[%dma_wait3A_256, %dma_wait3A_257] : memref<10240x16xf32, #tpu.memory_space<vmem_shared>> -> memref<10240x16xf32, #tpu.memory_space<vmem_shared>>
      tpu.wait_indirect_dma semaphore(%arg26 : memref<!tpu.dma_semaphore, #tpu.memory_space<semaphore_mem>>) src(%dma_wait3A_258 : memref<10240x16xf32, #tpu.memory_space<vmem_shared>>) dst(%arg14 : memref<125x16xf32, #tpu.memory_space<vmem>>)
      %dma_start3A_259 = arith.constant 0 : i32
      %dma_start3A_260 = tpu.memref_slice %arg7[%add3A_252, %dma_start3A_259] : memref<80x125xi32, #tpu.memory_space<vmem>> -> memref<1x125xi32, #tpu.memory_space<vmem>>
      %dma_start3A_261 = tpu.memref_squeeze %dma_start3A_260 : memref<1x125xi32, #tpu.memory_space<vmem>> -> memref<125xi32, #tpu.memory_space<vmem>>
      %dma_start3A_262 = arith.constant 0 : i32
      %dma_start3A_263 = arith.constant 0 : i32
      %dma_start3A_264 = tpu.memref_slice %arg18[%dma_start3A_262, %dma_start3A_263] : memref<10240x16xf32, #tpu.memory_space<vmem_shared>> -> memref<10240x16xf32, #tpu.memory_space<vmem_shared>>
      tpu.enqueue_indirect_dma source(%arg14 : memref<125x16xf32, #tpu.memory_space<vmem>>) target(%dma_start3A_264 : memref<10240x16xf32, #tpu.memory_space<vmem_shared>>) offsets(%dma_start3A_261 : memref<125xi32, #tpu.memory_space<vmem>>) semaphore(%arg36 : memref<!tpu.dma_semaphore, #tpu.memory_space<semaphore_mem>>) {add = true}
      %add3A_265 = arith.constant 5 : i32
      %add3A_266 = arith.addi %add3A_252, %add3A_265 : i32
      %lt3A_267 = arith.constant 80 : i32
      %lt3A_268 = arith.cmpi slt, %add3A_266, %lt3A_267 : i32
      %convert_element_type3A_269 = arith.extui %lt3A_268 : i1 to i32
      %cond3A_270 = arith.constant 0 : i32
      %cond3A_271 = arith.cmpi ne, %convert_element_type3A_269, %cond3A_270 : i32
      scf.if %cond3A_271 {
        %ge3A = arith.constant 10 : i32
        %ge3A_341 = arith.cmpi sge, %add3A_266, %ge3A : i32
        %convert_element_type3A_342 = arith.extui %ge3A_341 : i1 to i32
        %cond3A_343 = arith.constant 0 : i32
        %cond3A_344 = arith.cmpi ne, %convert_element_type3A_342, %cond3A_343 : i32
        scf.if %cond3A_344 {
          %sub3A = arith.constant 10 : i32
          %sub3A_351 = arith.subi %add3A_266, %sub3A : i32
          %dma_wait3A_352 = arith.constant 0 : i32
          %dma_wait3A_353 = tpu.memref_slice %arg7[%sub3A_351, %dma_wait3A_352] : memref<80x125xi32, #tpu.memory_space<vmem>> -> memref<1x125xi32, #tpu.memory_space<vmem>>
          %dma_wait3A_354 = tpu.memref_squeeze %dma_wait3A_353 : memref<1x125xi32, #tpu.memory_space<vmem>> -> memref<125xi32, #tpu.memory_space<vmem>>
          %dma_wait3A_355 = arith.constant 0 : i32
          %dma_wait3A_356 = arith.constant 0 : i32
          %dma_wait3A_357 = tpu.memref_slice %arg18[%dma_wait3A_355, %dma_wait3A_356] : memref<10240x16xf32, #tpu.memory_space<vmem_shared>> -> memref<10240x16xf32, #tpu.memory_space<vmem_shared>>
          tpu.wait_indirect_dma semaphore(%arg31 : memref<!tpu.dma_semaphore, #tpu.memory_space<semaphore_mem>>) src(%arg9 : memref<125x16xf32, #tpu.memory_space<vmem>>) dst(%dma_wait3A_357 : memref<10240x16xf32, #tpu.memory_space<vmem_shared>>)
        } else {
        }
        %dma_start3A_345 = arith.constant 0 : i32
        %dma_start3A_346 = tpu.memref_slice %arg6[%add3A_266, %dma_start3A_345] : memref<80x125xi32, #tpu.memory_space<vmem>> -> memref<1x125xi32, #tpu.memory_space<vmem>>
        %dma_start3A_347 = tpu.memref_squeeze %dma_start3A_346 : memref<1x125xi32, #tpu.memory_space<vmem>> -> memref<125xi32, #tpu.memory_space<vmem>>
        %dma_start3A_348 = arith.constant 0 : i32
        %dma_start3A_349 = arith.constant 0 : i32
        %dma_start3A_350 = tpu.memref_slice %arg19[%dma_start3A_348, %dma_start3A_349] : memref<10240x16xf32, #tpu.memory_space<vmem_shared>> -> memref<10240x16xf32, #tpu.memory_space<vmem_shared>>
        tpu.enqueue_indirect_dma source(%dma_start3A_350 : memref<10240x16xf32, #tpu.memory_space<vmem_shared>>) target(%arg9 : memref<125x16xf32, #tpu.memory_space<vmem>>) offsets(%dma_start3A_347 : memref<125xi32, #tpu.memory_space<vmem>>) semaphore(%arg21 : memref<!tpu.dma_semaphore, #tpu.memory_space<semaphore_mem>>)
      } else {
      }
      %mul3A_272 = arith.constant 10 : i32
      %mul3A_273 = arith.muli %mul3A_272, %scan3A_113 : i32
      %add3A_274 = arith.constant 7 : i32
      %add3A_275 = arith.addi %mul3A_273, %add3A_274 : i32
      %dma_wait3A_276 = arith.constant 0 : i32
      %dma_wait3A_277 = tpu.memref_slice %arg6[%add3A_275, %dma_wait3A_276] : memref<80x125xi32, #tpu.memory_space<vmem>> -> memref<1x125xi32, #tpu.memory_space<vmem>>
      %dma_wait3A_278 = tpu.memref_squeeze %dma_wait3A_277 : memref<1x125xi32, #tpu.memory_space<vmem>> -> memref<125xi32, #tpu.memory_space<vmem>>
      %dma_wait3A_279 = arith.constant 0 : i32
      %dma_wait3A_280 = arith.constant 0 : i32
      %dma_wait3A_281 = tpu.memref_slice %arg19[%dma_wait3A_279, %dma_wait3A_280] : memref<10240x16xf32, #tpu.memory_space<vmem_shared>> -> memref<10240x16xf32, #tpu.memory_space<vmem_shared>>
      tpu.wait_indirect_dma semaphore(%arg27 : memref<!tpu.dma_semaphore, #tpu.memory_space<semaphore_mem>>) src(%dma_wait3A_281 : memref<10240x16xf32, #tpu.memory_space<vmem_shared>>) dst(%arg15 : memref<125x16xf32, #tpu.memory_space<vmem>>)
      %dma_start3A_282 = arith.constant 0 : i32
      %dma_start3A_283 = tpu.memref_slice %arg7[%add3A_275, %dma_start3A_282] : memref<80x125xi32, #tpu.memory_space<vmem>> -> memref<1x125xi32, #tpu.memory_space<vmem>>
      %dma_start3A_284 = tpu.memref_squeeze %dma_start3A_283 : memref<1x125xi32, #tpu.memory_space<vmem>> -> memref<125xi32, #tpu.memory_space<vmem>>
      %dma_start3A_285 = arith.constant 0 : i32
      %dma_start3A_286 = arith.constant 0 : i32
      %dma_start3A_287 = tpu.memref_slice %arg18[%dma_start3A_285, %dma_start3A_286] : memref<10240x16xf32, #tpu.memory_space<vmem_shared>> -> memref<10240x16xf32, #tpu.memory_space<vmem_shared>>
      tpu.enqueue_indirect_dma source(%arg15 : memref<125x16xf32, #tpu.memory_space<vmem>>) target(%dma_start3A_287 : memref<10240x16xf32, #tpu.memory_space<vmem_shared>>) offsets(%dma_start3A_284 : memref<125xi32, #tpu.memory_space<vmem>>) semaphore(%arg37 : memref<!tpu.dma_semaphore, #tpu.memory_space<semaphore_mem>>) {add = true}
      %add3A_288 = arith.constant 5 : i32
      %add3A_289 = arith.addi %add3A_275, %add3A_288 : i32
      %lt3A_290 = arith.constant 80 : i32
      %lt3A_291 = arith.cmpi slt, %add3A_289, %lt3A_290 : i32
      %convert_element_type3A_292 = arith.extui %lt3A_291 : i1 to i32
      %cond3A_293 = arith.constant 0 : i32
      %cond3A_294 = arith.cmpi ne, %convert_element_type3A_292, %cond3A_293 : i32
      scf.if %cond3A_294 {
        %ge3A = arith.constant 10 : i32
        %ge3A_341 = arith.cmpi sge, %add3A_289, %ge3A : i32
        %convert_element_type3A_342 = arith.extui %ge3A_341 : i1 to i32
        %cond3A_343 = arith.constant 0 : i32
        %cond3A_344 = arith.cmpi ne, %convert_element_type3A_342, %cond3A_343 : i32
        scf.if %cond3A_344 {
          %sub3A = arith.constant 10 : i32
          %sub3A_351 = arith.subi %add3A_289, %sub3A : i32
          %dma_wait3A_352 = arith.constant 0 : i32
          %dma_wait3A_353 = tpu.memref_slice %arg7[%sub3A_351, %dma_wait3A_352] : memref<80x125xi32, #tpu.memory_space<vmem>> -> memref<1x125xi32, #tpu.memory_space<vmem>>
          %dma_wait3A_354 = tpu.memref_squeeze %dma_wait3A_353 : memref<1x125xi32, #tpu.memory_space<vmem>> -> memref<125xi32, #tpu.memory_space<vmem>>
          %dma_wait3A_355 = arith.constant 0 : i32
          %dma_wait3A_356 = arith.constant 0 : i32
          %dma_wait3A_357 = tpu.memref_slice %arg18[%dma_wait3A_355, %dma_wait3A_356] : memref<10240x16xf32, #tpu.memory_space<vmem_shared>> -> memref<10240x16xf32, #tpu.memory_space<vmem_shared>>
          tpu.wait_indirect_dma semaphore(%arg32 : memref<!tpu.dma_semaphore, #tpu.memory_space<semaphore_mem>>) src(%arg10 : memref<125x16xf32, #tpu.memory_space<vmem>>) dst(%dma_wait3A_357 : memref<10240x16xf32, #tpu.memory_space<vmem_shared>>)
        } else {
        }
        %dma_start3A_345 = arith.constant 0 : i32
        %dma_start3A_346 = tpu.memref_slice %arg6[%add3A_289, %dma_start3A_345] : memref<80x125xi32, #tpu.memory_space<vmem>> -> memref<1x125xi32, #tpu.memory_space<vmem>>
        %dma_start3A_347 = tpu.memref_squeeze %dma_start3A_346 : memref<1x125xi32, #tpu.memory_space<vmem>> -> memref<125xi32, #tpu.memory_space<vmem>>
        %dma_start3A_348 = arith.constant 0 : i32
        %dma_start3A_349 = arith.constant 0 : i32
        %dma_start3A_350 = tpu.memref_slice %arg19[%dma_start3A_348, %dma_start3A_349] : memref<10240x16xf32, #tpu.memory_space<vmem_shared>> -> memref<10240x16xf32, #tpu.memory_space<vmem_shared>>
        tpu.enqueue_indirect_dma source(%dma_start3A_350 : memref<10240x16xf32, #tpu.memory_space<vmem_shared>>) target(%arg10 : memref<125x16xf32, #tpu.memory_space<vmem>>) offsets(%dma_start3A_347 : memref<125xi32, #tpu.memory_space<vmem>>) semaphore(%arg22 : memref<!tpu.dma_semaphore, #tpu.memory_space<semaphore_mem>>)
      } else {
      }
      %mul3A_295 = arith.constant 10 : i32
      %mul3A_296 = arith.muli %mul3A_295, %scan3A_113 : i32
      %add3A_297 = arith.constant 8 : i32
      %add3A_298 = arith.addi %mul3A_296, %add3A_297 : i32
      %dma_wait3A_299 = arith.constant 0 : i32
      %dma_wait3A_300 = tpu.memref_slice %arg6[%add3A_298, %dma_wait3A_299] : memref<80x125xi32, #tpu.memory_space<vmem>> -> memref<1x125xi32, #tpu.memory_space<vmem>>
      %dma_wait3A_301 = tpu.memref_squeeze %dma_wait3A_300 : memref<1x125xi32, #tpu.memory_space<vmem>> -> memref<125xi32, #tpu.memory_space<vmem>>
      %dma_wait3A_302 = arith.constant 0 : i32
      %dma_wait3A_303 = arith.constant 0 : i32
      %dma_wait3A_304 = tpu.memref_slice %arg19[%dma_wait3A_302, %dma_wait3A_303] : memref<10240x16xf32, #tpu.memory_space<vmem_shared>> -> memref<10240x16xf32, #tpu.memory_space<vmem_shared>>
      tpu.wait_indirect_dma semaphore(%arg28 : memref<!tpu.dma_semaphore, #tpu.memory_space<semaphore_mem>>) src(%dma_wait3A_304 : memref<10240x16xf32, #tpu.memory_space<vmem_shared>>) dst(%arg16 : memref<125x16xf32, #tpu.memory_space<vmem>>)
      %dma_start3A_305 = arith.constant 0 : i32
      %dma_start3A_306 = tpu.memref_slice %arg7[%add3A_298, %dma_start3A_305] : memref<80x125xi32, #tpu.memory_space<vmem>> -> memref<1x125xi32, #tpu.memory_space<vmem>>
      %dma_start3A_307 = tpu.memref_squeeze %dma_start3A_306 : memref<1x125xi32, #tpu.memory_space<vmem>> -> memref<125xi32, #tpu.memory_space<vmem>>
      %dma_start3A_308 = arith.constant 0 : i32
      %dma_start3A_309 = arith.constant 0 : i32
      %dma_start3A_310 = tpu.memref_slice %arg18[%dma_start3A_308, %dma_start3A_309] : memref<10240x16xf32, #tpu.memory_space<vmem_shared>> -> memref<10240x16xf32, #tpu.memory_space<vmem_shared>>
      tpu.enqueue_indirect_dma source(%arg16 : memref<125x16xf32, #tpu.memory_space<vmem>>) target(%dma_start3A_310 : memref<10240x16xf32, #tpu.memory_space<vmem_shared>>) offsets(%dma_start3A_307 : memref<125xi32, #tpu.memory_space<vmem>>) semaphore(%arg38 : memref<!tpu.dma_semaphore, #tpu.memory_space<semaphore_mem>>) {add = true}
      %add3A_311 = arith.constant 5 : i32
      %add3A_312 = arith.addi %add3A_298, %add3A_311 : i32
      %lt3A_313 = arith.constant 80 : i32
      %lt3A_314 = arith.cmpi slt, %add3A_312, %lt3A_313 : i32
      %convert_element_type3A_315 = arith.extui %lt3A_314 : i1 to i32
      %cond3A_316 = arith.constant 0 : i32
      %cond3A_317 = arith.cmpi ne, %convert_element_type3A_315, %cond3A_316 : i32
      scf.if %cond3A_317 {
        %ge3A = arith.constant 10 : i32
        %ge3A_341 = arith.cmpi sge, %add3A_312, %ge3A : i32
        %convert_element_type3A_342 = arith.extui %ge3A_341 : i1 to i32
        %cond3A_343 = arith.constant 0 : i32
        %cond3A_344 = arith.cmpi ne, %convert_element_type3A_342, %cond3A_343 : i32
        scf.if %cond3A_344 {
          %sub3A = arith.constant 10 : i32
          %sub3A_351 = arith.subi %add3A_312, %sub3A : i32
          %dma_wait3A_352 = arith.constant 0 : i32
          %dma_wait3A_353 = tpu.memref_slice %arg7[%sub3A_351, %dma_wait3A_352] : memref<80x125xi32, #tpu.memory_space<vmem>> -> memref<1x125xi32, #tpu.memory_space<vmem>>
          %dma_wait3A_354 = tpu.memref_squeeze %dma_wait3A_353 : memref<1x125xi32, #tpu.memory_space<vmem>> -> memref<125xi32, #tpu.memory_space<vmem>>
          %dma_wait3A_355 = arith.constant 0 : i32
          %dma_wait3A_356 = arith.constant 0 : i32
          %dma_wait3A_357 = tpu.memref_slice %arg18[%dma_wait3A_355, %dma_wait3A_356] : memref<10240x16xf32, #tpu.memory_space<vmem_shared>> -> memref<10240x16xf32, #tpu.memory_space<vmem_shared>>
          tpu.wait_indirect_dma semaphore(%arg33 : memref<!tpu.dma_semaphore, #tpu.memory_space<semaphore_mem>>) src(%arg11 : memref<125x16xf32, #tpu.memory_space<vmem>>) dst(%dma_wait3A_357 : memref<10240x16xf32, #tpu.memory_space<vmem_shared>>)
        } else {
        }
        %dma_start3A_345 = arith.constant 0 : i32
        %dma_start3A_346 = tpu.memref_slice %arg6[%add3A_312, %dma_start3A_345] : memref<80x125xi32, #tpu.memory_space<vmem>> -> memref<1x125xi32, #tpu.memory_space<vmem>>
        %dma_start3A_347 = tpu.memref_squeeze %dma_start3A_346 : memref<1x125xi32, #tpu.memory_space<vmem>> -> memref<125xi32, #tpu.memory_space<vmem>>
        %dma_start3A_348 = arith.constant 0 : i32
        %dma_start3A_349 = arith.constant 0 : i32
        %dma_start3A_350 = tpu.memref_slice %arg19[%dma_start3A_348, %dma_start3A_349] : memref<10240x16xf32, #tpu.memory_space<vmem_shared>> -> memref<10240x16xf32, #tpu.memory_space<vmem_shared>>
        tpu.enqueue_indirect_dma source(%dma_start3A_350 : memref<10240x16xf32, #tpu.memory_space<vmem_shared>>) target(%arg11 : memref<125x16xf32, #tpu.memory_space<vmem>>) offsets(%dma_start3A_347 : memref<125xi32, #tpu.memory_space<vmem>>) semaphore(%arg23 : memref<!tpu.dma_semaphore, #tpu.memory_space<semaphore_mem>>)
      } else {
      }
      %mul3A_318 = arith.constant 10 : i32
      %mul3A_319 = arith.muli %mul3A_318, %scan3A_113 : i32
      %add3A_320 = arith.constant 9 : i32
      %add3A_321 = arith.addi %mul3A_319, %add3A_320 : i32
      %dma_wait3A_322 = arith.constant 0 : i32
      %dma_wait3A_323 = tpu.memref_slice %arg6[%add3A_321, %dma_wait3A_322] : memref<80x125xi32, #tpu.memory_space<vmem>> -> memref<1x125xi32, #tpu.memory_space<vmem>>
      %dma_wait3A_324 = tpu.memref_squeeze %dma_wait3A_323 : memref<1x125xi32, #tpu.memory_space<vmem>> -> memref<125xi32, #tpu.memory_space<vmem>>
      %dma_wait3A_325 = arith.constant 0 : i32
      %dma_wait3A_326 = arith.constant 0 : i32
      %dma_wait3A_327 = tpu.memref_slice %arg19[%dma_wait3A_325, %dma_wait3A_326] : memref<10240x16xf32, #tpu.memory_space<vmem_shared>> -> memref<10240x16xf32, #tpu.memory_space<vmem_shared>>
      tpu.wait_indirect_dma semaphore(%arg29 : memref<!tpu.dma_semaphore, #tpu.memory_space<semaphore_mem>>) src(%dma_wait3A_327 : memref<10240x16xf32, #tpu.memory_space<vmem_shared>>) dst(%arg17 : memref<125x16xf32, #tpu.memory_space<vmem>>)
      %dma_start3A_328 = arith.constant 0 : i32
      %dma_start3A_329 = tpu.memref_slice %arg7[%add3A_321, %dma_start3A_328] : memref<80x125xi32, #tpu.memory_space<vmem>> -> memref<1x125xi32, #tpu.memory_space<vmem>>
      %dma_start3A_330 = tpu.memref_squeeze %dma_start3A_329 : memref<1x125xi32, #tpu.memory_space<vmem>> -> memref<125xi32, #tpu.memory_space<vmem>>
      %dma_start3A_331 = arith.constant 0 : i32
      %dma_start3A_332 = arith.constant 0 : i32
      %dma_start3A_333 = tpu.memref_slice %arg18[%dma_start3A_331, %dma_start3A_332] : memref<10240x16xf32, #tpu.memory_space<vmem_shared>> -> memref<10240x16xf32, #tpu.memory_space<vmem_shared>>
      tpu.enqueue_indirect_dma source(%arg17 : memref<125x16xf32, #tpu.memory_space<vmem>>) target(%dma_start3A_333 : memref<10240x16xf32, #tpu.memory_space<vmem_shared>>) offsets(%dma_start3A_330 : memref<125xi32, #tpu.memory_space<vmem>>) semaphore(%arg39 : memref<!tpu.dma_semaphore, #tpu.memory_space<semaphore_mem>>) {add = true}
      %add3A_334 = arith.constant 5 : i32
      %add3A_335 = arith.addi %add3A_321, %add3A_334 : i32
      %lt3A_336 = arith.constant 80 : i32
      %lt3A_337 = arith.cmpi slt, %add3A_335, %lt3A_336 : i32
      %convert_element_type3A_338 = arith.extui %lt3A_337 : i1 to i32
      %cond3A_339 = arith.constant 0 : i32
      %cond3A_340 = arith.cmpi ne, %convert_element_type3A_338, %cond3A_339 : i32
      scf.if %cond3A_340 {
        %ge3A = arith.constant 10 : i32
        %ge3A_341 = arith.cmpi sge, %add3A_335, %ge3A : i32
        %convert_element_type3A_342 = arith.extui %ge3A_341 : i1 to i32
        %cond3A_343 = arith.constant 0 : i32
        %cond3A_344 = arith.cmpi ne, %convert_element_type3A_342, %cond3A_343 : i32
        scf.if %cond3A_344 {
          %sub3A = arith.constant 10 : i32
          %sub3A_351 = arith.subi %add3A_335, %sub3A : i32
          %dma_wait3A_352 = arith.constant 0 : i32
          %dma_wait3A_353 = tpu.memref_slice %arg7[%sub3A_351, %dma_wait3A_352] : memref<80x125xi32, #tpu.memory_space<vmem>> -> memref<1x125xi32, #tpu.memory_space<vmem>>
          %dma_wait3A_354 = tpu.memref_squeeze %dma_wait3A_353 : memref<1x125xi32, #tpu.memory_space<vmem>> -> memref<125xi32, #tpu.memory_space<vmem>>
          %dma_wait3A_355 = arith.constant 0 : i32
          %dma_wait3A_356 = arith.constant 0 : i32
          %dma_wait3A_357 = tpu.memref_slice %arg18[%dma_wait3A_355, %dma_wait3A_356] : memref<10240x16xf32, #tpu.memory_space<vmem_shared>> -> memref<10240x16xf32, #tpu.memory_space<vmem_shared>>
          tpu.wait_indirect_dma semaphore(%arg34 : memref<!tpu.dma_semaphore, #tpu.memory_space<semaphore_mem>>) src(%arg12 : memref<125x16xf32, #tpu.memory_space<vmem>>) dst(%dma_wait3A_357 : memref<10240x16xf32, #tpu.memory_space<vmem_shared>>)
        } else {
        }
        %dma_start3A_345 = arith.constant 0 : i32
        %dma_start3A_346 = tpu.memref_slice %arg6[%add3A_335, %dma_start3A_345] : memref<80x125xi32, #tpu.memory_space<vmem>> -> memref<1x125xi32, #tpu.memory_space<vmem>>
        %dma_start3A_347 = tpu.memref_squeeze %dma_start3A_346 : memref<1x125xi32, #tpu.memory_space<vmem>> -> memref<125xi32, #tpu.memory_space<vmem>>
        %dma_start3A_348 = arith.constant 0 : i32
        %dma_start3A_349 = arith.constant 0 : i32
        %dma_start3A_350 = tpu.memref_slice %arg19[%dma_start3A_348, %dma_start3A_349] : memref<10240x16xf32, #tpu.memory_space<vmem_shared>> -> memref<10240x16xf32, #tpu.memory_space<vmem_shared>>
        tpu.enqueue_indirect_dma source(%dma_start3A_350 : memref<10240x16xf32, #tpu.memory_space<vmem_shared>>) target(%arg12 : memref<125x16xf32, #tpu.memory_space<vmem>>) offsets(%dma_start3A_347 : memref<125xi32, #tpu.memory_space<vmem>>) semaphore(%arg24 : memref<!tpu.dma_semaphore, #tpu.memory_space<semaphore_mem>>)
      } else {
      }
    }
    %scan3A_42 = arith.constant 8 : i32
    %dma_wait3A = arith.constant 70 : i32
    %dma_wait3A_43 = arith.constant 0 : i32
    %dma_wait3A_44 = tpu.memref_slice %arg7[%dma_wait3A, %dma_wait3A_43] : memref<80x125xi32, #tpu.memory_space<vmem>> -> memref<1x125xi32, #tpu.memory_space<vmem>>
    %dma_wait3A_45 = tpu.memref_squeeze %dma_wait3A_44 : memref<1x125xi32, #tpu.memory_space<vmem>> -> memref<125xi32, #tpu.memory_space<vmem>>
    %dma_wait3A_46 = arith.constant 0 : i32
    %dma_wait3A_47 = arith.constant 0 : i32
    %dma_wait3A_48 = tpu.memref_slice %arg18[%dma_wait3A_46, %dma_wait3A_47] : memref<10240x16xf32, #tpu.memory_space<vmem_shared>> -> memref<10240x16xf32, #tpu.memory_space<vmem_shared>>
    tpu.wait_indirect_dma semaphore(%arg30 : memref<!tpu.dma_semaphore, #tpu.memory_space<semaphore_mem>>) src(%arg8 : memref<125x16xf32, #tpu.memory_space<vmem>>) dst(%dma_wait3A_48 : memref<10240x16xf32, #tpu.memory_space<vmem_shared>>)
    %dma_wait3A_49 = arith.constant 71 : i32
    %dma_wait3A_50 = arith.constant 0 : i32
    %dma_wait3A_51 = tpu.memref_slice %arg7[%dma_wait3A_49, %dma_wait3A_50] : memref<80x125xi32, #tpu.memory_space<vmem>> -> memref<1x125xi32, #tpu.memory_space<vmem>>
    %dma_wait3A_52 = tpu.memref_squeeze %dma_wait3A_51 : memref<1x125xi32, #tpu.memory_space<vmem>> -> memref<125xi32, #tpu.memory_space<vmem>>
    %dma_wait3A_53 = arith.constant 0 : i32
    %dma_wait3A_54 = arith.constant 0 : i32
    %dma_wait3A_55 = tpu.memref_slice %arg18[%dma_wait3A_53, %dma_wait3A_54] : memref<10240x16xf32, #tpu.memory_space<vmem_shared>> -> memref<10240x16xf32, #tpu.memory_space<vmem_shared>>
    tpu.wait_indirect_dma semaphore(%arg31 : memref<!tpu.dma_semaphore, #tpu.memory_space<semaphore_mem>>) src(%arg9 : memref<125x16xf32, #tpu.memory_space<vmem>>) dst(%dma_wait3A_55 : memref<10240x16xf32, #tpu.memory_space<vmem_shared>>)
    %dma_wait3A_56 = arith.constant 72 : i32
    %dma_wait3A_57 = arith.constant 0 : i32
    %dma_wait3A_58 = tpu.memref_slice %arg7[%dma_wait3A_56, %dma_wait3A_57] : memref<80x125xi32, #tpu.memory_space<vmem>> -> memref<1x125xi32, #tpu.memory_space<vmem>>
    %dma_wait3A_59 = tpu.memref_squeeze %dma_wait3A_58 : memref<1x125xi32, #tpu.memory_space<vmem>> -> memref<125xi32, #tpu.memory_space<vmem>>
    %dma_wait3A_60 = arith.constant 0 : i32
    %dma_wait3A_61 = arith.constant 0 : i32
    %dma_wait3A_62 = tpu.memref_slice %arg18[%dma_wait3A_60, %dma_wait3A_61] : memref<10240x16xf32, #tpu.memory_space<vmem_shared>> -> memref<10240x16xf32, #tpu.memory_space<vmem_shared>>
    tpu.wait_indirect_dma semaphore(%arg32 : memref<!tpu.dma_semaphore, #tpu.memory_space<semaphore_mem>>) src(%arg10 : memref<125x16xf32, #tpu.memory_space<vmem>>) dst(%dma_wait3A_62 : memref<10240x16xf32, #tpu.memory_space<vmem_shared>>)
    %dma_wait3A_63 = arith.constant 73 : i32
    %dma_wait3A_64 = arith.constant 0 : i32
    %dma_wait3A_65 = tpu.memref_slice %arg7[%dma_wait3A_63, %dma_wait3A_64] : memref<80x125xi32, #tpu.memory_space<vmem>> -> memref<1x125xi32, #tpu.memory_space<vmem>>
    %dma_wait3A_66 = tpu.memref_squeeze %dma_wait3A_65 : memref<1x125xi32, #tpu.memory_space<vmem>> -> memref<125xi32, #tpu.memory_space<vmem>>
    %dma_wait3A_67 = arith.constant 0 : i32
    %dma_wait3A_68 = arith.constant 0 : i32
    %dma_wait3A_69 = tpu.memref_slice %arg18[%dma_wait3A_67, %dma_wait3A_68] : memref<10240x16xf32, #tpu.memory_space<vmem_shared>> -> memref<10240x16xf32, #tpu.memory_space<vmem_shared>>
    tpu.wait_indirect_dma semaphore(%arg33 : memref<!tpu.dma_semaphore, #tpu.memory_space<semaphore_mem>>) src(%arg11 : memref<125x16xf32, #tpu.memory_space<vmem>>) dst(%dma_wait3A_69 : memref<10240x16xf32, #tpu.memory_space<vmem_shared>>)
    %dma_wait3A_70 = arith.constant 74 : i32
    %dma_wait3A_71 = arith.constant 0 : i32
    %dma_wait3A_72 = tpu.memref_slice %arg7[%dma_wait3A_70, %dma_wait3A_71] : memref<80x125xi32, #tpu.memory_space<vmem>> -> memref<1x125xi32, #tpu.memory_space<vmem>>
    %dma_wait3A_73 = tpu.memref_squeeze %dma_wait3A_72 : memref<1x125xi32, #tpu.memory_space<vmem>> -> memref<125xi32, #tpu.memory_space<vmem>>
    %dma_wait3A_74 = arith.constant 0 : i32
    %dma_wait3A_75 = arith.constant 0 : i32
    %dma_wait3A_76 = tpu.memref_slice %arg18[%dma_wait3A_74, %dma_wait3A_75] : memref<10240x16xf32, #tpu.memory_space<vmem_shared>> -> memref<10240x16xf32, #tpu.memory_space<vmem_shared>>
    tpu.wait_indirect_dma semaphore(%arg34 : memref<!tpu.dma_semaphore, #tpu.memory_space<semaphore_mem>>) src(%arg12 : memref<125x16xf32, #tpu.memory_space<vmem>>) dst(%dma_wait3A_76 : memref<10240x16xf32, #tpu.memory_space<vmem_shared>>)
    %dma_wait3A_77 = arith.constant 75 : i32
    %dma_wait3A_78 = arith.constant 0 : i32
    %dma_wait3A_79 = tpu.memref_slice %arg7[%dma_wait3A_77, %dma_wait3A_78] : memref<80x125xi32, #tpu.memory_space<vmem>> -> memref<1x125xi32, #tpu.memory_space<vmem>>
    %dma_wait3A_80 = tpu.memref_squeeze %dma_wait3A_79 : memref<1x125xi32, #tpu.memory_space<vmem>> -> memref<125xi32, #tpu.memory_space<vmem>>
    %dma_wait3A_81 = arith.constant 0 : i32
    %dma_wait3A_82 = arith.constant 0 : i32
    %dma_wait3A_83 = tpu.memref_slice %arg18[%dma_wait3A_81, %dma_wait3A_82] : memref<10240x16xf32, #tpu.memory_space<vmem_shared>> -> memref<10240x16xf32, #tpu.memory_space<vmem_shared>>
    tpu.wait_indirect_dma semaphore(%arg35 : memref<!tpu.dma_semaphore, #tpu.memory_space<semaphore_mem>>) src(%arg13 : memref<125x16xf32, #tpu.memory_space<vmem>>) dst(%dma_wait3A_83 : memref<10240x16xf32, #tpu.memory_space<vmem_shared>>)
    %dma_wait3A_84 = arith.constant 76 : i32
    %dma_wait3A_85 = arith.constant 0 : i32
    %dma_wait3A_86 = tpu.memref_slice %arg7[%dma_wait3A_84, %dma_wait3A_85] : memref<80x125xi32, #tpu.memory_space<vmem>> -> memref<1x125xi32, #tpu.memory_space<vmem>>
    %dma_wait3A_87 = tpu.memref_squeeze %dma_wait3A_86 : memref<1x125xi32, #tpu.memory_space<vmem>> -> memref<125xi32, #tpu.memory_space<vmem>>
    %dma_wait3A_88 = arith.constant 0 : i32
    %dma_wait3A_89 = arith.constant 0 : i32
    %dma_wait3A_90 = tpu.memref_slice %arg18[%dma_wait3A_88, %dma_wait3A_89] : memref<10240x16xf32, #tpu.memory_space<vmem_shared>> -> memref<10240x16xf32, #tpu.memory_space<vmem_shared>>
    tpu.wait_indirect_dma semaphore(%arg36 : memref<!tpu.dma_semaphore, #tpu.memory_space<semaphore_mem>>) src(%arg14 : memref<125x16xf32, #tpu.memory_space<vmem>>) dst(%dma_wait3A_90 : memref<10240x16xf32, #tpu.memory_space<vmem_shared>>)
    %dma_wait3A_91 = arith.constant 77 : i32
    %dma_wait3A_92 = arith.constant 0 : i32
    %dma_wait3A_93 = tpu.memref_slice %arg7[%dma_wait3A_91, %dma_wait3A_92] : memref<80x125xi32, #tpu.memory_space<vmem>> -> memref<1x125xi32, #tpu.memory_space<vmem>>
    %dma_wait3A_94 = tpu.memref_squeeze %dma_wait3A_93 : memref<1x125xi32, #tpu.memory_space<vmem>> -> memref<125xi32, #tpu.memory_space<vmem>>
    %dma_wait3A_95 = arith.constant 0 : i32
    %dma_wait3A_96 = arith.constant 0 : i32
    %dma_wait3A_97 = tpu.memref_slice %arg18[%dma_wait3A_95, %dma_wait3A_96] : memref<10240x16xf32, #tpu.memory_space<vmem_shared>> -> memref<10240x16xf32, #tpu.memory_space<vmem_shared>>
    tpu.wait_indirect_dma semaphore(%arg37 : memref<!tpu.dma_semaphore, #tpu.memory_space<semaphore_mem>>) src(%arg15 : memref<125x16xf32, #tpu.memory_space<vmem>>) dst(%dma_wait3A_97 : memref<10240x16xf32, #tpu.memory_space<vmem_shared>>)
    %dma_wait3A_98 = arith.constant 78 : i32
    %dma_wait3A_99 = arith.constant 0 : i32
    %dma_wait3A_100 = tpu.memref_slice %arg7[%dma_wait3A_98, %dma_wait3A_99] : memref<80x125xi32, #tpu.memory_space<vmem>> -> memref<1x125xi32, #tpu.memory_space<vmem>>
    %dma_wait3A_101 = tpu.memref_squeeze %dma_wait3A_100 : memref<1x125xi32, #tpu.memory_space<vmem>> -> memref<125xi32, #tpu.memory_space<vmem>>
    %dma_wait3A_102 = arith.constant 0 : i32
    %dma_wait3A_103 = arith.constant 0 : i32
    %dma_wait3A_104 = tpu.memref_slice %arg18[%dma_wait3A_102, %dma_wait3A_103] : memref<10240x16xf32, #tpu.memory_space<vmem_shared>> -> memref<10240x16xf32, #tpu.memory_space<vmem_shared>>
    tpu.wait_indirect_dma semaphore(%arg38 : memref<!tpu.dma_semaphore, #tpu.memory_space<semaphore_mem>>) src(%arg16 : memref<125x16xf32, #tpu.memory_space<vmem>>) dst(%dma_wait3A_104 : memref<10240x16xf32, #tpu.memory_space<vmem_shared>>)
    %dma_wait3A_105 = arith.constant 79 : i32
    %dma_wait3A_106 = arith.constant 0 : i32
    %dma_wait3A_107 = tpu.memref_slice %arg7[%dma_wait3A_105, %dma_wait3A_106] : memref<80x125xi32, #tpu.memory_space<vmem>> -> memref<1x125xi32, #tpu.memory_space<vmem>>
    %dma_wait3A_108 = tpu.memref_squeeze %dma_wait3A_107 : memref<1x125xi32, #tpu.memory_space<vmem>> -> memref<125xi32, #tpu.memory_space<vmem>>
    %dma_wait3A_109 = arith.constant 0 : i32
    %dma_wait3A_110 = arith.constant 0 : i32
    %dma_wait3A_111 = tpu.memref_slice %arg18[%dma_wait3A_109, %dma_wait3A_110] : memref<10240x16xf32, #tpu.memory_space<vmem_shared>> -> memref<10240x16xf32, #tpu.memory_space<vmem_shared>>
    tpu.wait_indirect_dma semaphore(%arg39 : memref<!tpu.dma_semaphore, #tpu.memory_space<semaphore_mem>>) src(%arg17 : memref<125x16xf32, #tpu.memory_space<vmem>>) dst(%dma_wait3A_111 : memref<10240x16xf32, #tpu.memory_space<vmem_shared>>)
    %barrier3A_112 = arith.constant 0 : index
    tpu.barrier barrier_id(%barrier3A_112)
    "tpu.region"() ({
      %run_scoped3A_113 = tpu.sem_alloc : memref<!tpu.dma_semaphore, #tpu.memory_space<semaphore_mem>>
      %dma_start3A_114 = arith.constant 0 : i32
      %dma_start3A_115 = tpu.memref_slice %arg5[%arg0, %mul3A_2, %dma_start3A_114] : memref<2x10240x16xf32, #tpu.memory_space<hbm>> -> memref<1x640x16xf32, #tpu.memory_space<hbm>>
      %dma_start3A_116 = tpu.memref_squeeze %dma_start3A_115 : memref<1x640x16xf32, #tpu.memory_space<hbm>> -> memref<640x16xf32, #tpu.memory_space<hbm>>
      %dma_start3A_117 = arith.constant 0 : i32
      %dma_start3A_118 = tpu.memref_slice %arg18[%mul3A_2, %dma_start3A_117] : memref<10240x16xf32, #tpu.memory_space<vmem_shared>> -> memref<640x16xf32, #tpu.memory_space<vmem_shared>>
      tpu.enqueue_dma source(%dma_start3A_118 : memref<640x16xf32, #tpu.memory_space<vmem_shared>>) target(%dma_start3A_116 : memref<640x16xf32, #tpu.memory_space<hbm>>) target_semaphore(%run_scoped3A_113 : memref<!tpu.dma_semaphore, #tpu.memory_space<semaphore_mem>>)
      %dma_wait3A_119 = arith.constant 0 : i32
      %dma_wait3A_120 = tpu.memref_slice %arg5[%arg0, %mul3A_2, %dma_wait3A_119] : memref<2x10240x16xf32, #tpu.memory_space<hbm>> -> memref<1x640x16xf32, #tpu.memory_space<hbm>>
      %dma_wait3A_121 = tpu.memref_squeeze %dma_wait3A_120 : memref<1x640x16xf32, #tpu.memory_space<hbm>> -> memref<640x16xf32, #tpu.memory_space<hbm>>
      %dma_wait3A_122 = arith.constant 0 : i32
      %dma_wait3A_123 = tpu.memref_slice %arg18[%mul3A_2, %dma_wait3A_122] : memref<10240x16xf32, #tpu.memory_space<vmem_shared>> -> memref<640x16xf32, #tpu.memory_space<vmem_shared>>
      tpu.wait_dma2 semaphore(%run_scoped3A_113 : memref<!tpu.dma_semaphore, #tpu.memory_space<semaphore_mem>>) src(%dma_wait3A_123 : memref<640x16xf32, #tpu.memory_space<vmem_shared>>) dst(%dma_wait3A_121 : memref<640x16xf32, #tpu.memory_space<hbm>>)
      tpu.yield
    }) : () -> ()
    return
  }
}

#map = affine_map<(d0, d1) -> (0, 0, 0, 0)>
#map1 = affine_map<(d0, d1) -> (0)>
#map2 = affine_map<(d0, d1) -> (0, 0)>
module attributes {stable_mosaic.version = 14 : i64} {
  func.func @_sc_degree(%arg0: i32, %arg1: i32, %arg2: memref<2x32x80x125xi32, #tpu.memory_space<hbm>>, %arg3: memref<125xf32, #tpu.memory_space<hbm>>, %arg4: memref<10240xf32, #tpu.memory_space<hbm>>, %arg5: memref<2x10240xf32, #tpu.memory_space<hbm>>, %arg6: memref<80x125xi32, #tpu.memory_space<vmem>>, %arg7: memref<125xf32, #tpu.memory_space<vmem>>, %arg8: memref<10240xf32, #tpu.memory_space<vmem_shared>>, %arg9: memref<!tpu.dma_semaphore, #tpu.memory_space<semaphore_mem>>) attributes {dimension_semantics = [#tpu.dimension_semantics<core_parallel>, #tpu.dimension_semantics<subcore_parallel>], iteration_bounds = array<i64: 2, 16>, scalar_prefetch = 0 : i64, scratch_operands = 4 : i64, tpu.core_type = #tpu.core_type<sc_vector_subcore>, window_params = [{transform_indices = #map}, {transform_indices = #map1}, {transform_indices = #map1}, {transform_indices = #map2}]} {
    %mul3A = arith.constant 2 : i32
    %mul3A_0 = arith.muli %arg1, %mul3A : i32
    %add3A = arith.addi %mul3A_0, %arg0 : i32
    %mul3A_1 = arith.constant 640 : i32
    %mul3A_2 = arith.muli %arg1, %mul3A_1 : i32
    %run_scoped3A = arith.constant 1 : i32
    "tpu.region"() ({
      %run_scoped3A_9 = tpu.sem_alloc : memref<!tpu.dma_semaphore, #tpu.memory_space<semaphore_mem>>
      %dma_start3A = arith.constant 0 : i32
      %dma_start3A_10 = arith.constant 0 : i32
      %dma_start3A_11 = tpu.memref_slice %arg2[%run_scoped3A, %add3A, %dma_start3A, %dma_start3A_10] : memref<2x32x80x125xi32, #tpu.memory_space<hbm>> -> memref<1x1x80x125xi32, #tpu.memory_space<hbm>>
      %dma_start3A_12 = tpu.memref_squeeze %dma_start3A_11 : memref<1x1x80x125xi32, #tpu.memory_space<hbm>> -> memref<80x125xi32, #tpu.memory_space<hbm>>
      %dma_start3A_13 = arith.constant 0 : i32
      %dma_start3A_14 = arith.constant 0 : i32
      %dma_start3A_15 = tpu.memref_slice %arg2[%run_scoped3A, %add3A, %dma_start3A_13, %dma_start3A_14] : memref<2x32x80x125xi32, #tpu.memory_space<hbm>> -> memref<1x1x80x125xi32, #tpu.memory_space<hbm>>
      %dma_start3A_16 = tpu.memref_squeeze %dma_start3A_15 : memref<1x1x80x125xi32, #tpu.memory_space<hbm>> -> memref<80x125xi32, #tpu.memory_space<hbm>>
      tpu.enqueue_dma source(%dma_start3A_16 : memref<80x125xi32, #tpu.memory_space<hbm>>) target(%arg6 : memref<80x125xi32, #tpu.memory_space<vmem>>) target_semaphore(%run_scoped3A_9 : memref<!tpu.dma_semaphore, #tpu.memory_space<semaphore_mem>>)
      %dma_wait3A = arith.constant 0 : i32
      %dma_wait3A_17 = arith.constant 0 : i32
      %dma_wait3A_18 = tpu.memref_slice %arg2[%run_scoped3A, %add3A, %dma_wait3A, %dma_wait3A_17] : memref<2x32x80x125xi32, #tpu.memory_space<hbm>> -> memref<1x1x80x125xi32, #tpu.memory_space<hbm>>
      %dma_wait3A_19 = tpu.memref_squeeze %dma_wait3A_18 : memref<1x1x80x125xi32, #tpu.memory_space<hbm>> -> memref<80x125xi32, #tpu.memory_space<hbm>>
      %dma_wait3A_20 = arith.constant 0 : i32
      %dma_wait3A_21 = arith.constant 0 : i32
      %dma_wait3A_22 = tpu.memref_slice %arg2[%run_scoped3A, %add3A, %dma_wait3A_20, %dma_wait3A_21] : memref<2x32x80x125xi32, #tpu.memory_space<hbm>> -> memref<1x1x80x125xi32, #tpu.memory_space<hbm>>
      %dma_wait3A_23 = tpu.memref_squeeze %dma_wait3A_22 : memref<1x1x80x125xi32, #tpu.memory_space<hbm>> -> memref<80x125xi32, #tpu.memory_space<hbm>>
      tpu.wait_dma2 semaphore(%run_scoped3A_9 : memref<!tpu.dma_semaphore, #tpu.memory_space<semaphore_mem>>) src(%dma_wait3A_23 : memref<80x125xi32, #tpu.memory_space<hbm>>) dst(%arg6 : memref<80x125xi32, #tpu.memory_space<vmem>>)
      tpu.yield
    }) : () -> ()
    "tpu.region"() ({
      %run_scoped3A_9 = tpu.sem_alloc : memref<!tpu.dma_semaphore, #tpu.memory_space<semaphore_mem>>
      tpu.enqueue_dma source(%arg3 : memref<125xf32, #tpu.memory_space<hbm>>) target(%arg7 : memref<125xf32, #tpu.memory_space<vmem>>) target_semaphore(%run_scoped3A_9 : memref<!tpu.dma_semaphore, #tpu.memory_space<semaphore_mem>>)
      tpu.wait_dma2 semaphore(%run_scoped3A_9 : memref<!tpu.dma_semaphore, #tpu.memory_space<semaphore_mem>>) src(%arg3 : memref<125xf32, #tpu.memory_space<hbm>>) dst(%arg7 : memref<125xf32, #tpu.memory_space<vmem>>)
      tpu.yield
    }) : () -> ()
    "tpu.region"() ({
      %run_scoped3A_9 = tpu.sem_alloc : memref<!tpu.dma_semaphore, #tpu.memory_space<semaphore_mem>>
      %dma_start3A = tpu.memref_slice %arg8[%mul3A_2] : memref<10240xf32, #tpu.memory_space<vmem_shared>> -> memref<640xf32, #tpu.memory_space<vmem_shared>>
      %dma_start3A_10 = tpu.memref_slice %arg4[%mul3A_2] : memref<10240xf32, #tpu.memory_space<hbm>> -> memref<640xf32, #tpu.memory_space<hbm>>
      tpu.enqueue_dma source(%dma_start3A_10 : memref<640xf32, #tpu.memory_space<hbm>>) target(%dma_start3A : memref<640xf32, #tpu.memory_space<vmem_shared>>) target_semaphore(%run_scoped3A_9 : memref<!tpu.dma_semaphore, #tpu.memory_space<semaphore_mem>>)
      %dma_wait3A = tpu.memref_slice %arg8[%mul3A_2] : memref<10240xf32, #tpu.memory_space<vmem_shared>> -> memref<640xf32, #tpu.memory_space<vmem_shared>>
      %dma_wait3A_11 = tpu.memref_slice %arg4[%mul3A_2] : memref<10240xf32, #tpu.memory_space<hbm>> -> memref<640xf32, #tpu.memory_space<hbm>>
      tpu.wait_dma2 semaphore(%run_scoped3A_9 : memref<!tpu.dma_semaphore, #tpu.memory_space<semaphore_mem>>) src(%dma_wait3A_11 : memref<640xf32, #tpu.memory_space<hbm>>) dst(%dma_wait3A : memref<640xf32, #tpu.memory_space<vmem_shared>>)
      tpu.yield
    }) : () -> ()
    %barrier3A = arith.constant 0 : index
    tpu.barrier barrier_id(%barrier3A)
    %scan3A = arith.constant 0 : i32
    %scan3A_3 = arith.constant 0 : i32
    %scan3A_4 = arith.constant 80 : i32
    %scan3A_5 = arith.addi %scan3A_3, %scan3A_4 : i32
    %scan3A_6 = arith.constant 1 : i32
    scf.for %scan3A_9 = %scan3A_3 to %scan3A_5 step %scan3A_6  : i32 {
      "tpu.region"() ({
        %run_scoped3A_10 = tpu.sem_alloc : memref<!tpu.dma_semaphore, #tpu.memory_space<semaphore_mem>>
        %dma_start3A = arith.constant 0 : i32
        %dma_start3A_11 = tpu.memref_slice %arg6[%scan3A_9, %dma_start3A] : memref<80x125xi32, #tpu.memory_space<vmem>> -> memref<1x125xi32, #tpu.memory_space<vmem>>
        %dma_start3A_12 = tpu.memref_squeeze %dma_start3A_11 : memref<1x125xi32, #tpu.memory_space<vmem>> -> memref<125xi32, #tpu.memory_space<vmem>>
        %dma_start3A_13 = arith.constant 0 : i32
        %dma_start3A_14 = tpu.memref_slice %arg8[%dma_start3A_13] : memref<10240xf32, #tpu.memory_space<vmem_shared>> -> memref<10240xf32, #tpu.memory_space<vmem_shared>>
        tpu.enqueue_indirect_dma source(%arg7 : memref<125xf32, #tpu.memory_space<vmem>>) target(%dma_start3A_14 : memref<10240xf32, #tpu.memory_space<vmem_shared>>) offsets(%dma_start3A_12 : memref<125xi32, #tpu.memory_space<vmem>>) semaphore(%run_scoped3A_10 : memref<!tpu.dma_semaphore, #tpu.memory_space<semaphore_mem>>) {add = true}
        %dma_wait3A = arith.constant 0 : i32
        %dma_wait3A_15 = tpu.memref_slice %arg6[%scan3A_9, %dma_wait3A] : memref<80x125xi32, #tpu.memory_space<vmem>> -> memref<1x125xi32, #tpu.memory_space<vmem>>
        %dma_wait3A_16 = tpu.memref_squeeze %dma_wait3A_15 : memref<1x125xi32, #tpu.memory_space<vmem>> -> memref<125xi32, #tpu.memory_space<vmem>>
        %dma_wait3A_17 = arith.constant 0 : i32
        %dma_wait3A_18 = tpu.memref_slice %arg8[%dma_wait3A_17] : memref<10240xf32, #tpu.memory_space<vmem_shared>> -> memref<10240xf32, #tpu.memory_space<vmem_shared>>
        tpu.wait_indirect_dma semaphore(%run_scoped3A_10 : memref<!tpu.dma_semaphore, #tpu.memory_space<semaphore_mem>>) src(%arg7 : memref<125xf32, #tpu.memory_space<vmem>>) dst(%dma_wait3A_18 : memref<10240xf32, #tpu.memory_space<vmem_shared>>)
        tpu.yield
      }) : () -> ()
    }
    %scan3A_7 = arith.constant 80 : i32
    %barrier3A_8 = arith.constant 0 : index
    tpu.barrier barrier_id(%barrier3A_8)
    "tpu.region"() ({
      %run_scoped3A_9 = tpu.sem_alloc : memref<!tpu.dma_semaphore, #tpu.memory_space<semaphore_mem>>
      %dma_start3A = tpu.memref_slice %arg5[%arg0, %mul3A_2] : memref<2x10240xf32, #tpu.memory_space<hbm>> -> memref<1x640xf32, #tpu.memory_space<hbm>>
      %dma_start3A_10 = tpu.memref_squeeze %dma_start3A : memref<1x640xf32, #tpu.memory_space<hbm>> -> memref<640xf32, #tpu.memory_space<hbm>>
      %dma_start3A_11 = tpu.memref_slice %arg8[%mul3A_2] : memref<10240xf32, #tpu.memory_space<vmem_shared>> -> memref<640xf32, #tpu.memory_space<vmem_shared>>
      tpu.enqueue_dma source(%dma_start3A_11 : memref<640xf32, #tpu.memory_space<vmem_shared>>) target(%dma_start3A_10 : memref<640xf32, #tpu.memory_space<hbm>>) target_semaphore(%run_scoped3A_9 : memref<!tpu.dma_semaphore, #tpu.memory_space<semaphore_mem>>)
      %dma_wait3A = tpu.memref_slice %arg5[%arg0, %mul3A_2] : memref<2x10240xf32, #tpu.memory_space<hbm>> -> memref<1x640xf32, #tpu.memory_space<hbm>>
      %dma_wait3A_12 = tpu.memref_squeeze %dma_wait3A : memref<1x640xf32, #tpu.memory_space<hbm>> -> memref<640xf32, #tpu.memory_space<hbm>>
      %dma_wait3A_13 = tpu.memref_slice %arg8[%mul3A_2] : memref<10240xf32, #tpu.memory_space<vmem_shared>> -> memref<640xf32, #tpu.memory_space<vmem_shared>>
      tpu.wait_dma2 semaphore(%run_scoped3A_9 : memref<!tpu.dma_semaphore, #tpu.memory_space<semaphore_mem>>) src(%dma_wait3A_13 : memref<640xf32, #tpu.memory_space<vmem_shared>>) dst(%dma_wait3A_12 : memref<640xf32, #tpu.memory_space<hbm>>)
      tpu.yield
    }) : () -> ()
    return
  }
}

#map = affine_map<(d0, d1) -> (0, 0)>
#map1 = affine_map<(d0, d1) -> (0, 0, 0, 0)>
#map2 = affine_map<(d0, d1) -> (0, 0, 0)>
module attributes {stable_mosaic.version = 14 : i64} {
  func.func @_sc_scatter(%arg0: i32, %arg1: i32, %arg2: memref<10240x16xf32, #tpu.memory_space<hbm>>, %arg3: memref<2x32x80x125xi32, #tpu.memory_space<hbm>>, %arg4: memref<10240x16xf32, #tpu.memory_space<hbm>>, %arg5: memref<2x10240x16xf32, #tpu.memory_space<hbm>>, %arg6: memref<80x125xi32, #tpu.memory_space<vmem>>, %arg7: memref<80x125xi32, #tpu.memory_space<vmem>>, %arg8: memref<125x16xf32, #tpu.memory_space<vmem>>, %arg9: memref<125x16xf32, #tpu.memory_space<vmem>>, %arg10: memref<125x16xf32, #tpu.memory_space<vmem>>, %arg11: memref<125x16xf32, #tpu.memory_space<vmem>>, %arg12: memref<125x16xf32, #tpu.memory_space<vmem>>, %arg13: memref<125x16xf32, #tpu.memory_space<vmem>>, %arg14: memref<125x16xf32, #tpu.memory_space<vmem>>, %arg15: memref<125x16xf32, #tpu.memory_space<vmem>>, %arg16: memref<125x16xf32, #tpu.memory_space<vmem>>, %arg17: memref<125x16xf32, #tpu.memory_space<vmem>>, %arg18: memref<10240x16xf32, #tpu.memory_space<vmem_shared>>, %arg19: memref<10240x16xf32, #tpu.memory_space<vmem_shared>>, %arg20: memref<!tpu.dma_semaphore, #tpu.memory_space<semaphore_mem>>, %arg21: memref<!tpu.dma_semaphore, #tpu.memory_space<semaphore_mem>>, %arg22: memref<!tpu.dma_semaphore, #tpu.memory_space<semaphore_mem>>, %arg23: memref<!tpu.dma_semaphore, #tpu.memory_space<semaphore_mem>>, %arg24: memref<!tpu.dma_semaphore, #tpu.memory_space<semaphore_mem>>, %arg25: memref<!tpu.dma_semaphore, #tpu.memory_space<semaphore_mem>>, %arg26: memref<!tpu.dma_semaphore, #tpu.memory_space<semaphore_mem>>, %arg27: memref<!tpu.dma_semaphore, #tpu.memory_space<semaphore_mem>>, %arg28: memref<!tpu.dma_semaphore, #tpu.memory_space<semaphore_mem>>, %arg29: memref<!tpu.dma_semaphore, #tpu.memory_space<semaphore_mem>>, %arg30: memref<!tpu.dma_semaphore, #tpu.memory_space<semaphore_mem>>, %arg31: memref<!tpu.dma_semaphore, #tpu.memory_space<semaphore_mem>>, %arg32: memref<!tpu.dma_semaphore, #tpu.memory_space<semaphore_mem>>, %arg33: memref<!tpu.dma_semaphore, #tpu.memory_space<semaphore_mem>>, %arg34: memref<!tpu.dma_semaphore, #tpu.memory_space<semaphore_mem>>, %arg35: memref<!tpu.dma_semaphore, #tpu.memory_space<semaphore_mem>>, %arg36: memref<!tpu.dma_semaphore, #tpu.memory_space<semaphore_mem>>, %arg37: memref<!tpu.dma_semaphore, #tpu.memory_space<semaphore_mem>>, %arg38: memref<!tpu.dma_semaphore, #tpu.memory_space<semaphore_mem>>, %arg39: memref<!tpu.dma_semaphore, #tpu.memory_space<semaphore_mem>>) attributes {dimension_semantics = [#tpu.dimension_semantics<core_parallel>, #tpu.dimension_semantics<subcore_parallel>], iteration_bounds = array<i64: 2, 16>, scalar_prefetch = 0 : i64, scratch_operands = 34 : i64, tpu.core_type = #tpu.core_type<sc_vector_subcore>, window_params = [{transform_indices = #map}, {transform_indices = #map1}, {transform_indices = #map}, {transform_indices = #map2}]} {
    %mul3A = arith.constant 2 : i32
    %mul3A_0 = arith.muli %arg1, %mul3A : i32
    %add3A = arith.addi %mul3A_0, %arg0 : i32
    %mul3A_1 = arith.constant 640 : i32
    %mul3A_2 = arith.muli %arg1, %mul3A_1 : i32
    %run_scoped3A = arith.constant 0 : i32
    "tpu.region"() ({
      %run_scoped3A_113 = tpu.sem_alloc : memref<!tpu.dma_semaphore, #tpu.memory_space<semaphore_mem>>
      %dma_start3A_114 = arith.constant 0 : i32
      %dma_start3A_115 = arith.constant 0 : i32
      %dma_start3A_116 = tpu.memref_slice %arg3[%run_scoped3A, %add3A, %dma_start3A_114, %dma_start3A_115] : memref<2x32x80x125xi32, #tpu.memory_space<hbm>> -> memref<1x1x80x125xi32, #tpu.memory_space<hbm>>
      %dma_start3A_117 = tpu.memref_squeeze %dma_start3A_116 : memref<1x1x80x125xi32, #tpu.memory_space<hbm>> -> memref<80x125xi32, #tpu.memory_space<hbm>>
      %dma_start3A_118 = arith.constant 0 : i32
      %dma_start3A_119 = arith.constant 0 : i32
      %dma_start3A_120 = tpu.memref_slice %arg3[%run_scoped3A, %add3A, %dma_start3A_118, %dma_start3A_119] : memref<2x32x80x125xi32, #tpu.memory_space<hbm>> -> memref<1x1x80x125xi32, #tpu.memory_space<hbm>>
      %dma_start3A_121 = tpu.memref_squeeze %dma_start3A_120 : memref<1x1x80x125xi32, #tpu.memory_space<hbm>> -> memref<80x125xi32, #tpu.memory_space<hbm>>
      tpu.enqueue_dma source(%dma_start3A_121 : memref<80x125xi32, #tpu.memory_space<hbm>>) target(%arg6 : memref<80x125xi32, #tpu.memory_space<vmem>>) target_semaphore(%run_scoped3A_113 : memref<!tpu.dma_semaphore, #tpu.memory_space<semaphore_mem>>)
      %dma_wait3A_122 = arith.constant 0 : i32
      %dma_wait3A_123 = arith.constant 0 : i32
      %dma_wait3A_124 = tpu.memref_slice %arg3[%run_scoped3A, %add3A, %dma_wait3A_122, %dma_wait3A_123] : memref<2x32x80x125xi32, #tpu.memory_space<hbm>> -> memref<1x1x80x125xi32, #tpu.memory_space<hbm>>
      %dma_wait3A_125 = tpu.memref_squeeze %dma_wait3A_124 : memref<1x1x80x125xi32, #tpu.memory_space<hbm>> -> memref<80x125xi32, #tpu.memory_space<hbm>>
      %dma_wait3A_126 = arith.constant 0 : i32
      %dma_wait3A_127 = arith.constant 0 : i32
      %dma_wait3A_128 = tpu.memref_slice %arg3[%run_scoped3A, %add3A, %dma_wait3A_126, %dma_wait3A_127] : memref<2x32x80x125xi32, #tpu.memory_space<hbm>> -> memref<1x1x80x125xi32, #tpu.memory_space<hbm>>
      %dma_wait3A_129 = tpu.memref_squeeze %dma_wait3A_128 : memref<1x1x80x125xi32, #tpu.memory_space<hbm>> -> memref<80x125xi32, #tpu.memory_space<hbm>>
      tpu.wait_dma2 semaphore(%run_scoped3A_113 : memref<!tpu.dma_semaphore, #tpu.memory_space<semaphore_mem>>) src(%dma_wait3A_129 : memref<80x125xi32, #tpu.memory_space<hbm>>) dst(%arg6 : memref<80x125xi32, #tpu.memory_space<vmem>>)
      tpu.yield
    }) : () -> ()
    %run_scoped3A_3 = arith.constant 1 : i32
    "tpu.region"() ({
      %run_scoped3A_113 = tpu.sem_alloc : memref<!tpu.dma_semaphore, #tpu.memory_space<semaphore_mem>>
      %dma_start3A_114 = arith.constant 0 : i32
      %dma_start3A_115 = arith.constant 0 : i32
      %dma_start3A_116 = tpu.memref_slice %arg3[%run_scoped3A_3, %add3A, %dma_start3A_114, %dma_start3A_115] : memref<2x32x80x125xi32, #tpu.memory_space<hbm>> -> memref<1x1x80x125xi32, #tpu.memory_space<hbm>>
      %dma_start3A_117 = tpu.memref_squeeze %dma_start3A_116 : memref<1x1x80x125xi32, #tpu.memory_space<hbm>> -> memref<80x125xi32, #tpu.memory_space<hbm>>
      %dma_start3A_118 = arith.constant 0 : i32
      %dma_start3A_119 = arith.constant 0 : i32
      %dma_start3A_120 = tpu.memref_slice %arg3[%run_scoped3A_3, %add3A, %dma_start3A_118, %dma_start3A_119] : memref<2x32x80x125xi32, #tpu.memory_space<hbm>> -> memref<1x1x80x125xi32, #tpu.memory_space<hbm>>
      %dma_start3A_121 = tpu.memref_squeeze %dma_start3A_120 : memref<1x1x80x125xi32, #tpu.memory_space<hbm>> -> memref<80x125xi32, #tpu.memory_space<hbm>>
      tpu.enqueue_dma source(%dma_start3A_121 : memref<80x125xi32, #tpu.memory_space<hbm>>) target(%arg7 : memref<80x125xi32, #tpu.memory_space<vmem>>) target_semaphore(%run_scoped3A_113 : memref<!tpu.dma_semaphore, #tpu.memory_space<semaphore_mem>>)
      %dma_wait3A_122 = arith.constant 0 : i32
      %dma_wait3A_123 = arith.constant 0 : i32
      %dma_wait3A_124 = tpu.memref_slice %arg3[%run_scoped3A_3, %add3A, %dma_wait3A_122, %dma_wait3A_123] : memref<2x32x80x125xi32, #tpu.memory_space<hbm>> -> memref<1x1x80x125xi32, #tpu.memory_space<hbm>>
      %dma_wait3A_125 = tpu.memref_squeeze %dma_wait3A_124 : memref<1x1x80x125xi32, #tpu.memory_space<hbm>> -> memref<80x125xi32, #tpu.memory_space<hbm>>
      %dma_wait3A_126 = arith.constant 0 : i32
      %dma_wait3A_127 = arith.constant 0 : i32
      %dma_wait3A_128 = tpu.memref_slice %arg3[%run_scoped3A_3, %add3A, %dma_wait3A_126, %dma_wait3A_127] : memref<2x32x80x125xi32, #tpu.memory_space<hbm>> -> memref<1x1x80x125xi32, #tpu.memory_space<hbm>>
      %dma_wait3A_129 = tpu.memref_squeeze %dma_wait3A_128 : memref<1x1x80x125xi32, #tpu.memory_space<hbm>> -> memref<80x125xi32, #tpu.memory_space<hbm>>
      tpu.wait_dma2 semaphore(%run_scoped3A_113 : memref<!tpu.dma_semaphore, #tpu.memory_space<semaphore_mem>>) src(%dma_wait3A_129 : memref<80x125xi32, #tpu.memory_space<hbm>>) dst(%arg7 : memref<80x125xi32, #tpu.memory_space<vmem>>)
      tpu.yield
    }) : () -> ()
    "tpu.region"() ({
      %run_scoped3A_113 = tpu.sem_alloc : memref<!tpu.dma_semaphore, #tpu.memory_space<semaphore_mem>>
      %dma_start3A_114 = arith.constant 0 : i32
      %dma_start3A_115 = tpu.memref_slice %arg18[%mul3A_2, %dma_start3A_114] : memref<10240x16xf32, #tpu.memory_space<vmem_shared>> -> memref<640x16xf32, #tpu.memory_space<vmem_shared>>
      %dma_start3A_116 = arith.constant 0 : i32
      %dma_start3A_117 = tpu.memref_slice %arg4[%mul3A_2, %dma_start3A_116] : memref<10240x16xf32, #tpu.memory_space<hbm>> -> memref<640x16xf32, #tpu.memory_space<hbm>>
      tpu.enqueue_dma source(%dma_start3A_117 : memref<640x16xf32, #tpu.memory_space<hbm>>) target(%dma_start3A_115 : memref<640x16xf32, #tpu.memory_space<vmem_shared>>) target_semaphore(%run_scoped3A_113 : memref<!tpu.dma_semaphore, #tpu.memory_space<semaphore_mem>>)
      %dma_wait3A_118 = arith.constant 0 : i32
      %dma_wait3A_119 = tpu.memref_slice %arg18[%mul3A_2, %dma_wait3A_118] : memref<10240x16xf32, #tpu.memory_space<vmem_shared>> -> memref<640x16xf32, #tpu.memory_space<vmem_shared>>
      %dma_wait3A_120 = arith.constant 0 : i32
      %dma_wait3A_121 = tpu.memref_slice %arg4[%mul3A_2, %dma_wait3A_120] : memref<10240x16xf32, #tpu.memory_space<hbm>> -> memref<640x16xf32, #tpu.memory_space<hbm>>
      tpu.wait_dma2 semaphore(%run_scoped3A_113 : memref<!tpu.dma_semaphore, #tpu.memory_space<semaphore_mem>>) src(%dma_wait3A_121 : memref<640x16xf32, #tpu.memory_space<hbm>>) dst(%dma_wait3A_119 : memref<640x16xf32, #tpu.memory_space<vmem_shared>>)
      tpu.yield
    }) : () -> ()
    "tpu.region"() ({
      %run_scoped3A_113 = tpu.sem_alloc : memref<!tpu.dma_semaphore, #tpu.memory_space<semaphore_mem>>
      %dma_start3A_114 = arith.constant 0 : i32
      %dma_start3A_115 = tpu.memref_slice %arg19[%mul3A_2, %dma_start3A_114] : memref<10240x16xf32, #tpu.memory_space<vmem_shared>> -> memref<640x16xf32, #tpu.memory_space<vmem_shared>>
      %dma_start3A_116 = arith.constant 0 : i32
      %dma_start3A_117 = tpu.memref_slice %arg2[%mul3A_2, %dma_start3A_116] : memref<10240x16xf32, #tpu.memory_space<hbm>> -> memref<640x16xf32, #tpu.memory_space<hbm>>
      tpu.enqueue_dma source(%dma_start3A_117 : memref<640x16xf32, #tpu.memory_space<hbm>>) target(%dma_start3A_115 : memref<640x16xf32, #tpu.memory_space<vmem_shared>>) target_semaphore(%run_scoped3A_113 : memref<!tpu.dma_semaphore, #tpu.memory_space<semaphore_mem>>)
      %dma_wait3A_118 = arith.constant 0 : i32
      %dma_wait3A_119 = tpu.memref_slice %arg19[%mul3A_2, %dma_wait3A_118] : memref<10240x16xf32, #tpu.memory_space<vmem_shared>> -> memref<640x16xf32, #tpu.memory_space<vmem_shared>>
      %dma_wait3A_120 = arith.constant 0 : i32
      %dma_wait3A_121 = tpu.memref_slice %arg2[%mul3A_2, %dma_wait3A_120] : memref<10240x16xf32, #tpu.memory_space<hbm>> -> memref<640x16xf32, #tpu.memory_space<hbm>>
      tpu.wait_dma2 semaphore(%run_scoped3A_113 : memref<!tpu.dma_semaphore, #tpu.memory_space<semaphore_mem>>) src(%dma_wait3A_121 : memref<640x16xf32, #tpu.memory_space<hbm>>) dst(%dma_wait3A_119 : memref<640x16xf32, #tpu.memory_space<vmem_shared>>)
      tpu.yield
    }) : () -> ()
    %barrier3A = arith.constant 0 : index
    tpu.barrier barrier_id(%barrier3A)
    %dma_start3A = arith.constant 0 : i32
    %dma_start3A_4 = arith.constant 0 : i32
    %dma_start3A_5 = tpu.memref_slice %arg6[%dma_start3A, %dma_start3A_4] : memref<80x125xi32, #tpu.memory_space<vmem>> -> memref<1x125xi32, #tpu.memory_space<vmem>>
    %dma_start3A_6 = tpu.memref_squeeze %dma_start3A_5 : memref<1x125xi32, #tpu.memory_space<vmem>> -> memref<125xi32, #tpu.memory_space<vmem>>
    %dma_start3A_7 = arith.constant 0 : i32
    %dma_start3A_8 = arith.constant 0 : i32
    %dma_start3A_9 = tpu.memref_slice %arg19[%dma_start3A_7, %dma_start3A_8] : memref<10240x16xf32, #tpu.memory_space<vmem_shared>> -> memref<10240x16xf32, #tpu.memory_space<vmem_shared>>
    tpu.enqueue_indirect_dma source(%dma_start3A_9 : memref<10240x16xf32, #tpu.memory_space<vmem_shared>>) target(%arg8 : memref<125x16xf32, #tpu.memory_space<vmem>>) offsets(%dma_start3A_6 : memref<125xi32, #tpu.memory_space<vmem>>) semaphore(%arg20 : memref<!tpu.dma_semaphore, #tpu.memory_space<semaphore_mem>>)
    %dma_start3A_10 = arith.constant 1 : i32
    %dma_start3A_11 = arith.constant 0 : i32
    %dma_start3A_12 = tpu.memref_slice %arg6[%dma_start3A_10, %dma_start3A_11] : memref<80x125xi32, #tpu.memory_space<vmem>> -> memref<1x125xi32, #tpu.memory_space<vmem>>
    %dma_start3A_13 = tpu.memref_squeeze %dma_start3A_12 : memref<1x125xi32, #tpu.memory_space<vmem>> -> memref<125xi32, #tpu.memory_space<vmem>>
    %dma_start3A_14 = arith.constant 0 : i32
    %dma_start3A_15 = arith.constant 0 : i32
    %dma_start3A_16 = tpu.memref_slice %arg19[%dma_start3A_14, %dma_start3A_15] : memref<10240x16xf32, #tpu.memory_space<vmem_shared>> -> memref<10240x16xf32, #tpu.memory_space<vmem_shared>>
    tpu.enqueue_indirect_dma source(%dma_start3A_16 : memref<10240x16xf32, #tpu.memory_space<vmem_shared>>) target(%arg9 : memref<125x16xf32, #tpu.memory_space<vmem>>) offsets(%dma_start3A_13 : memref<125xi32, #tpu.memory_space<vmem>>) semaphore(%arg21 : memref<!tpu.dma_semaphore, #tpu.memory_space<semaphore_mem>>)
    %dma_start3A_17 = arith.constant 2 : i32
    %dma_start3A_18 = arith.constant 0 : i32
    %dma_start3A_19 = tpu.memref_slice %arg6[%dma_start3A_17, %dma_start3A_18] : memref<80x125xi32, #tpu.memory_space<vmem>> -> memref<1x125xi32, #tpu.memory_space<vmem>>
    %dma_start3A_20 = tpu.memref_squeeze %dma_start3A_19 : memref<1x125xi32, #tpu.memory_space<vmem>> -> memref<125xi32, #tpu.memory_space<vmem>>
    %dma_start3A_21 = arith.constant 0 : i32
    %dma_start3A_22 = arith.constant 0 : i32
    %dma_start3A_23 = tpu.memref_slice %arg19[%dma_start3A_21, %dma_start3A_22] : memref<10240x16xf32, #tpu.memory_space<vmem_shared>> -> memref<10240x16xf32, #tpu.memory_space<vmem_shared>>
    tpu.enqueue_indirect_dma source(%dma_start3A_23 : memref<10240x16xf32, #tpu.memory_space<vmem_shared>>) target(%arg10 : memref<125x16xf32, #tpu.memory_space<vmem>>) offsets(%dma_start3A_20 : memref<125xi32, #tpu.memory_space<vmem>>) semaphore(%arg22 : memref<!tpu.dma_semaphore, #tpu.memory_space<semaphore_mem>>)
    %dma_start3A_24 = arith.constant 3 : i32
    %dma_start3A_25 = arith.constant 0 : i32
    %dma_start3A_26 = tpu.memref_slice %arg6[%dma_start3A_24, %dma_start3A_25] : memref<80x125xi32, #tpu.memory_space<vmem>> -> memref<1x125xi32, #tpu.memory_space<vmem>>
    %dma_start3A_27 = tpu.memref_squeeze %dma_start3A_26 : memref<1x125xi32, #tpu.memory_space<vmem>> -> memref<125xi32, #tpu.memory_space<vmem>>
    %dma_start3A_28 = arith.constant 0 : i32
    %dma_start3A_29 = arith.constant 0 : i32
    %dma_start3A_30 = tpu.memref_slice %arg19[%dma_start3A_28, %dma_start3A_29] : memref<10240x16xf32, #tpu.memory_space<vmem_shared>> -> memref<10240x16xf32, #tpu.memory_space<vmem_shared>>
    tpu.enqueue_indirect_dma source(%dma_start3A_30 : memref<10240x16xf32, #tpu.memory_space<vmem_shared>>) target(%arg11 : memref<125x16xf32, #tpu.memory_space<vmem>>) offsets(%dma_start3A_27 : memref<125xi32, #tpu.memory_space<vmem>>) semaphore(%arg23 : memref<!tpu.dma_semaphore, #tpu.memory_space<semaphore_mem>>)
    %dma_start3A_31 = arith.constant 4 : i32
    %dma_start3A_32 = arith.constant 0 : i32
    %dma_start3A_33 = tpu.memref_slice %arg6[%dma_start3A_31, %dma_start3A_32] : memref<80x125xi32, #tpu.memory_space<vmem>> -> memref<1x125xi32, #tpu.memory_space<vmem>>
    %dma_start3A_34 = tpu.memref_squeeze %dma_start3A_33 : memref<1x125xi32, #tpu.memory_space<vmem>> -> memref<125xi32, #tpu.memory_space<vmem>>
    %dma_start3A_35 = arith.constant 0 : i32
    %dma_start3A_36 = arith.constant 0 : i32
    %dma_start3A_37 = tpu.memref_slice %arg19[%dma_start3A_35, %dma_start3A_36] : memref<10240x16xf32, #tpu.memory_space<vmem_shared>> -> memref<10240x16xf32, #tpu.memory_space<vmem_shared>>
    tpu.enqueue_indirect_dma source(%dma_start3A_37 : memref<10240x16xf32, #tpu.memory_space<vmem_shared>>) target(%arg12 : memref<125x16xf32, #tpu.memory_space<vmem>>) offsets(%dma_start3A_34 : memref<125xi32, #tpu.memory_space<vmem>>) semaphore(%arg24 : memref<!tpu.dma_semaphore, #tpu.memory_space<semaphore_mem>>)
    %scan3A = arith.constant 0 : i32
    %scan3A_38 = arith.constant 0 : i32
    %scan3A_39 = arith.constant 8 : i32
    %scan3A_40 = arith.addi %scan3A_38, %scan3A_39 : i32
    %scan3A_41 = arith.constant 1 : i32
    scf.for %scan3A_113 = %scan3A_38 to %scan3A_40 step %scan3A_41  : i32 {
      %mul3A_114 = arith.constant 10 : i32
      %mul3A_115 = arith.muli %mul3A_114, %scan3A_113 : i32
      %add3A_116 = arith.constant 0 : i32
      %add3A_117 = arith.addi %mul3A_115, %add3A_116 : i32
      %dma_wait3A_118 = arith.constant 0 : i32
      %dma_wait3A_119 = tpu.memref_slice %arg6[%add3A_117, %dma_wait3A_118] : memref<80x125xi32, #tpu.memory_space<vmem>> -> memref<1x125xi32, #tpu.memory_space<vmem>>
      %dma_wait3A_120 = tpu.memref_squeeze %dma_wait3A_119 : memref<1x125xi32, #tpu.memory_space<vmem>> -> memref<125xi32, #tpu.memory_space<vmem>>
      %dma_wait3A_121 = arith.constant 0 : i32
      %dma_wait3A_122 = arith.constant 0 : i32
      %dma_wait3A_123 = tpu.memref_slice %arg19[%dma_wait3A_121, %dma_wait3A_122] : memref<10240x16xf32, #tpu.memory_space<vmem_shared>> -> memref<10240x16xf32, #tpu.memory_space<vmem_shared>>
      tpu.wait_indirect_dma semaphore(%arg20 : memref<!tpu.dma_semaphore, #tpu.memory_space<semaphore_mem>>) src(%dma_wait3A_123 : memref<10240x16xf32, #tpu.memory_space<vmem_shared>>) dst(%arg8 : memref<125x16xf32, #tpu.memory_space<vmem>>)
      %dma_start3A_124 = arith.constant 0 : i32
      %dma_start3A_125 = tpu.memref_slice %arg7[%add3A_117, %dma_start3A_124] : memref<80x125xi32, #tpu.memory_space<vmem>> -> memref<1x125xi32, #tpu.memory_space<vmem>>
      %dma_start3A_126 = tpu.memref_squeeze %dma_start3A_125 : memref<1x125xi32, #tpu.memory_space<vmem>> -> memref<125xi32, #tpu.memory_space<vmem>>
      %dma_start3A_127 = arith.constant 0 : i32
      %dma_start3A_128 = arith.constant 0 : i32
      %dma_start3A_129 = tpu.memref_slice %arg18[%dma_start3A_127, %dma_start3A_128] : memref<10240x16xf32, #tpu.memory_space<vmem_shared>> -> memref<10240x16xf32, #tpu.memory_space<vmem_shared>>
      tpu.enqueue_indirect_dma source(%arg8 : memref<125x16xf32, #tpu.memory_space<vmem>>) target(%dma_start3A_129 : memref<10240x16xf32, #tpu.memory_space<vmem_shared>>) offsets(%dma_start3A_126 : memref<125xi32, #tpu.memory_space<vmem>>) semaphore(%arg30 : memref<!tpu.dma_semaphore, #tpu.memory_space<semaphore_mem>>) {add = true}
      %add3A_130 = arith.constant 5 : i32
      %add3A_131 = arith.addi %add3A_117, %add3A_130 : i32
      %lt3A = arith.constant 80 : i32
      %lt3A_132 = arith.cmpi slt, %add3A_131, %lt3A : i32
      %convert_element_type3A = arith.extui %lt3A_132 : i1 to i32
      %cond3A = arith.constant 0 : i32
      %cond3A_133 = arith.cmpi ne, %convert_element_type3A, %cond3A : i32
      scf.if %cond3A_133 {
        %ge3A = arith.constant 10 : i32
        %ge3A_341 = arith.cmpi sge, %add3A_131, %ge3A : i32
        %convert_element_type3A_342 = arith.extui %ge3A_341 : i1 to i32
        %cond3A_343 = arith.constant 0 : i32
        %cond3A_344 = arith.cmpi ne, %convert_element_type3A_342, %cond3A_343 : i32
        scf.if %cond3A_344 {
          %sub3A = arith.constant 10 : i32
          %sub3A_351 = arith.subi %add3A_131, %sub3A : i32
          %dma_wait3A_352 = arith.constant 0 : i32
          %dma_wait3A_353 = tpu.memref_slice %arg7[%sub3A_351, %dma_wait3A_352] : memref<80x125xi32, #tpu.memory_space<vmem>> -> memref<1x125xi32, #tpu.memory_space<vmem>>
          %dma_wait3A_354 = tpu.memref_squeeze %dma_wait3A_353 : memref<1x125xi32, #tpu.memory_space<vmem>> -> memref<125xi32, #tpu.memory_space<vmem>>
          %dma_wait3A_355 = arith.constant 0 : i32
          %dma_wait3A_356 = arith.constant 0 : i32
          %dma_wait3A_357 = tpu.memref_slice %arg18[%dma_wait3A_355, %dma_wait3A_356] : memref<10240x16xf32, #tpu.memory_space<vmem_shared>> -> memref<10240x16xf32, #tpu.memory_space<vmem_shared>>
          tpu.wait_indirect_dma semaphore(%arg35 : memref<!tpu.dma_semaphore, #tpu.memory_space<semaphore_mem>>) src(%arg13 : memref<125x16xf32, #tpu.memory_space<vmem>>) dst(%dma_wait3A_357 : memref<10240x16xf32, #tpu.memory_space<vmem_shared>>)
        } else {
        }
        %dma_start3A_345 = arith.constant 0 : i32
        %dma_start3A_346 = tpu.memref_slice %arg6[%add3A_131, %dma_start3A_345] : memref<80x125xi32, #tpu.memory_space<vmem>> -> memref<1x125xi32, #tpu.memory_space<vmem>>
        %dma_start3A_347 = tpu.memref_squeeze %dma_start3A_346 : memref<1x125xi32, #tpu.memory_space<vmem>> -> memref<125xi32, #tpu.memory_space<vmem>>
        %dma_start3A_348 = arith.constant 0 : i32
        %dma_start3A_349 = arith.constant 0 : i32
        %dma_start3A_350 = tpu.memref_slice %arg19[%dma_start3A_348, %dma_start3A_349] : memref<10240x16xf32, #tpu.memory_space<vmem_shared>> -> memref<10240x16xf32, #tpu.memory_space<vmem_shared>>
        tpu.enqueue_indirect_dma source(%dma_start3A_350 : memref<10240x16xf32, #tpu.memory_space<vmem_shared>>) target(%arg13 : memref<125x16xf32, #tpu.memory_space<vmem>>) offsets(%dma_start3A_347 : memref<125xi32, #tpu.memory_space<vmem>>) semaphore(%arg25 : memref<!tpu.dma_semaphore, #tpu.memory_space<semaphore_mem>>)
      } else {
      }
      %mul3A_134 = arith.constant 10 : i32
      %mul3A_135 = arith.muli %mul3A_134, %scan3A_113 : i32
      %add3A_136 = arith.constant 1 : i32
      %add3A_137 = arith.addi %mul3A_135, %add3A_136 : i32
      %dma_wait3A_138 = arith.constant 0 : i32
      %dma_wait3A_139 = tpu.memref_slice %arg6[%add3A_137, %dma_wait3A_138] : memref<80x125xi32, #tpu.memory_space<vmem>> -> memref<1x125xi32, #tpu.memory_space<vmem>>
      %dma_wait3A_140 = tpu.memref_squeeze %dma_wait3A_139 : memref<1x125xi32, #tpu.memory_space<vmem>> -> memref<125xi32, #tpu.memory_space<vmem>>
      %dma_wait3A_141 = arith.constant 0 : i32
      %dma_wait3A_142 = arith.constant 0 : i32
      %dma_wait3A_143 = tpu.memref_slice %arg19[%dma_wait3A_141, %dma_wait3A_142] : memref<10240x16xf32, #tpu.memory_space<vmem_shared>> -> memref<10240x16xf32, #tpu.memory_space<vmem_shared>>
      tpu.wait_indirect_dma semaphore(%arg21 : memref<!tpu.dma_semaphore, #tpu.memory_space<semaphore_mem>>) src(%dma_wait3A_143 : memref<10240x16xf32, #tpu.memory_space<vmem_shared>>) dst(%arg9 : memref<125x16xf32, #tpu.memory_space<vmem>>)
      %dma_start3A_144 = arith.constant 0 : i32
      %dma_start3A_145 = tpu.memref_slice %arg7[%add3A_137, %dma_start3A_144] : memref<80x125xi32, #tpu.memory_space<vmem>> -> memref<1x125xi32, #tpu.memory_space<vmem>>
      %dma_start3A_146 = tpu.memref_squeeze %dma_start3A_145 : memref<1x125xi32, #tpu.memory_space<vmem>> -> memref<125xi32, #tpu.memory_space<vmem>>
      %dma_start3A_147 = arith.constant 0 : i32
      %dma_start3A_148 = arith.constant 0 : i32
      %dma_start3A_149 = tpu.memref_slice %arg18[%dma_start3A_147, %dma_start3A_148] : memref<10240x16xf32, #tpu.memory_space<vmem_shared>> -> memref<10240x16xf32, #tpu.memory_space<vmem_shared>>
      tpu.enqueue_indirect_dma source(%arg9 : memref<125x16xf32, #tpu.memory_space<vmem>>) target(%dma_start3A_149 : memref<10240x16xf32, #tpu.memory_space<vmem_shared>>) offsets(%dma_start3A_146 : memref<125xi32, #tpu.memory_space<vmem>>) semaphore(%arg31 : memref<!tpu.dma_semaphore, #tpu.memory_space<semaphore_mem>>) {add = true}
      %add3A_150 = arith.constant 5 : i32
      %add3A_151 = arith.addi %add3A_137, %add3A_150 : i32
      %lt3A_152 = arith.constant 80 : i32
      %lt3A_153 = arith.cmpi slt, %add3A_151, %lt3A_152 : i32
      %convert_element_type3A_154 = arith.extui %lt3A_153 : i1 to i32
      %cond3A_155 = arith.constant 0 : i32
      %cond3A_156 = arith.cmpi ne, %convert_element_type3A_154, %cond3A_155 : i32
      scf.if %cond3A_156 {
        %ge3A = arith.constant 10 : i32
        %ge3A_341 = arith.cmpi sge, %add3A_151, %ge3A : i32
        %convert_element_type3A_342 = arith.extui %ge3A_341 : i1 to i32
        %cond3A_343 = arith.constant 0 : i32
        %cond3A_344 = arith.cmpi ne, %convert_element_type3A_342, %cond3A_343 : i32
        scf.if %cond3A_344 {
          %sub3A = arith.constant 10 : i32
          %sub3A_351 = arith.subi %add3A_151, %sub3A : i32
          %dma_wait3A_352 = arith.constant 0 : i32
          %dma_wait3A_353 = tpu.memref_slice %arg7[%sub3A_351, %dma_wait3A_352] : memref<80x125xi32, #tpu.memory_space<vmem>> -> memref<1x125xi32, #tpu.memory_space<vmem>>
          %dma_wait3A_354 = tpu.memref_squeeze %dma_wait3A_353 : memref<1x125xi32, #tpu.memory_space<vmem>> -> memref<125xi32, #tpu.memory_space<vmem>>
          %dma_wait3A_355 = arith.constant 0 : i32
          %dma_wait3A_356 = arith.constant 0 : i32
          %dma_wait3A_357 = tpu.memref_slice %arg18[%dma_wait3A_355, %dma_wait3A_356] : memref<10240x16xf32, #tpu.memory_space<vmem_shared>> -> memref<10240x16xf32, #tpu.memory_space<vmem_shared>>
          tpu.wait_indirect_dma semaphore(%arg36 : memref<!tpu.dma_semaphore, #tpu.memory_space<semaphore_mem>>) src(%arg14 : memref<125x16xf32, #tpu.memory_space<vmem>>) dst(%dma_wait3A_357 : memref<10240x16xf32, #tpu.memory_space<vmem_shared>>)
        } else {
        }
        %dma_start3A_345 = arith.constant 0 : i32
        %dma_start3A_346 = tpu.memref_slice %arg6[%add3A_151, %dma_start3A_345] : memref<80x125xi32, #tpu.memory_space<vmem>> -> memref<1x125xi32, #tpu.memory_space<vmem>>
        %dma_start3A_347 = tpu.memref_squeeze %dma_start3A_346 : memref<1x125xi32, #tpu.memory_space<vmem>> -> memref<125xi32, #tpu.memory_space<vmem>>
        %dma_start3A_348 = arith.constant 0 : i32
        %dma_start3A_349 = arith.constant 0 : i32
        %dma_start3A_350 = tpu.memref_slice %arg19[%dma_start3A_348, %dma_start3A_349] : memref<10240x16xf32, #tpu.memory_space<vmem_shared>> -> memref<10240x16xf32, #tpu.memory_space<vmem_shared>>
        tpu.enqueue_indirect_dma source(%dma_start3A_350 : memref<10240x16xf32, #tpu.memory_space<vmem_shared>>) target(%arg14 : memref<125x16xf32, #tpu.memory_space<vmem>>) offsets(%dma_start3A_347 : memref<125xi32, #tpu.memory_space<vmem>>) semaphore(%arg26 : memref<!tpu.dma_semaphore, #tpu.memory_space<semaphore_mem>>)
      } else {
      }
      %mul3A_157 = arith.constant 10 : i32
      %mul3A_158 = arith.muli %mul3A_157, %scan3A_113 : i32
      %add3A_159 = arith.constant 2 : i32
      %add3A_160 = arith.addi %mul3A_158, %add3A_159 : i32
      %dma_wait3A_161 = arith.constant 0 : i32
      %dma_wait3A_162 = tpu.memref_slice %arg6[%add3A_160, %dma_wait3A_161] : memref<80x125xi32, #tpu.memory_space<vmem>> -> memref<1x125xi32, #tpu.memory_space<vmem>>
      %dma_wait3A_163 = tpu.memref_squeeze %dma_wait3A_162 : memref<1x125xi32, #tpu.memory_space<vmem>> -> memref<125xi32, #tpu.memory_space<vmem>>
      %dma_wait3A_164 = arith.constant 0 : i32
      %dma_wait3A_165 = arith.constant 0 : i32
      %dma_wait3A_166 = tpu.memref_slice %arg19[%dma_wait3A_164, %dma_wait3A_165] : memref<10240x16xf32, #tpu.memory_space<vmem_shared>> -> memref<10240x16xf32, #tpu.memory_space<vmem_shared>>
      tpu.wait_indirect_dma semaphore(%arg22 : memref<!tpu.dma_semaphore, #tpu.memory_space<semaphore_mem>>) src(%dma_wait3A_166 : memref<10240x16xf32, #tpu.memory_space<vmem_shared>>) dst(%arg10 : memref<125x16xf32, #tpu.memory_space<vmem>>)
      %dma_start3A_167 = arith.constant 0 : i32
      %dma_start3A_168 = tpu.memref_slice %arg7[%add3A_160, %dma_start3A_167] : memref<80x125xi32, #tpu.memory_space<vmem>> -> memref<1x125xi32, #tpu.memory_space<vmem>>
      %dma_start3A_169 = tpu.memref_squeeze %dma_start3A_168 : memref<1x125xi32, #tpu.memory_space<vmem>> -> memref<125xi32, #tpu.memory_space<vmem>>
      %dma_start3A_170 = arith.constant 0 : i32
      %dma_start3A_171 = arith.constant 0 : i32
      %dma_start3A_172 = tpu.memref_slice %arg18[%dma_start3A_170, %dma_start3A_171] : memref<10240x16xf32, #tpu.memory_space<vmem_shared>> -> memref<10240x16xf32, #tpu.memory_space<vmem_shared>>
      tpu.enqueue_indirect_dma source(%arg10 : memref<125x16xf32, #tpu.memory_space<vmem>>) target(%dma_start3A_172 : memref<10240x16xf32, #tpu.memory_space<vmem_shared>>) offsets(%dma_start3A_169 : memref<125xi32, #tpu.memory_space<vmem>>) semaphore(%arg32 : memref<!tpu.dma_semaphore, #tpu.memory_space<semaphore_mem>>) {add = true}
      %add3A_173 = arith.constant 5 : i32
      %add3A_174 = arith.addi %add3A_160, %add3A_173 : i32
      %lt3A_175 = arith.constant 80 : i32
      %lt3A_176 = arith.cmpi slt, %add3A_174, %lt3A_175 : i32
      %convert_element_type3A_177 = arith.extui %lt3A_176 : i1 to i32
      %cond3A_178 = arith.constant 0 : i32
      %cond3A_179 = arith.cmpi ne, %convert_element_type3A_177, %cond3A_178 : i32
      scf.if %cond3A_179 {
        %ge3A = arith.constant 10 : i32
        %ge3A_341 = arith.cmpi sge, %add3A_174, %ge3A : i32
        %convert_element_type3A_342 = arith.extui %ge3A_341 : i1 to i32
        %cond3A_343 = arith.constant 0 : i32
        %cond3A_344 = arith.cmpi ne, %convert_element_type3A_342, %cond3A_343 : i32
        scf.if %cond3A_344 {
          %sub3A = arith.constant 10 : i32
          %sub3A_351 = arith.subi %add3A_174, %sub3A : i32
          %dma_wait3A_352 = arith.constant 0 : i32
          %dma_wait3A_353 = tpu.memref_slice %arg7[%sub3A_351, %dma_wait3A_352] : memref<80x125xi32, #tpu.memory_space<vmem>> -> memref<1x125xi32, #tpu.memory_space<vmem>>
          %dma_wait3A_354 = tpu.memref_squeeze %dma_wait3A_353 : memref<1x125xi32, #tpu.memory_space<vmem>> -> memref<125xi32, #tpu.memory_space<vmem>>
          %dma_wait3A_355 = arith.constant 0 : i32
          %dma_wait3A_356 = arith.constant 0 : i32
          %dma_wait3A_357 = tpu.memref_slice %arg18[%dma_wait3A_355, %dma_wait3A_356] : memref<10240x16xf32, #tpu.memory_space<vmem_shared>> -> memref<10240x16xf32, #tpu.memory_space<vmem_shared>>
          tpu.wait_indirect_dma semaphore(%arg37 : memref<!tpu.dma_semaphore, #tpu.memory_space<semaphore_mem>>) src(%arg15 : memref<125x16xf32, #tpu.memory_space<vmem>>) dst(%dma_wait3A_357 : memref<10240x16xf32, #tpu.memory_space<vmem_shared>>)
        } else {
        }
        %dma_start3A_345 = arith.constant 0 : i32
        %dma_start3A_346 = tpu.memref_slice %arg6[%add3A_174, %dma_start3A_345] : memref<80x125xi32, #tpu.memory_space<vmem>> -> memref<1x125xi32, #tpu.memory_space<vmem>>
        %dma_start3A_347 = tpu.memref_squeeze %dma_start3A_346 : memref<1x125xi32, #tpu.memory_space<vmem>> -> memref<125xi32, #tpu.memory_space<vmem>>
        %dma_start3A_348 = arith.constant 0 : i32
        %dma_start3A_349 = arith.constant 0 : i32
        %dma_start3A_350 = tpu.memref_slice %arg19[%dma_start3A_348, %dma_start3A_349] : memref<10240x16xf32, #tpu.memory_space<vmem_shared>> -> memref<10240x16xf32, #tpu.memory_space<vmem_shared>>
        tpu.enqueue_indirect_dma source(%dma_start3A_350 : memref<10240x16xf32, #tpu.memory_space<vmem_shared>>) target(%arg15 : memref<125x16xf32, #tpu.memory_space<vmem>>) offsets(%dma_start3A_347 : memref<125xi32, #tpu.memory_space<vmem>>) semaphore(%arg27 : memref<!tpu.dma_semaphore, #tpu.memory_space<semaphore_mem>>)
      } else {
      }
      %mul3A_180 = arith.constant 10 : i32
      %mul3A_181 = arith.muli %mul3A_180, %scan3A_113 : i32
      %add3A_182 = arith.constant 3 : i32
      %add3A_183 = arith.addi %mul3A_181, %add3A_182 : i32
      %dma_wait3A_184 = arith.constant 0 : i32
      %dma_wait3A_185 = tpu.memref_slice %arg6[%add3A_183, %dma_wait3A_184] : memref<80x125xi32, #tpu.memory_space<vmem>> -> memref<1x125xi32, #tpu.memory_space<vmem>>
      %dma_wait3A_186 = tpu.memref_squeeze %dma_wait3A_185 : memref<1x125xi32, #tpu.memory_space<vmem>> -> memref<125xi32, #tpu.memory_space<vmem>>
      %dma_wait3A_187 = arith.constant 0 : i32
      %dma_wait3A_188 = arith.constant 0 : i32
      %dma_wait3A_189 = tpu.memref_slice %arg19[%dma_wait3A_187, %dma_wait3A_188] : memref<10240x16xf32, #tpu.memory_space<vmem_shared>> -> memref<10240x16xf32, #tpu.memory_space<vmem_shared>>
      tpu.wait_indirect_dma semaphore(%arg23 : memref<!tpu.dma_semaphore, #tpu.memory_space<semaphore_mem>>) src(%dma_wait3A_189 : memref<10240x16xf32, #tpu.memory_space<vmem_shared>>) dst(%arg11 : memref<125x16xf32, #tpu.memory_space<vmem>>)
      %dma_start3A_190 = arith.constant 0 : i32
      %dma_start3A_191 = tpu.memref_slice %arg7[%add3A_183, %dma_start3A_190] : memref<80x125xi32, #tpu.memory_space<vmem>> -> memref<1x125xi32, #tpu.memory_space<vmem>>
      %dma_start3A_192 = tpu.memref_squeeze %dma_start3A_191 : memref<1x125xi32, #tpu.memory_space<vmem>> -> memref<125xi32, #tpu.memory_space<vmem>>
      %dma_start3A_193 = arith.constant 0 : i32
      %dma_start3A_194 = arith.constant 0 : i32
      %dma_start3A_195 = tpu.memref_slice %arg18[%dma_start3A_193, %dma_start3A_194] : memref<10240x16xf32, #tpu.memory_space<vmem_shared>> -> memref<10240x16xf32, #tpu.memory_space<vmem_shared>>
      tpu.enqueue_indirect_dma source(%arg11 : memref<125x16xf32, #tpu.memory_space<vmem>>) target(%dma_start3A_195 : memref<10240x16xf32, #tpu.memory_space<vmem_shared>>) offsets(%dma_start3A_192 : memref<125xi32, #tpu.memory_space<vmem>>) semaphore(%arg33 : memref<!tpu.dma_semaphore, #tpu.memory_space<semaphore_mem>>) {add = true}
      %add3A_196 = arith.constant 5 : i32
      %add3A_197 = arith.addi %add3A_183, %add3A_196 : i32
      %lt3A_198 = arith.constant 80 : i32
      %lt3A_199 = arith.cmpi slt, %add3A_197, %lt3A_198 : i32
      %convert_element_type3A_200 = arith.extui %lt3A_199 : i1 to i32
      %cond3A_201 = arith.constant 0 : i32
      %cond3A_202 = arith.cmpi ne, %convert_element_type3A_200, %cond3A_201 : i32
      scf.if %cond3A_202 {
        %ge3A = arith.constant 10 : i32
        %ge3A_341 = arith.cmpi sge, %add3A_197, %ge3A : i32
        %convert_element_type3A_342 = arith.extui %ge3A_341 : i1 to i32
        %cond3A_343 = arith.constant 0 : i32
        %cond3A_344 = arith.cmpi ne, %convert_element_type3A_342, %cond3A_343 : i32
        scf.if %cond3A_344 {
          %sub3A = arith.constant 10 : i32
          %sub3A_351 = arith.subi %add3A_197, %sub3A : i32
          %dma_wait3A_352 = arith.constant 0 : i32
          %dma_wait3A_353 = tpu.memref_slice %arg7[%sub3A_351, %dma_wait3A_352] : memref<80x125xi32, #tpu.memory_space<vmem>> -> memref<1x125xi32, #tpu.memory_space<vmem>>
          %dma_wait3A_354 = tpu.memref_squeeze %dma_wait3A_353 : memref<1x125xi32, #tpu.memory_space<vmem>> -> memref<125xi32, #tpu.memory_space<vmem>>
          %dma_wait3A_355 = arith.constant 0 : i32
          %dma_wait3A_356 = arith.constant 0 : i32
          %dma_wait3A_357 = tpu.memref_slice %arg18[%dma_wait3A_355, %dma_wait3A_356] : memref<10240x16xf32, #tpu.memory_space<vmem_shared>> -> memref<10240x16xf32, #tpu.memory_space<vmem_shared>>
          tpu.wait_indirect_dma semaphore(%arg38 : memref<!tpu.dma_semaphore, #tpu.memory_space<semaphore_mem>>) src(%arg16 : memref<125x16xf32, #tpu.memory_space<vmem>>) dst(%dma_wait3A_357 : memref<10240x16xf32, #tpu.memory_space<vmem_shared>>)
        } else {
        }
        %dma_start3A_345 = arith.constant 0 : i32
        %dma_start3A_346 = tpu.memref_slice %arg6[%add3A_197, %dma_start3A_345] : memref<80x125xi32, #tpu.memory_space<vmem>> -> memref<1x125xi32, #tpu.memory_space<vmem>>
        %dma_start3A_347 = tpu.memref_squeeze %dma_start3A_346 : memref<1x125xi32, #tpu.memory_space<vmem>> -> memref<125xi32, #tpu.memory_space<vmem>>
        %dma_start3A_348 = arith.constant 0 : i32
        %dma_start3A_349 = arith.constant 0 : i32
        %dma_start3A_350 = tpu.memref_slice %arg19[%dma_start3A_348, %dma_start3A_349] : memref<10240x16xf32, #tpu.memory_space<vmem_shared>> -> memref<10240x16xf32, #tpu.memory_space<vmem_shared>>
        tpu.enqueue_indirect_dma source(%dma_start3A_350 : memref<10240x16xf32, #tpu.memory_space<vmem_shared>>) target(%arg16 : memref<125x16xf32, #tpu.memory_space<vmem>>) offsets(%dma_start3A_347 : memref<125xi32, #tpu.memory_space<vmem>>) semaphore(%arg28 : memref<!tpu.dma_semaphore, #tpu.memory_space<semaphore_mem>>)
      } else {
      }
      %mul3A_203 = arith.constant 10 : i32
      %mul3A_204 = arith.muli %mul3A_203, %scan3A_113 : i32
      %add3A_205 = arith.constant 4 : i32
      %add3A_206 = arith.addi %mul3A_204, %add3A_205 : i32
      %dma_wait3A_207 = arith.constant 0 : i32
      %dma_wait3A_208 = tpu.memref_slice %arg6[%add3A_206, %dma_wait3A_207] : memref<80x125xi32, #tpu.memory_space<vmem>> -> memref<1x125xi32, #tpu.memory_space<vmem>>
      %dma_wait3A_209 = tpu.memref_squeeze %dma_wait3A_208 : memref<1x125xi32, #tpu.memory_space<vmem>> -> memref<125xi32, #tpu.memory_space<vmem>>
      %dma_wait3A_210 = arith.constant 0 : i32
      %dma_wait3A_211 = arith.constant 0 : i32
      %dma_wait3A_212 = tpu.memref_slice %arg19[%dma_wait3A_210, %dma_wait3A_211] : memref<10240x16xf32, #tpu.memory_space<vmem_shared>> -> memref<10240x16xf32, #tpu.memory_space<vmem_shared>>
      tpu.wait_indirect_dma semaphore(%arg24 : memref<!tpu.dma_semaphore, #tpu.memory_space<semaphore_mem>>) src(%dma_wait3A_212 : memref<10240x16xf32, #tpu.memory_space<vmem_shared>>) dst(%arg12 : memref<125x16xf32, #tpu.memory_space<vmem>>)
      %dma_start3A_213 = arith.constant 0 : i32
      %dma_start3A_214 = tpu.memref_slice %arg7[%add3A_206, %dma_start3A_213] : memref<80x125xi32, #tpu.memory_space<vmem>> -> memref<1x125xi32, #tpu.memory_space<vmem>>
      %dma_start3A_215 = tpu.memref_squeeze %dma_start3A_214 : memref<1x125xi32, #tpu.memory_space<vmem>> -> memref<125xi32, #tpu.memory_space<vmem>>
      %dma_start3A_216 = arith.constant 0 : i32
      %dma_start3A_217 = arith.constant 0 : i32
      %dma_start3A_218 = tpu.memref_slice %arg18[%dma_start3A_216, %dma_start3A_217] : memref<10240x16xf32, #tpu.memory_space<vmem_shared>> -> memref<10240x16xf32, #tpu.memory_space<vmem_shared>>
      tpu.enqueue_indirect_dma source(%arg12 : memref<125x16xf32, #tpu.memory_space<vmem>>) target(%dma_start3A_218 : memref<10240x16xf32, #tpu.memory_space<vmem_shared>>) offsets(%dma_start3A_215 : memref<125xi32, #tpu.memory_space<vmem>>) semaphore(%arg34 : memref<!tpu.dma_semaphore, #tpu.memory_space<semaphore_mem>>) {add = true}
      %add3A_219 = arith.constant 5 : i32
      %add3A_220 = arith.addi %add3A_206, %add3A_219 : i32
      %lt3A_221 = arith.constant 80 : i32
      %lt3A_222 = arith.cmpi slt, %add3A_220, %lt3A_221 : i32
      %convert_element_type3A_223 = arith.extui %lt3A_222 : i1 to i32
      %cond3A_224 = arith.constant 0 : i32
      %cond3A_225 = arith.cmpi ne, %convert_element_type3A_223, %cond3A_224 : i32
      scf.if %cond3A_225 {
        %ge3A = arith.constant 10 : i32
        %ge3A_341 = arith.cmpi sge, %add3A_220, %ge3A : i32
        %convert_element_type3A_342 = arith.extui %ge3A_341 : i1 to i32
        %cond3A_343 = arith.constant 0 : i32
        %cond3A_344 = arith.cmpi ne, %convert_element_type3A_342, %cond3A_343 : i32
        scf.if %cond3A_344 {
          %sub3A = arith.constant 10 : i32
          %sub3A_351 = arith.subi %add3A_220, %sub3A : i32
          %dma_wait3A_352 = arith.constant 0 : i32
          %dma_wait3A_353 = tpu.memref_slice %arg7[%sub3A_351, %dma_wait3A_352] : memref<80x125xi32, #tpu.memory_space<vmem>> -> memref<1x125xi32, #tpu.memory_space<vmem>>
          %dma_wait3A_354 = tpu.memref_squeeze %dma_wait3A_353 : memref<1x125xi32, #tpu.memory_space<vmem>> -> memref<125xi32, #tpu.memory_space<vmem>>
          %dma_wait3A_355 = arith.constant 0 : i32
          %dma_wait3A_356 = arith.constant 0 : i32
          %dma_wait3A_357 = tpu.memref_slice %arg18[%dma_wait3A_355, %dma_wait3A_356] : memref<10240x16xf32, #tpu.memory_space<vmem_shared>> -> memref<10240x16xf32, #tpu.memory_space<vmem_shared>>
          tpu.wait_indirect_dma semaphore(%arg39 : memref<!tpu.dma_semaphore, #tpu.memory_space<semaphore_mem>>) src(%arg17 : memref<125x16xf32, #tpu.memory_space<vmem>>) dst(%dma_wait3A_357 : memref<10240x16xf32, #tpu.memory_space<vmem_shared>>)
        } else {
        }
        %dma_start3A_345 = arith.constant 0 : i32
        %dma_start3A_346 = tpu.memref_slice %arg6[%add3A_220, %dma_start3A_345] : memref<80x125xi32, #tpu.memory_space<vmem>> -> memref<1x125xi32, #tpu.memory_space<vmem>>
        %dma_start3A_347 = tpu.memref_squeeze %dma_start3A_346 : memref<1x125xi32, #tpu.memory_space<vmem>> -> memref<125xi32, #tpu.memory_space<vmem>>
        %dma_start3A_348 = arith.constant 0 : i32
        %dma_start3A_349 = arith.constant 0 : i32
        %dma_start3A_350 = tpu.memref_slice %arg19[%dma_start3A_348, %dma_start3A_349] : memref<10240x16xf32, #tpu.memory_space<vmem_shared>> -> memref<10240x16xf32, #tpu.memory_space<vmem_shared>>
        tpu.enqueue_indirect_dma source(%dma_start3A_350 : memref<10240x16xf32, #tpu.memory_space<vmem_shared>>) target(%arg17 : memref<125x16xf32, #tpu.memory_space<vmem>>) offsets(%dma_start3A_347 : memref<125xi32, #tpu.memory_space<vmem>>) semaphore(%arg29 : memref<!tpu.dma_semaphore, #tpu.memory_space<semaphore_mem>>)
      } else {
      }
      %mul3A_226 = arith.constant 10 : i32
      %mul3A_227 = arith.muli %mul3A_226, %scan3A_113 : i32
      %add3A_228 = arith.constant 5 : i32
      %add3A_229 = arith.addi %mul3A_227, %add3A_228 : i32
      %dma_wait3A_230 = arith.constant 0 : i32
      %dma_wait3A_231 = tpu.memref_slice %arg6[%add3A_229, %dma_wait3A_230] : memref<80x125xi32, #tpu.memory_space<vmem>> -> memref<1x125xi32, #tpu.memory_space<vmem>>
      %dma_wait3A_232 = tpu.memref_squeeze %dma_wait3A_231 : memref<1x125xi32, #tpu.memory_space<vmem>> -> memref<125xi32, #tpu.memory_space<vmem>>
      %dma_wait3A_233 = arith.constant 0 : i32
      %dma_wait3A_234 = arith.constant 0 : i32
      %dma_wait3A_235 = tpu.memref_slice %arg19[%dma_wait3A_233, %dma_wait3A_234] : memref<10240x16xf32, #tpu.memory_space<vmem_shared>> -> memref<10240x16xf32, #tpu.memory_space<vmem_shared>>
      tpu.wait_indirect_dma semaphore(%arg25 : memref<!tpu.dma_semaphore, #tpu.memory_space<semaphore_mem>>) src(%dma_wait3A_235 : memref<10240x16xf32, #tpu.memory_space<vmem_shared>>) dst(%arg13 : memref<125x16xf32, #tpu.memory_space<vmem>>)
      %dma_start3A_236 = arith.constant 0 : i32
      %dma_start3A_237 = tpu.memref_slice %arg7[%add3A_229, %dma_start3A_236] : memref<80x125xi32, #tpu.memory_space<vmem>> -> memref<1x125xi32, #tpu.memory_space<vmem>>
      %dma_start3A_238 = tpu.memref_squeeze %dma_start3A_237 : memref<1x125xi32, #tpu.memory_space<vmem>> -> memref<125xi32, #tpu.memory_space<vmem>>
      %dma_start3A_239 = arith.constant 0 : i32
      %dma_start3A_240 = arith.constant 0 : i32
      %dma_start3A_241 = tpu.memref_slice %arg18[%dma_start3A_239, %dma_start3A_240] : memref<10240x16xf32, #tpu.memory_space<vmem_shared>> -> memref<10240x16xf32, #tpu.memory_space<vmem_shared>>
      tpu.enqueue_indirect_dma source(%arg13 : memref<125x16xf32, #tpu.memory_space<vmem>>) target(%dma_start3A_241 : memref<10240x16xf32, #tpu.memory_space<vmem_shared>>) offsets(%dma_start3A_238 : memref<125xi32, #tpu.memory_space<vmem>>) semaphore(%arg35 : memref<!tpu.dma_semaphore, #tpu.memory_space<semaphore_mem>>) {add = true}
      %add3A_242 = arith.constant 5 : i32
      %add3A_243 = arith.addi %add3A_229, %add3A_242 : i32
      %lt3A_244 = arith.constant 80 : i32
      %lt3A_245 = arith.cmpi slt, %add3A_243, %lt3A_244 : i32
      %convert_element_type3A_246 = arith.extui %lt3A_245 : i1 to i32
      %cond3A_247 = arith.constant 0 : i32
      %cond3A_248 = arith.cmpi ne, %convert_element_type3A_246, %cond3A_247 : i32
      scf.if %cond3A_248 {
        %ge3A = arith.constant 10 : i32
        %ge3A_341 = arith.cmpi sge, %add3A_243, %ge3A : i32
        %convert_element_type3A_342 = arith.extui %ge3A_341 : i1 to i32
        %cond3A_343 = arith.constant 0 : i32
        %cond3A_344 = arith.cmpi ne, %convert_element_type3A_342, %cond3A_343 : i32
        scf.if %cond3A_344 {
          %sub3A = arith.constant 10 : i32
          %sub3A_351 = arith.subi %add3A_243, %sub3A : i32
          %dma_wait3A_352 = arith.constant 0 : i32
          %dma_wait3A_353 = tpu.memref_slice %arg7[%sub3A_351, %dma_wait3A_352] : memref<80x125xi32, #tpu.memory_space<vmem>> -> memref<1x125xi32, #tpu.memory_space<vmem>>
          %dma_wait3A_354 = tpu.memref_squeeze %dma_wait3A_353 : memref<1x125xi32, #tpu.memory_space<vmem>> -> memref<125xi32, #tpu.memory_space<vmem>>
          %dma_wait3A_355 = arith.constant 0 : i32
          %dma_wait3A_356 = arith.constant 0 : i32
          %dma_wait3A_357 = tpu.memref_slice %arg18[%dma_wait3A_355, %dma_wait3A_356] : memref<10240x16xf32, #tpu.memory_space<vmem_shared>> -> memref<10240x16xf32, #tpu.memory_space<vmem_shared>>
          tpu.wait_indirect_dma semaphore(%arg30 : memref<!tpu.dma_semaphore, #tpu.memory_space<semaphore_mem>>) src(%arg8 : memref<125x16xf32, #tpu.memory_space<vmem>>) dst(%dma_wait3A_357 : memref<10240x16xf32, #tpu.memory_space<vmem_shared>>)
        } else {
        }
        %dma_start3A_345 = arith.constant 0 : i32
        %dma_start3A_346 = tpu.memref_slice %arg6[%add3A_243, %dma_start3A_345] : memref<80x125xi32, #tpu.memory_space<vmem>> -> memref<1x125xi32, #tpu.memory_space<vmem>>
        %dma_start3A_347 = tpu.memref_squeeze %dma_start3A_346 : memref<1x125xi32, #tpu.memory_space<vmem>> -> memref<125xi32, #tpu.memory_space<vmem>>
        %dma_start3A_348 = arith.constant 0 : i32
        %dma_start3A_349 = arith.constant 0 : i32
        %dma_start3A_350 = tpu.memref_slice %arg19[%dma_start3A_348, %dma_start3A_349] : memref<10240x16xf32, #tpu.memory_space<vmem_shared>> -> memref<10240x16xf32, #tpu.memory_space<vmem_shared>>
        tpu.enqueue_indirect_dma source(%dma_start3A_350 : memref<10240x16xf32, #tpu.memory_space<vmem_shared>>) target(%arg8 : memref<125x16xf32, #tpu.memory_space<vmem>>) offsets(%dma_start3A_347 : memref<125xi32, #tpu.memory_space<vmem>>) semaphore(%arg20 : memref<!tpu.dma_semaphore, #tpu.memory_space<semaphore_mem>>)
      } else {
      }
      %mul3A_249 = arith.constant 10 : i32
      %mul3A_250 = arith.muli %mul3A_249, %scan3A_113 : i32
      %add3A_251 = arith.constant 6 : i32
      %add3A_252 = arith.addi %mul3A_250, %add3A_251 : i32
      %dma_wait3A_253 = arith.constant 0 : i32
      %dma_wait3A_254 = tpu.memref_slice %arg6[%add3A_252, %dma_wait3A_253] : memref<80x125xi32, #tpu.memory_space<vmem>> -> memref<1x125xi32, #tpu.memory_space<vmem>>
      %dma_wait3A_255 = tpu.memref_squeeze %dma_wait3A_254 : memref<1x125xi32, #tpu.memory_space<vmem>> -> memref<125xi32, #tpu.memory_space<vmem>>
      %dma_wait3A_256 = arith.constant 0 : i32
      %dma_wait3A_257 = arith.constant 0 : i32
      %dma_wait3A_258 = tpu.memref_slice %arg19[%dma_wait3A_256, %dma_wait3A_257] : memref<10240x16xf32, #tpu.memory_space<vmem_shared>> -> memref<10240x16xf32, #tpu.memory_space<vmem_shared>>
      tpu.wait_indirect_dma semaphore(%arg26 : memref<!tpu.dma_semaphore, #tpu.memory_space<semaphore_mem>>) src(%dma_wait3A_258 : memref<10240x16xf32, #tpu.memory_space<vmem_shared>>) dst(%arg14 : memref<125x16xf32, #tpu.memory_space<vmem>>)
      %dma_start3A_259 = arith.constant 0 : i32
      %dma_start3A_260 = tpu.memref_slice %arg7[%add3A_252, %dma_start3A_259] : memref<80x125xi32, #tpu.memory_space<vmem>> -> memref<1x125xi32, #tpu.memory_space<vmem>>
      %dma_start3A_261 = tpu.memref_squeeze %dma_start3A_260 : memref<1x125xi32, #tpu.memory_space<vmem>> -> memref<125xi32, #tpu.memory_space<vmem>>
      %dma_start3A_262 = arith.constant 0 : i32
      %dma_start3A_263 = arith.constant 0 : i32
      %dma_start3A_264 = tpu.memref_slice %arg18[%dma_start3A_262, %dma_start3A_263] : memref<10240x16xf32, #tpu.memory_space<vmem_shared>> -> memref<10240x16xf32, #tpu.memory_space<vmem_shared>>
      tpu.enqueue_indirect_dma source(%arg14 : memref<125x16xf32, #tpu.memory_space<vmem>>) target(%dma_start3A_264 : memref<10240x16xf32, #tpu.memory_space<vmem_shared>>) offsets(%dma_start3A_261 : memref<125xi32, #tpu.memory_space<vmem>>) semaphore(%arg36 : memref<!tpu.dma_semaphore, #tpu.memory_space<semaphore_mem>>) {add = true}
      %add3A_265 = arith.constant 5 : i32
      %add3A_266 = arith.addi %add3A_252, %add3A_265 : i32
      %lt3A_267 = arith.constant 80 : i32
      %lt3A_268 = arith.cmpi slt, %add3A_266, %lt3A_267 : i32
      %convert_element_type3A_269 = arith.extui %lt3A_268 : i1 to i32
      %cond3A_270 = arith.constant 0 : i32
      %cond3A_271 = arith.cmpi ne, %convert_element_type3A_269, %cond3A_270 : i32
      scf.if %cond3A_271 {
        %ge3A = arith.constant 10 : i32
        %ge3A_341 = arith.cmpi sge, %add3A_266, %ge3A : i32
        %convert_element_type3A_342 = arith.extui %ge3A_341 : i1 to i32
        %cond3A_343 = arith.constant 0 : i32
        %cond3A_344 = arith.cmpi ne, %convert_element_type3A_342, %cond3A_343 : i32
        scf.if %cond3A_344 {
          %sub3A = arith.constant 10 : i32
          %sub3A_351 = arith.subi %add3A_266, %sub3A : i32
          %dma_wait3A_352 = arith.constant 0 : i32
          %dma_wait3A_353 = tpu.memref_slice %arg7[%sub3A_351, %dma_wait3A_352] : memref<80x125xi32, #tpu.memory_space<vmem>> -> memref<1x125xi32, #tpu.memory_space<vmem>>
          %dma_wait3A_354 = tpu.memref_squeeze %dma_wait3A_353 : memref<1x125xi32, #tpu.memory_space<vmem>> -> memref<125xi32, #tpu.memory_space<vmem>>
          %dma_wait3A_355 = arith.constant 0 : i32
          %dma_wait3A_356 = arith.constant 0 : i32
          %dma_wait3A_357 = tpu.memref_slice %arg18[%dma_wait3A_355, %dma_wait3A_356] : memref<10240x16xf32, #tpu.memory_space<vmem_shared>> -> memref<10240x16xf32, #tpu.memory_space<vmem_shared>>
          tpu.wait_indirect_dma semaphore(%arg31 : memref<!tpu.dma_semaphore, #tpu.memory_space<semaphore_mem>>) src(%arg9 : memref<125x16xf32, #tpu.memory_space<vmem>>) dst(%dma_wait3A_357 : memref<10240x16xf32, #tpu.memory_space<vmem_shared>>)
        } else {
        }
        %dma_start3A_345 = arith.constant 0 : i32
        %dma_start3A_346 = tpu.memref_slice %arg6[%add3A_266, %dma_start3A_345] : memref<80x125xi32, #tpu.memory_space<vmem>> -> memref<1x125xi32, #tpu.memory_space<vmem>>
        %dma_start3A_347 = tpu.memref_squeeze %dma_start3A_346 : memref<1x125xi32, #tpu.memory_space<vmem>> -> memref<125xi32, #tpu.memory_space<vmem>>
        %dma_start3A_348 = arith.constant 0 : i32
        %dma_start3A_349 = arith.constant 0 : i32
        %dma_start3A_350 = tpu.memref_slice %arg19[%dma_start3A_348, %dma_start3A_349] : memref<10240x16xf32, #tpu.memory_space<vmem_shared>> -> memref<10240x16xf32, #tpu.memory_space<vmem_shared>>
        tpu.enqueue_indirect_dma source(%dma_start3A_350 : memref<10240x16xf32, #tpu.memory_space<vmem_shared>>) target(%arg9 : memref<125x16xf32, #tpu.memory_space<vmem>>) offsets(%dma_start3A_347 : memref<125xi32, #tpu.memory_space<vmem>>) semaphore(%arg21 : memref<!tpu.dma_semaphore, #tpu.memory_space<semaphore_mem>>)
      } else {
      }
      %mul3A_272 = arith.constant 10 : i32
      %mul3A_273 = arith.muli %mul3A_272, %scan3A_113 : i32
      %add3A_274 = arith.constant 7 : i32
      %add3A_275 = arith.addi %mul3A_273, %add3A_274 : i32
      %dma_wait3A_276 = arith.constant 0 : i32
      %dma_wait3A_277 = tpu.memref_slice %arg6[%add3A_275, %dma_wait3A_276] : memref<80x125xi32, #tpu.memory_space<vmem>> -> memref<1x125xi32, #tpu.memory_space<vmem>>
      %dma_wait3A_278 = tpu.memref_squeeze %dma_wait3A_277 : memref<1x125xi32, #tpu.memory_space<vmem>> -> memref<125xi32, #tpu.memory_space<vmem>>
      %dma_wait3A_279 = arith.constant 0 : i32
      %dma_wait3A_280 = arith.constant 0 : i32
      %dma_wait3A_281 = tpu.memref_slice %arg19[%dma_wait3A_279, %dma_wait3A_280] : memref<10240x16xf32, #tpu.memory_space<vmem_shared>> -> memref<10240x16xf32, #tpu.memory_space<vmem_shared>>
      tpu.wait_indirect_dma semaphore(%arg27 : memref<!tpu.dma_semaphore, #tpu.memory_space<semaphore_mem>>) src(%dma_wait3A_281 : memref<10240x16xf32, #tpu.memory_space<vmem_shared>>) dst(%arg15 : memref<125x16xf32, #tpu.memory_space<vmem>>)
      %dma_start3A_282 = arith.constant 0 : i32
      %dma_start3A_283 = tpu.memref_slice %arg7[%add3A_275, %dma_start3A_282] : memref<80x125xi32, #tpu.memory_space<vmem>> -> memref<1x125xi32, #tpu.memory_space<vmem>>
      %dma_start3A_284 = tpu.memref_squeeze %dma_start3A_283 : memref<1x125xi32, #tpu.memory_space<vmem>> -> memref<125xi32, #tpu.memory_space<vmem>>
      %dma_start3A_285 = arith.constant 0 : i32
      %dma_start3A_286 = arith.constant 0 : i32
      %dma_start3A_287 = tpu.memref_slice %arg18[%dma_start3A_285, %dma_start3A_286] : memref<10240x16xf32, #tpu.memory_space<vmem_shared>> -> memref<10240x16xf32, #tpu.memory_space<vmem_shared>>
      tpu.enqueue_indirect_dma source(%arg15 : memref<125x16xf32, #tpu.memory_space<vmem>>) target(%dma_start3A_287 : memref<10240x16xf32, #tpu.memory_space<vmem_shared>>) offsets(%dma_start3A_284 : memref<125xi32, #tpu.memory_space<vmem>>) semaphore(%arg37 : memref<!tpu.dma_semaphore, #tpu.memory_space<semaphore_mem>>) {add = true}
      %add3A_288 = arith.constant 5 : i32
      %add3A_289 = arith.addi %add3A_275, %add3A_288 : i32
      %lt3A_290 = arith.constant 80 : i32
      %lt3A_291 = arith.cmpi slt, %add3A_289, %lt3A_290 : i32
      %convert_element_type3A_292 = arith.extui %lt3A_291 : i1 to i32
      %cond3A_293 = arith.constant 0 : i32
      %cond3A_294 = arith.cmpi ne, %convert_element_type3A_292, %cond3A_293 : i32
      scf.if %cond3A_294 {
        %ge3A = arith.constant 10 : i32
        %ge3A_341 = arith.cmpi sge, %add3A_289, %ge3A : i32
        %convert_element_type3A_342 = arith.extui %ge3A_341 : i1 to i32
        %cond3A_343 = arith.constant 0 : i32
        %cond3A_344 = arith.cmpi ne, %convert_element_type3A_342, %cond3A_343 : i32
        scf.if %cond3A_344 {
          %sub3A = arith.constant 10 : i32
          %sub3A_351 = arith.subi %add3A_289, %sub3A : i32
          %dma_wait3A_352 = arith.constant 0 : i32
          %dma_wait3A_353 = tpu.memref_slice %arg7[%sub3A_351, %dma_wait3A_352] : memref<80x125xi32, #tpu.memory_space<vmem>> -> memref<1x125xi32, #tpu.memory_space<vmem>>
          %dma_wait3A_354 = tpu.memref_squeeze %dma_wait3A_353 : memref<1x125xi32, #tpu.memory_space<vmem>> -> memref<125xi32, #tpu.memory_space<vmem>>
          %dma_wait3A_355 = arith.constant 0 : i32
          %dma_wait3A_356 = arith.constant 0 : i32
          %dma_wait3A_357 = tpu.memref_slice %arg18[%dma_wait3A_355, %dma_wait3A_356] : memref<10240x16xf32, #tpu.memory_space<vmem_shared>> -> memref<10240x16xf32, #tpu.memory_space<vmem_shared>>
          tpu.wait_indirect_dma semaphore(%arg32 : memref<!tpu.dma_semaphore, #tpu.memory_space<semaphore_mem>>) src(%arg10 : memref<125x16xf32, #tpu.memory_space<vmem>>) dst(%dma_wait3A_357 : memref<10240x16xf32, #tpu.memory_space<vmem_shared>>)
        } else {
        }
        %dma_start3A_345 = arith.constant 0 : i32
        %dma_start3A_346 = tpu.memref_slice %arg6[%add3A_289, %dma_start3A_345] : memref<80x125xi32, #tpu.memory_space<vmem>> -> memref<1x125xi32, #tpu.memory_space<vmem>>
        %dma_start3A_347 = tpu.memref_squeeze %dma_start3A_346 : memref<1x125xi32, #tpu.memory_space<vmem>> -> memref<125xi32, #tpu.memory_space<vmem>>
        %dma_start3A_348 = arith.constant 0 : i32
        %dma_start3A_349 = arith.constant 0 : i32
        %dma_start3A_350 = tpu.memref_slice %arg19[%dma_start3A_348, %dma_start3A_349] : memref<10240x16xf32, #tpu.memory_space<vmem_shared>> -> memref<10240x16xf32, #tpu.memory_space<vmem_shared>>
        tpu.enqueue_indirect_dma source(%dma_start3A_350 : memref<10240x16xf32, #tpu.memory_space<vmem_shared>>) target(%arg10 : memref<125x16xf32, #tpu.memory_space<vmem>>) offsets(%dma_start3A_347 : memref<125xi32, #tpu.memory_space<vmem>>) semaphore(%arg22 : memref<!tpu.dma_semaphore, #tpu.memory_space<semaphore_mem>>)
      } else {
      }
      %mul3A_295 = arith.constant 10 : i32
      %mul3A_296 = arith.muli %mul3A_295, %scan3A_113 : i32
      %add3A_297 = arith.constant 8 : i32
      %add3A_298 = arith.addi %mul3A_296, %add3A_297 : i32
      %dma_wait3A_299 = arith.constant 0 : i32
      %dma_wait3A_300 = tpu.memref_slice %arg6[%add3A_298, %dma_wait3A_299] : memref<80x125xi32, #tpu.memory_space<vmem>> -> memref<1x125xi32, #tpu.memory_space<vmem>>
      %dma_wait3A_301 = tpu.memref_squeeze %dma_wait3A_300 : memref<1x125xi32, #tpu.memory_space<vmem>> -> memref<125xi32, #tpu.memory_space<vmem>>
      %dma_wait3A_302 = arith.constant 0 : i32
      %dma_wait3A_303 = arith.constant 0 : i32
      %dma_wait3A_304 = tpu.memref_slice %arg19[%dma_wait3A_302, %dma_wait3A_303] : memref<10240x16xf32, #tpu.memory_space<vmem_shared>> -> memref<10240x16xf32, #tpu.memory_space<vmem_shared>>
      tpu.wait_indirect_dma semaphore(%arg28 : memref<!tpu.dma_semaphore, #tpu.memory_space<semaphore_mem>>) src(%dma_wait3A_304 : memref<10240x16xf32, #tpu.memory_space<vmem_shared>>) dst(%arg16 : memref<125x16xf32, #tpu.memory_space<vmem>>)
      %dma_start3A_305 = arith.constant 0 : i32
      %dma_start3A_306 = tpu.memref_slice %arg7[%add3A_298, %dma_start3A_305] : memref<80x125xi32, #tpu.memory_space<vmem>> -> memref<1x125xi32, #tpu.memory_space<vmem>>
      %dma_start3A_307 = tpu.memref_squeeze %dma_start3A_306 : memref<1x125xi32, #tpu.memory_space<vmem>> -> memref<125xi32, #tpu.memory_space<vmem>>
      %dma_start3A_308 = arith.constant 0 : i32
      %dma_start3A_309 = arith.constant 0 : i32
      %dma_start3A_310 = tpu.memref_slice %arg18[%dma_start3A_308, %dma_start3A_309] : memref<10240x16xf32, #tpu.memory_space<vmem_shared>> -> memref<10240x16xf32, #tpu.memory_space<vmem_shared>>
      tpu.enqueue_indirect_dma source(%arg16 : memref<125x16xf32, #tpu.memory_space<vmem>>) target(%dma_start3A_310 : memref<10240x16xf32, #tpu.memory_space<vmem_shared>>) offsets(%dma_start3A_307 : memref<125xi32, #tpu.memory_space<vmem>>) semaphore(%arg38 : memref<!tpu.dma_semaphore, #tpu.memory_space<semaphore_mem>>) {add = true}
      %add3A_311 = arith.constant 5 : i32
      %add3A_312 = arith.addi %add3A_298, %add3A_311 : i32
      %lt3A_313 = arith.constant 80 : i32
      %lt3A_314 = arith.cmpi slt, %add3A_312, %lt3A_313 : i32
      %convert_element_type3A_315 = arith.extui %lt3A_314 : i1 to i32
      %cond3A_316 = arith.constant 0 : i32
      %cond3A_317 = arith.cmpi ne, %convert_element_type3A_315, %cond3A_316 : i32
      scf.if %cond3A_317 {
        %ge3A = arith.constant 10 : i32
        %ge3A_341 = arith.cmpi sge, %add3A_312, %ge3A : i32
        %convert_element_type3A_342 = arith.extui %ge3A_341 : i1 to i32
        %cond3A_343 = arith.constant 0 : i32
        %cond3A_344 = arith.cmpi ne, %convert_element_type3A_342, %cond3A_343 : i32
        scf.if %cond3A_344 {
          %sub3A = arith.constant 10 : i32
          %sub3A_351 = arith.subi %add3A_312, %sub3A : i32
          %dma_wait3A_352 = arith.constant 0 : i32
          %dma_wait3A_353 = tpu.memref_slice %arg7[%sub3A_351, %dma_wait3A_352] : memref<80x125xi32, #tpu.memory_space<vmem>> -> memref<1x125xi32, #tpu.memory_space<vmem>>
          %dma_wait3A_354 = tpu.memref_squeeze %dma_wait3A_353 : memref<1x125xi32, #tpu.memory_space<vmem>> -> memref<125xi32, #tpu.memory_space<vmem>>
          %dma_wait3A_355 = arith.constant 0 : i32
          %dma_wait3A_356 = arith.constant 0 : i32
          %dma_wait3A_357 = tpu.memref_slice %arg18[%dma_wait3A_355, %dma_wait3A_356] : memref<10240x16xf32, #tpu.memory_space<vmem_shared>> -> memref<10240x16xf32, #tpu.memory_space<vmem_shared>>
          tpu.wait_indirect_dma semaphore(%arg33 : memref<!tpu.dma_semaphore, #tpu.memory_space<semaphore_mem>>) src(%arg11 : memref<125x16xf32, #tpu.memory_space<vmem>>) dst(%dma_wait3A_357 : memref<10240x16xf32, #tpu.memory_space<vmem_shared>>)
        } else {
        }
        %dma_start3A_345 = arith.constant 0 : i32
        %dma_start3A_346 = tpu.memref_slice %arg6[%add3A_312, %dma_start3A_345] : memref<80x125xi32, #tpu.memory_space<vmem>> -> memref<1x125xi32, #tpu.memory_space<vmem>>
        %dma_start3A_347 = tpu.memref_squeeze %dma_start3A_346 : memref<1x125xi32, #tpu.memory_space<vmem>> -> memref<125xi32, #tpu.memory_space<vmem>>
        %dma_start3A_348 = arith.constant 0 : i32
        %dma_start3A_349 = arith.constant 0 : i32
        %dma_start3A_350 = tpu.memref_slice %arg19[%dma_start3A_348, %dma_start3A_349] : memref<10240x16xf32, #tpu.memory_space<vmem_shared>> -> memref<10240x16xf32, #tpu.memory_space<vmem_shared>>
        tpu.enqueue_indirect_dma source(%dma_start3A_350 : memref<10240x16xf32, #tpu.memory_space<vmem_shared>>) target(%arg11 : memref<125x16xf32, #tpu.memory_space<vmem>>) offsets(%dma_start3A_347 : memref<125xi32, #tpu.memory_space<vmem>>) semaphore(%arg23 : memref<!tpu.dma_semaphore, #tpu.memory_space<semaphore_mem>>)
      } else {
      }
      %mul3A_318 = arith.constant 10 : i32
      %mul3A_319 = arith.muli %mul3A_318, %scan3A_113 : i32
      %add3A_320 = arith.constant 9 : i32
      %add3A_321 = arith.addi %mul3A_319, %add3A_320 : i32
      %dma_wait3A_322 = arith.constant 0 : i32
      %dma_wait3A_323 = tpu.memref_slice %arg6[%add3A_321, %dma_wait3A_322] : memref<80x125xi32, #tpu.memory_space<vmem>> -> memref<1x125xi32, #tpu.memory_space<vmem>>
      %dma_wait3A_324 = tpu.memref_squeeze %dma_wait3A_323 : memref<1x125xi32, #tpu.memory_space<vmem>> -> memref<125xi32, #tpu.memory_space<vmem>>
      %dma_wait3A_325 = arith.constant 0 : i32
      %dma_wait3A_326 = arith.constant 0 : i32
      %dma_wait3A_327 = tpu.memref_slice %arg19[%dma_wait3A_325, %dma_wait3A_326] : memref<10240x16xf32, #tpu.memory_space<vmem_shared>> -> memref<10240x16xf32, #tpu.memory_space<vmem_shared>>
      tpu.wait_indirect_dma semaphore(%arg29 : memref<!tpu.dma_semaphore, #tpu.memory_space<semaphore_mem>>) src(%dma_wait3A_327 : memref<10240x16xf32, #tpu.memory_space<vmem_shared>>) dst(%arg17 : memref<125x16xf32, #tpu.memory_space<vmem>>)
      %dma_start3A_328 = arith.constant 0 : i32
      %dma_start3A_329 = tpu.memref_slice %arg7[%add3A_321, %dma_start3A_328] : memref<80x125xi32, #tpu.memory_space<vmem>> -> memref<1x125xi32, #tpu.memory_space<vmem>>
      %dma_start3A_330 = tpu.memref_squeeze %dma_start3A_329 : memref<1x125xi32, #tpu.memory_space<vmem>> -> memref<125xi32, #tpu.memory_space<vmem>>
      %dma_start3A_331 = arith.constant 0 : i32
      %dma_start3A_332 = arith.constant 0 : i32
      %dma_start3A_333 = tpu.memref_slice %arg18[%dma_start3A_331, %dma_start3A_332] : memref<10240x16xf32, #tpu.memory_space<vmem_shared>> -> memref<10240x16xf32, #tpu.memory_space<vmem_shared>>
      tpu.enqueue_indirect_dma source(%arg17 : memref<125x16xf32, #tpu.memory_space<vmem>>) target(%dma_start3A_333 : memref<10240x16xf32, #tpu.memory_space<vmem_shared>>) offsets(%dma_start3A_330 : memref<125xi32, #tpu.memory_space<vmem>>) semaphore(%arg39 : memref<!tpu.dma_semaphore, #tpu.memory_space<semaphore_mem>>) {add = true}
      %add3A_334 = arith.constant 5 : i32
      %add3A_335 = arith.addi %add3A_321, %add3A_334 : i32
      %lt3A_336 = arith.constant 80 : i32
      %lt3A_337 = arith.cmpi slt, %add3A_335, %lt3A_336 : i32
      %convert_element_type3A_338 = arith.extui %lt3A_337 : i1 to i32
      %cond3A_339 = arith.constant 0 : i32
      %cond3A_340 = arith.cmpi ne, %convert_element_type3A_338, %cond3A_339 : i32
      scf.if %cond3A_340 {
        %ge3A = arith.constant 10 : i32
        %ge3A_341 = arith.cmpi sge, %add3A_335, %ge3A : i32
        %convert_element_type3A_342 = arith.extui %ge3A_341 : i1 to i32
        %cond3A_343 = arith.constant 0 : i32
        %cond3A_344 = arith.cmpi ne, %convert_element_type3A_342, %cond3A_343 : i32
        scf.if %cond3A_344 {
          %sub3A = arith.constant 10 : i32
          %sub3A_351 = arith.subi %add3A_335, %sub3A : i32
          %dma_wait3A_352 = arith.constant 0 : i32
          %dma_wait3A_353 = tpu.memref_slice %arg7[%sub3A_351, %dma_wait3A_352] : memref<80x125xi32, #tpu.memory_space<vmem>> -> memref<1x125xi32, #tpu.memory_space<vmem>>
          %dma_wait3A_354 = tpu.memref_squeeze %dma_wait3A_353 : memref<1x125xi32, #tpu.memory_space<vmem>> -> memref<125xi32, #tpu.memory_space<vmem>>
          %dma_wait3A_355 = arith.constant 0 : i32
          %dma_wait3A_356 = arith.constant 0 : i32
          %dma_wait3A_357 = tpu.memref_slice %arg18[%dma_wait3A_355, %dma_wait3A_356] : memref<10240x16xf32, #tpu.memory_space<vmem_shared>> -> memref<10240x16xf32, #tpu.memory_space<vmem_shared>>
          tpu.wait_indirect_dma semaphore(%arg34 : memref<!tpu.dma_semaphore, #tpu.memory_space<semaphore_mem>>) src(%arg12 : memref<125x16xf32, #tpu.memory_space<vmem>>) dst(%dma_wait3A_357 : memref<10240x16xf32, #tpu.memory_space<vmem_shared>>)
        } else {
        }
        %dma_start3A_345 = arith.constant 0 : i32
        %dma_start3A_346 = tpu.memref_slice %arg6[%add3A_335, %dma_start3A_345] : memref<80x125xi32, #tpu.memory_space<vmem>> -> memref<1x125xi32, #tpu.memory_space<vmem>>
        %dma_start3A_347 = tpu.memref_squeeze %dma_start3A_346 : memref<1x125xi32, #tpu.memory_space<vmem>> -> memref<125xi32, #tpu.memory_space<vmem>>
        %dma_start3A_348 = arith.constant 0 : i32
        %dma_start3A_349 = arith.constant 0 : i32
        %dma_start3A_350 = tpu.memref_slice %arg19[%dma_start3A_348, %dma_start3A_349] : memref<10240x16xf32, #tpu.memory_space<vmem_shared>> -> memref<10240x16xf32, #tpu.memory_space<vmem_shared>>
        tpu.enqueue_indirect_dma source(%dma_start3A_350 : memref<10240x16xf32, #tpu.memory_space<vmem_shared>>) target(%arg12 : memref<125x16xf32, #tpu.memory_space<vmem>>) offsets(%dma_start3A_347 : memref<125xi32, #tpu.memory_space<vmem>>) semaphore(%arg24 : memref<!tpu.dma_semaphore, #tpu.memory_space<semaphore_mem>>)
      } else {
      }
    }
    %scan3A_42 = arith.constant 8 : i32
    %dma_wait3A = arith.constant 70 : i32
    %dma_wait3A_43 = arith.constant 0 : i32
    %dma_wait3A_44 = tpu.memref_slice %arg7[%dma_wait3A, %dma_wait3A_43] : memref<80x125xi32, #tpu.memory_space<vmem>> -> memref<1x125xi32, #tpu.memory_space<vmem>>
    %dma_wait3A_45 = tpu.memref_squeeze %dma_wait3A_44 : memref<1x125xi32, #tpu.memory_space<vmem>> -> memref<125xi32, #tpu.memory_space<vmem>>
    %dma_wait3A_46 = arith.constant 0 : i32
    %dma_wait3A_47 = arith.constant 0 : i32
    %dma_wait3A_48 = tpu.memref_slice %arg18[%dma_wait3A_46, %dma_wait3A_47] : memref<10240x16xf32, #tpu.memory_space<vmem_shared>> -> memref<10240x16xf32, #tpu.memory_space<vmem_shared>>
    tpu.wait_indirect_dma semaphore(%arg30 : memref<!tpu.dma_semaphore, #tpu.memory_space<semaphore_mem>>) src(%arg8 : memref<125x16xf32, #tpu.memory_space<vmem>>) dst(%dma_wait3A_48 : memref<10240x16xf32, #tpu.memory_space<vmem_shared>>)
    %dma_wait3A_49 = arith.constant 71 : i32
    %dma_wait3A_50 = arith.constant 0 : i32
    %dma_wait3A_51 = tpu.memref_slice %arg7[%dma_wait3A_49, %dma_wait3A_50] : memref<80x125xi32, #tpu.memory_space<vmem>> -> memref<1x125xi32, #tpu.memory_space<vmem>>
    %dma_wait3A_52 = tpu.memref_squeeze %dma_wait3A_51 : memref<1x125xi32, #tpu.memory_space<vmem>> -> memref<125xi32, #tpu.memory_space<vmem>>
    %dma_wait3A_53 = arith.constant 0 : i32
    %dma_wait3A_54 = arith.constant 0 : i32
    %dma_wait3A_55 = tpu.memref_slice %arg18[%dma_wait3A_53, %dma_wait3A_54] : memref<10240x16xf32, #tpu.memory_space<vmem_shared>> -> memref<10240x16xf32, #tpu.memory_space<vmem_shared>>
    tpu.wait_indirect_dma semaphore(%arg31 : memref<!tpu.dma_semaphore, #tpu.memory_space<semaphore_mem>>) src(%arg9 : memref<125x16xf32, #tpu.memory_space<vmem>>) dst(%dma_wait3A_55 : memref<10240x16xf32, #tpu.memory_space<vmem_shared>>)
    %dma_wait3A_56 = arith.constant 72 : i32
    %dma_wait3A_57 = arith.constant 0 : i32
    %dma_wait3A_58 = tpu.memref_slice %arg7[%dma_wait3A_56, %dma_wait3A_57] : memref<80x125xi32, #tpu.memory_space<vmem>> -> memref<1x125xi32, #tpu.memory_space<vmem>>
    %dma_wait3A_59 = tpu.memref_squeeze %dma_wait3A_58 : memref<1x125xi32, #tpu.memory_space<vmem>> -> memref<125xi32, #tpu.memory_space<vmem>>
    %dma_wait3A_60 = arith.constant 0 : i32
    %dma_wait3A_61 = arith.constant 0 : i32
    %dma_wait3A_62 = tpu.memref_slice %arg18[%dma_wait3A_60, %dma_wait3A_61] : memref<10240x16xf32, #tpu.memory_space<vmem_shared>> -> memref<10240x16xf32, #tpu.memory_space<vmem_shared>>
    tpu.wait_indirect_dma semaphore(%arg32 : memref<!tpu.dma_semaphore, #tpu.memory_space<semaphore_mem>>) src(%arg10 : memref<125x16xf32, #tpu.memory_space<vmem>>) dst(%dma_wait3A_62 : memref<10240x16xf32, #tpu.memory_space<vmem_shared>>)
    %dma_wait3A_63 = arith.constant 73 : i32
    %dma_wait3A_64 = arith.constant 0 : i32
    %dma_wait3A_65 = tpu.memref_slice %arg7[%dma_wait3A_63, %dma_wait3A_64] : memref<80x125xi32, #tpu.memory_space<vmem>> -> memref<1x125xi32, #tpu.memory_space<vmem>>
    %dma_wait3A_66 = tpu.memref_squeeze %dma_wait3A_65 : memref<1x125xi32, #tpu.memory_space<vmem>> -> memref<125xi32, #tpu.memory_space<vmem>>
    %dma_wait3A_67 = arith.constant 0 : i32
    %dma_wait3A_68 = arith.constant 0 : i32
    %dma_wait3A_69 = tpu.memref_slice %arg18[%dma_wait3A_67, %dma_wait3A_68] : memref<10240x16xf32, #tpu.memory_space<vmem_shared>> -> memref<10240x16xf32, #tpu.memory_space<vmem_shared>>
    tpu.wait_indirect_dma semaphore(%arg33 : memref<!tpu.dma_semaphore, #tpu.memory_space<semaphore_mem>>) src(%arg11 : memref<125x16xf32, #tpu.memory_space<vmem>>) dst(%dma_wait3A_69 : memref<10240x16xf32, #tpu.memory_space<vmem_shared>>)
    %dma_wait3A_70 = arith.constant 74 : i32
    %dma_wait3A_71 = arith.constant 0 : i32
    %dma_wait3A_72 = tpu.memref_slice %arg7[%dma_wait3A_70, %dma_wait3A_71] : memref<80x125xi32, #tpu.memory_space<vmem>> -> memref<1x125xi32, #tpu.memory_space<vmem>>
    %dma_wait3A_73 = tpu.memref_squeeze %dma_wait3A_72 : memref<1x125xi32, #tpu.memory_space<vmem>> -> memref<125xi32, #tpu.memory_space<vmem>>
    %dma_wait3A_74 = arith.constant 0 : i32
    %dma_wait3A_75 = arith.constant 0 : i32
    %dma_wait3A_76 = tpu.memref_slice %arg18[%dma_wait3A_74, %dma_wait3A_75] : memref<10240x16xf32, #tpu.memory_space<vmem_shared>> -> memref<10240x16xf32, #tpu.memory_space<vmem_shared>>
    tpu.wait_indirect_dma semaphore(%arg34 : memref<!tpu.dma_semaphore, #tpu.memory_space<semaphore_mem>>) src(%arg12 : memref<125x16xf32, #tpu.memory_space<vmem>>) dst(%dma_wait3A_76 : memref<10240x16xf32, #tpu.memory_space<vmem_shared>>)
    %dma_wait3A_77 = arith.constant 75 : i32
    %dma_wait3A_78 = arith.constant 0 : i32
    %dma_wait3A_79 = tpu.memref_slice %arg7[%dma_wait3A_77, %dma_wait3A_78] : memref<80x125xi32, #tpu.memory_space<vmem>> -> memref<1x125xi32, #tpu.memory_space<vmem>>
    %dma_wait3A_80 = tpu.memref_squeeze %dma_wait3A_79 : memref<1x125xi32, #tpu.memory_space<vmem>> -> memref<125xi32, #tpu.memory_space<vmem>>
    %dma_wait3A_81 = arith.constant 0 : i32
    %dma_wait3A_82 = arith.constant 0 : i32
    %dma_wait3A_83 = tpu.memref_slice %arg18[%dma_wait3A_81, %dma_wait3A_82] : memref<10240x16xf32, #tpu.memory_space<vmem_shared>> -> memref<10240x16xf32, #tpu.memory_space<vmem_shared>>
    tpu.wait_indirect_dma semaphore(%arg35 : memref<!tpu.dma_semaphore, #tpu.memory_space<semaphore_mem>>) src(%arg13 : memref<125x16xf32, #tpu.memory_space<vmem>>) dst(%dma_wait3A_83 : memref<10240x16xf32, #tpu.memory_space<vmem_shared>>)
    %dma_wait3A_84 = arith.constant 76 : i32
    %dma_wait3A_85 = arith.constant 0 : i32
    %dma_wait3A_86 = tpu.memref_slice %arg7[%dma_wait3A_84, %dma_wait3A_85] : memref<80x125xi32, #tpu.memory_space<vmem>> -> memref<1x125xi32, #tpu.memory_space<vmem>>
    %dma_wait3A_87 = tpu.memref_squeeze %dma_wait3A_86 : memref<1x125xi32, #tpu.memory_space<vmem>> -> memref<125xi32, #tpu.memory_space<vmem>>
    %dma_wait3A_88 = arith.constant 0 : i32
    %dma_wait3A_89 = arith.constant 0 : i32
    %dma_wait3A_90 = tpu.memref_slice %arg18[%dma_wait3A_88, %dma_wait3A_89] : memref<10240x16xf32, #tpu.memory_space<vmem_shared>> -> memref<10240x16xf32, #tpu.memory_space<vmem_shared>>
    tpu.wait_indirect_dma semaphore(%arg36 : memref<!tpu.dma_semaphore, #tpu.memory_space<semaphore_mem>>) src(%arg14 : memref<125x16xf32, #tpu.memory_space<vmem>>) dst(%dma_wait3A_90 : memref<10240x16xf32, #tpu.memory_space<vmem_shared>>)
    %dma_wait3A_91 = arith.constant 77 : i32
    %dma_wait3A_92 = arith.constant 0 : i32
    %dma_wait3A_93 = tpu.memref_slice %arg7[%dma_wait3A_91, %dma_wait3A_92] : memref<80x125xi32, #tpu.memory_space<vmem>> -> memref<1x125xi32, #tpu.memory_space<vmem>>
    %dma_wait3A_94 = tpu.memref_squeeze %dma_wait3A_93 : memref<1x125xi32, #tpu.memory_space<vmem>> -> memref<125xi32, #tpu.memory_space<vmem>>
    %dma_wait3A_95 = arith.constant 0 : i32
    %dma_wait3A_96 = arith.constant 0 : i32
    %dma_wait3A_97 = tpu.memref_slice %arg18[%dma_wait3A_95, %dma_wait3A_96] : memref<10240x16xf32, #tpu.memory_space<vmem_shared>> -> memref<10240x16xf32, #tpu.memory_space<vmem_shared>>
    tpu.wait_indirect_dma semaphore(%arg37 : memref<!tpu.dma_semaphore, #tpu.memory_space<semaphore_mem>>) src(%arg15 : memref<125x16xf32, #tpu.memory_space<vmem>>) dst(%dma_wait3A_97 : memref<10240x16xf32, #tpu.memory_space<vmem_shared>>)
    %dma_wait3A_98 = arith.constant 78 : i32
    %dma_wait3A_99 = arith.constant 0 : i32
    %dma_wait3A_100 = tpu.memref_slice %arg7[%dma_wait3A_98, %dma_wait3A_99] : memref<80x125xi32, #tpu.memory_space<vmem>> -> memref<1x125xi32, #tpu.memory_space<vmem>>
    %dma_wait3A_101 = tpu.memref_squeeze %dma_wait3A_100 : memref<1x125xi32, #tpu.memory_space<vmem>> -> memref<125xi32, #tpu.memory_space<vmem>>
    %dma_wait3A_102 = arith.constant 0 : i32
    %dma_wait3A_103 = arith.constant 0 : i32
    %dma_wait3A_104 = tpu.memref_slice %arg18[%dma_wait3A_102, %dma_wait3A_103] : memref<10240x16xf32, #tpu.memory_space<vmem_shared>> -> memref<10240x16xf32, #tpu.memory_space<vmem_shared>>
    tpu.wait_indirect_dma semaphore(%arg38 : memref<!tpu.dma_semaphore, #tpu.memory_space<semaphore_mem>>) src(%arg16 : memref<125x16xf32, #tpu.memory_space<vmem>>) dst(%dma_wait3A_104 : memref<10240x16xf32, #tpu.memory_space<vmem_shared>>)
    %dma_wait3A_105 = arith.constant 79 : i32
    %dma_wait3A_106 = arith.constant 0 : i32
    %dma_wait3A_107 = tpu.memref_slice %arg7[%dma_wait3A_105, %dma_wait3A_106] : memref<80x125xi32, #tpu.memory_space<vmem>> -> memref<1x125xi32, #tpu.memory_space<vmem>>
    %dma_wait3A_108 = tpu.memref_squeeze %dma_wait3A_107 : memref<1x125xi32, #tpu.memory_space<vmem>> -> memref<125xi32, #tpu.memory_space<vmem>>
    %dma_wait3A_109 = arith.constant 0 : i32
    %dma_wait3A_110 = arith.constant 0 : i32
    %dma_wait3A_111 = tpu.memref_slice %arg18[%dma_wait3A_109, %dma_wait3A_110] : memref<10240x16xf32, #tpu.memory_space<vmem_shared>> -> memref<10240x16xf32, #tpu.memory_space<vmem_shared>>
    tpu.wait_indirect_dma semaphore(%arg39 : memref<!tpu.dma_semaphore, #tpu.memory_space<semaphore_mem>>) src(%arg17 : memref<125x16xf32, #tpu.memory_space<vmem>>) dst(%dma_wait3A_111 : memref<10240x16xf32, #tpu.memory_space<vmem_shared>>)
    %barrier3A_112 = arith.constant 0 : index
    tpu.barrier barrier_id(%barrier3A_112)
    "tpu.region"() ({
      %run_scoped3A_113 = tpu.sem_alloc : memref<!tpu.dma_semaphore, #tpu.memory_space<semaphore_mem>>
      %dma_start3A_114 = arith.constant 0 : i32
      %dma_start3A_115 = tpu.memref_slice %arg5[%arg0, %mul3A_2, %dma_start3A_114] : memref<2x10240x16xf32, #tpu.memory_space<hbm>> -> memref<1x640x16xf32, #tpu.memory_space<hbm>>
      %dma_start3A_116 = tpu.memref_squeeze %dma_start3A_115 : memref<1x640x16xf32, #tpu.memory_space<hbm>> -> memref<640x16xf32, #tpu.memory_space<hbm>>
      %dma_start3A_117 = arith.constant 0 : i32
      %dma_start3A_118 = tpu.memref_slice %arg18[%mul3A_2, %dma_start3A_117] : memref<10240x16xf32, #tpu.memory_space<vmem_shared>> -> memref<640x16xf32, #tpu.memory_space<vmem_shared>>
      tpu.enqueue_dma source(%dma_start3A_118 : memref<640x16xf32, #tpu.memory_space<vmem_shared>>) target(%dma_start3A_116 : memref<640x16xf32, #tpu.memory_space<hbm>>) target_semaphore(%run_scoped3A_113 : memref<!tpu.dma_semaphore, #tpu.memory_space<semaphore_mem>>)
      %dma_wait3A_119 = arith.constant 0 : i32
      %dma_wait3A_120 = tpu.memref_slice %arg5[%arg0, %mul3A_2, %dma_wait3A_119] : memref<2x10240x16xf32, #tpu.memory_space<hbm>> -> memref<1x640x16xf32, #tpu.memory_space<hbm>>
      %dma_wait3A_121 = tpu.memref_squeeze %dma_wait3A_120 : memref<1x640x16xf32, #tpu.memory_space<hbm>> -> memref<640x16xf32, #tpu.memory_space<hbm>>
      %dma_wait3A_122 = arith.constant 0 : i32
      %dma_wait3A_123 = tpu.memref_slice %arg18[%mul3A_2, %dma_wait3A_122] : memref<10240x16xf32, #tpu.memory_space<vmem_shared>> -> memref<640x16xf32, #tpu.memory_space<vmem_shared>>
      tpu.wait_dma2 semaphore(%run_scoped3A_113 : memref<!tpu.dma_semaphore, #tpu.memory_space<semaphore_mem>>) src(%dma_wait3A_123 : memref<640x16xf32, #tpu.memory_space<vmem_shared>>) dst(%dma_wait3A_121 : memref<640x16xf32, #tpu.memory_space<hbm>>)
      tpu.yield
    }) : () -> ()
    return
  }
}

module attributes {stable_mosaic.version = 14 : i64} {
  func.func @_tc_mm1_body(%arg0: memref<1248x1024xf32, #tpu.memory_space<vmem>>, %arg1: memref<2x1024xf32, #tpu.memory_space<vmem>>, %arg2: memref<1024x128xf32, #tpu.memory_space<vmem>>, %arg3: memref<1280x128xf32, #tpu.memory_space<vmem>>) attributes {dimension_semantics = [], scalar_prefetch = 0 : i64, scratch_operands = 0 : i64, tpu.core_type = #tpu.core_type<tc>} {
    %get3A = arith.constant 0 : index
    %get3A_0 = arith.constant 0 : index
    %get3A_1 = vector.load %arg0[%get3A, %get3A_0] : memref<1248x1024xf32, #tpu.memory_space<vmem>>, vector<1248x1024xf32>
    %get3A_2 = arith.constant 0 : index
    %get3A_3 = arith.constant 0 : index
    %get3A_4 = vector.load %arg2[%get3A_2, %get3A_3] : memref<1024x128xf32, #tpu.memory_space<vmem>>, vector<1024x128xf32>
    %dot_general3A = arith.constant dense<0.000000e+00> : vector<1248x128xf32>
    %dot_general3A_5 = tpu.matmul %get3A_1, %get3A_4, %dot_general3A {dimension_numbers = #tpu.dot_dimension_numbers<[1], [0], [0], [1], [0, 0, 1, 1], [], []>, transpose_lhs_hint = false} : vector<1248x1024xf32>, vector<1024x128xf32>, vector<1248x128xf32> -> vector<1248x128xf32>
    %swap3A = arith.constant 0 : index
    %swap3A_6 = arith.constant 0 : index
    %swap3A_7 = vector.load %arg3[%swap3A, %swap3A_6] : memref<1280x128xf32, #tpu.memory_space<vmem>>, vector<1248x128xf32>
    tpu.vector_store %arg3[%swap3A, %swap3A_6], %dot_general3A_5 {strides = array<i32>} : memref<1280x128xf32, #tpu.memory_space<vmem>>, vector<1248x128xf32>,
    %get3A_8 = arith.constant 0 : index
    %get3A_9 = arith.constant 0 : index
    %get3A_10 = vector.load %arg1[%get3A_8, %get3A_9] : memref<2x1024xf32, #tpu.memory_space<vmem>>, vector<2x1024xf32>
    %get3A_11 = arith.constant 0 : index
    %get3A_12 = arith.constant 0 : index
    %get3A_13 = vector.load %arg2[%get3A_11, %get3A_12] : memref<1024x128xf32, #tpu.memory_space<vmem>>, vector<1024x128xf32>
    %dot_general3A_14 = arith.constant dense<0.000000e+00> : vector<2x128xf32>
    %dot_general3A_15 = tpu.matmul %get3A_10, %get3A_13, %dot_general3A_14 {dimension_numbers = #tpu.dot_dimension_numbers<[1], [0], [0], [1], [0, 0, 1, 1], [], []>, transpose_lhs_hint = false} : vector<2x1024xf32>, vector<1024x128xf32>, vector<2x128xf32> -> vector<2x128xf32>
    %swap3A_16 = arith.constant 1248 : index
    %swap3A_17 = arith.constant 0 : index
    %swap3A_18 = vector.load %arg3[%swap3A_16, %swap3A_17] : memref<1280x128xf32, #tpu.memory_space<vmem>>, vector<2x128xf32>
    tpu.vector_store %arg3[%swap3A_16, %swap3A_17], %dot_general3A_15 {strides = array<i32>} : memref<1280x128xf32, #tpu.memory_space<vmem>>, vector<2x128xf32>,
    return
  }
}

module attributes {stable_mosaic.version = 14 : i64} {
  func.func @_tc_prep_body(%arg0: memref<2x1280x8xf32, #tpu.memory_space<vmem>>, %arg1: memref<8x128xf32, #tpu.memory_space<vmem>>, %arg2: memref<1280x128xf32, #tpu.memory_space<vmem>>, %arg3: memref<1280x128xf32, #tpu.memory_space<vmem>>, %arg4: memref<1280x128xf32, #tpu.memory_space<vmem>>) attributes {dimension_semantics = [], scalar_prefetch = 0 : i64, scratch_operands = 0 : i64, tpu.core_type = #tpu.core_type<tc>} {
    %get3A = arith.constant 0 : index
    %get3A_0 = arith.constant 0 : index
    %get3A_1 = arith.constant 0 : index
    %get3A_2 = vector.load %arg0[%get3A, %get3A_0, %get3A_1] : memref<2x1280x8xf32, #tpu.memory_space<vmem>>, vector<1x1280x8xf32>
    %get3A_3 = vector.shape_cast %get3A_2 : vector<1x1280x8xf32> to vector<1280x8xf32>
    %get3A_4 = arith.constant 1 : index
    %get3A_5 = arith.constant 0 : index
    %get3A_6 = arith.constant 0 : index
    %get3A_7 = vector.load %arg0[%get3A_4, %get3A_5, %get3A_6] : memref<2x1280x8xf32, #tpu.memory_space<vmem>>, vector<1x1280x8xf32>
    %get3A_8 = vector.shape_cast %get3A_7 : vector<1x1280x8xf32> to vector<1280x8xf32>
    %add3A = arith.addf %get3A_3, %get3A_8 : vector<1280x8xf32>
    %add3A_9 = arith.constant 1.000000e+00 : f32
    %add3A_10 = vector.broadcast %add3A_9 : f32 to vector<1280x8xf32>
    %add3A_11 = arith.addf %add3A, %add3A_10 : vector<1280x8xf32>
    %rsqrt3A = math.rsqrt %add3A_11 : vector<1280x8xf32>
    %get3A_12 = arith.constant 0 : index
    %get3A_13 = arith.constant 0 : index
    %get3A_14 = vector.load %arg1[%get3A_12, %get3A_13] : memref<8x128xf32, #tpu.memory_space<vmem>>, vector<8x128xf32>
    %dot_general3A = arith.constant dense<0.000000e+00> : vector<1280x128xf32>
    %dot_general3A_15 = tpu.matmul %rsqrt3A, %get3A_14, %dot_general3A {dimension_numbers = #tpu.dot_dimension_numbers<[1], [0], [0], [1], [0, 0, 1, 1], [], []>, transpose_lhs_hint = false} : vector<1280x8xf32>, vector<8x128xf32>, vector<1280x128xf32> -> vector<1280x128xf32>
    %swap3A = arith.constant 0 : index
    %swap3A_16 = arith.constant 0 : index
    %swap3A_17 = vector.load %arg4[%swap3A, %swap3A_16] : memref<1280x128xf32, #tpu.memory_space<vmem>>, vector<1280x128xf32>
    tpu.vector_store %arg4[%swap3A, %swap3A_16], %dot_general3A_15 {strides = array<i32>} : memref<1280x128xf32, #tpu.memory_space<vmem>>, vector<1280x128xf32>,
    %get3A_18 = arith.constant 0 : index
    %get3A_19 = arith.constant 0 : index
    %get3A_20 = vector.load %arg2[%get3A_18, %get3A_19] : memref<1280x128xf32, #tpu.memory_space<vmem>>, vector<1280x128xf32>
    %mul3A = arith.mulf %get3A_20, %dot_general3A_15 : vector<1280x128xf32>
    %swap3A_21 = arith.constant 0 : index
    %swap3A_22 = arith.constant 0 : index
    %swap3A_23 = vector.load %arg3[%swap3A_21, %swap3A_22] : memref<1280x128xf32, #tpu.memory_space<vmem>>, vector<1280x128xf32>
    tpu.vector_store %arg3[%swap3A_21, %swap3A_22], %mul3A {strides = array<i32>} : memref<1280x128xf32, #tpu.memory_space<vmem>>, vector<1280x128xf32>,
    return
  }
}

module attributes {stable_mosaic.version = 14 : i64} {
  func.func @_tc_comb1_body(%arg0: memref<2x1280x128xf32, #tpu.memory_space<vmem>>, %arg1: memref<1280x128xf32, #tpu.memory_space<vmem>>, %arg2: memref<1280x128xf32, #tpu.memory_space<vmem>>, %arg3: memref<1x128xf32, #tpu.memory_space<vmem>>, %arg4: memref<1280x128xf32, #tpu.memory_space<vmem>>) attributes {dimension_semantics = [], scalar_prefetch = 0 : i64, scratch_operands = 0 : i64, tpu.core_type = #tpu.core_type<tc>} {
    %get3A = arith.constant 0 : index
    %get3A_0 = arith.constant 0 : index
    %get3A_1 = vector.load %arg2[%get3A, %get3A_0] : memref<1280x128xf32, #tpu.memory_space<vmem>>, vector<1280x128xf32>
    %get3A_2 = arith.constant 0 : index
    %get3A_3 = arith.constant 0 : index
    %get3A_4 = arith.constant 0 : index
    %get3A_5 = vector.load %arg0[%get3A_2, %get3A_3, %get3A_4] : memref<2x1280x128xf32, #tpu.memory_space<vmem>>, vector<1x1280x128xf32>
    %get3A_6 = vector.shape_cast %get3A_5 : vector<1x1280x128xf32> to vector<1280x128xf32>
    %get3A_7 = arith.constant 1 : index
    %get3A_8 = arith.constant 0 : index
    %get3A_9 = arith.constant 0 : index
    %get3A_10 = vector.load %arg0[%get3A_7, %get3A_8, %get3A_9] : memref<2x1280x128xf32, #tpu.memory_space<vmem>>, vector<1x1280x128xf32>
    %get3A_11 = vector.shape_cast %get3A_10 : vector<1x1280x128xf32> to vector<1280x128xf32>
    %add3A = arith.addf %get3A_6, %get3A_11 : vector<1280x128xf32>
    %get3A_12 = arith.constant 0 : index
    %get3A_13 = arith.constant 0 : index
    %get3A_14 = vector.load %arg1[%get3A_12, %get3A_13] : memref<1280x128xf32, #tpu.memory_space<vmem>>, vector<1280x128xf32>
    %add3A_15 = arith.addf %add3A, %get3A_14 : vector<1280x128xf32>
    %mul3A = arith.mulf %get3A_1, %add3A_15 : vector<1280x128xf32>
    %get3A_16 = arith.constant 0 : index
    %get3A_17 = arith.constant 0 : index
    %get3A_18 = vector.load %arg3[%get3A_16, %get3A_17] : memref<1x128xf32, #tpu.memory_space<vmem>>, vector<1x128xf32>
    %add3A_19 = vector.broadcast %get3A_18 : vector<1x128xf32> to vector<1280x128xf32>
    %add3A_20 = arith.addf %mul3A, %add3A_19 : vector<1280x128xf32>
    %max3A = arith.constant 0.000000e+00 : f32
    %max3A_21 = vector.broadcast %max3A : f32 to vector<1280x128xf32>
    %max3A_22 = arith.maximumf %add3A_20, %max3A_21 : vector<1280x128xf32>
    %mul3A_23 = arith.mulf %max3A_22, %get3A_1 : vector<1280x128xf32>
    %swap3A = arith.constant 0 : index
    %swap3A_24 = arith.constant 0 : index
    %swap3A_25 = vector.load %arg4[%swap3A, %swap3A_24] : memref<1280x128xf32, #tpu.memory_space<vmem>>, vector<1280x128xf32>
    tpu.vector_store %arg4[%swap3A, %swap3A_24], %mul3A_23 {strides = array<i32>} : memref<1280x128xf32, #tpu.memory_space<vmem>>, vector<1280x128xf32>,
    return
  }
}

module attributes {stable_mosaic.version = 14 : i64} {
  func.func @_tc_final_body(%arg0: memref<2x1280x128xf32, #tpu.memory_space<vmem>>, %arg1: memref<1280x128xf32, #tpu.memory_space<vmem>>, %arg2: memref<1280x128xf32, #tpu.memory_space<vmem>>, %arg3: memref<128x16xf32, #tpu.memory_space<vmem>>, %arg4: memref<1x16xf32, #tpu.memory_space<vmem>>, %arg5: memref<1250x16xf32, #tpu.memory_space<vmem>>) attributes {dimension_semantics = [], scalar_prefetch = 0 : i64, scratch_operands = 0 : i64, tpu.core_type = #tpu.core_type<tc>} {
    %get3A = arith.constant 0 : index
    %get3A_0 = arith.constant 0 : index
    %get3A_1 = vector.load %arg2[%get3A, %get3A_0] : memref<1280x128xf32, #tpu.memory_space<vmem>>, vector<1280x128xf32>
    %get3A_2 = arith.constant 0 : index
    %get3A_3 = arith.constant 0 : index
    %get3A_4 = arith.constant 0 : index
    %get3A_5 = vector.load %arg0[%get3A_2, %get3A_3, %get3A_4] : memref<2x1280x128xf32, #tpu.memory_space<vmem>>, vector<1x1280x128xf32>
    %get3A_6 = vector.shape_cast %get3A_5 : vector<1x1280x128xf32> to vector<1280x128xf32>
    %get3A_7 = arith.constant 1 : index
    %get3A_8 = arith.constant 0 : index
    %get3A_9 = arith.constant 0 : index
    %get3A_10 = vector.load %arg0[%get3A_7, %get3A_8, %get3A_9] : memref<2x1280x128xf32, #tpu.memory_space<vmem>>, vector<1x1280x128xf32>
    %get3A_11 = vector.shape_cast %get3A_10 : vector<1x1280x128xf32> to vector<1280x128xf32>
    %add3A = arith.addf %get3A_6, %get3A_11 : vector<1280x128xf32>
    %get3A_12 = arith.constant 0 : index
    %get3A_13 = arith.constant 0 : index
    %get3A_14 = vector.load %arg1[%get3A_12, %get3A_13] : memref<1280x128xf32, #tpu.memory_space<vmem>>, vector<1280x128xf32>
    %add3A_15 = arith.addf %add3A, %get3A_14 : vector<1280x128xf32>
    %mul3A = arith.mulf %get3A_1, %add3A_15 : vector<1280x128xf32>
    %slice3A = vector.extract_strided_slice %mul3A {offsets = [0, 0], sizes = [1250, 128], strides = [1, 1]} : vector<1280x128xf32> to vector<1250x128xf32>
    %get3A_16 = arith.constant 0 : index
    %get3A_17 = arith.constant 0 : index
    %get3A_18 = vector.load %arg3[%get3A_16, %get3A_17] : memref<128x16xf32, #tpu.memory_space<vmem>>, vector<128x16xf32>
    %dot_general3A = arith.constant dense<0.000000e+00> : vector<1250x16xf32>
    %dot_general3A_19 = tpu.matmul %slice3A, %get3A_18, %dot_general3A {dimension_numbers = #tpu.dot_dimension_numbers<[1], [0], [0], [1], [0, 0, 1, 1], [], []>, transpose_lhs_hint = false} : vector<1250x128xf32>, vector<128x16xf32>, vector<1250x16xf32> -> vector<1250x16xf32>
    %get3A_20 = arith.constant 0 : index
    %get3A_21 = arith.constant 0 : index
    %get3A_22 = vector.load %arg4[%get3A_20, %get3A_21] : memref<1x16xf32, #tpu.memory_space<vmem>>, vector<1x16xf32>
    %add3A_23 = vector.broadcast %get3A_22 : vector<1x16xf32> to vector<1250x16xf32>
    %add3A_24 = arith.addf %dot_general3A_19, %add3A_23 : vector<1250x16xf32>
    %swap3A = arith.constant 0 : index
    %swap3A_25 = arith.constant 0 : index
    %swap3A_26 = vector.load %arg5[%swap3A, %swap3A_25] : memref<1250x16xf32, #tpu.memory_space<vmem>>, vector<1250x16xf32>
    tpu.vector_store %arg5[%swap3A, %swap3A_25], %add3A_24 {strides = array<i32>} : memref<1250x16xf32, #tpu.memory_space<vmem>>, vector<1250x16xf32>,
    return
  }
}

</mosaic_0001>

<sc_bundles>
// kernel: kernel.12.cloned.1.call-start
scs
__scs_entry_jumppad:
0x0: {  	(pc) =	sbr.rel $0x88, $3  }
0x1: {  	(tag) =	ssettag $0x0;
	lr =	simm.s32 $0x1  }
0x2: {  	[smem:$0x3F9B] =	sst lr;
	_ =	strace $0xD0000000  }
0x3: {  	_ = 	snop  }
0x4: {  	_ = 	snop  }
0x5: {  	_ = 	snop  }
0x6: {  	_ = 	snop  }
0x7: {  	_ = 	snop  }
__scs_overlays_trampoline_lowered:
0x8: {  	[smem:$0x3FAA] =	sst s0  }
0x9: {  	[smem:$0x3FAB] =	sst s1  }
0xa: {  	[smem:$0x3FAC] =	sst s2  }
0xb: {  	[smem:$0x3FAD] =	sst s3  }
0xc: {  	[smem:$0x3FAE] =	sst s4  }
0xd: {  	[smem:$0x3FAF] =	sst s5  }
0xe: {  	[smem:$0x3FB0] =	sst s6  }
0xf: {  	[smem:$0x3FB1] =	sst s7  }
0x10: {  	[smem:$0x3FB2] =	sst s8  }
0x11: {  	[smem:$0x3FB3] =	sst s9;
	s0 =	simm.s32 @!p0 $0x0  }
0x12: {  	s1 =	sld [smem:$0x3F99];
	s0 =	simm.s32 @p0 $0x1  }
0x13: {  	[smem:$0x3FB4] =	sst s0;
	s0 =	simm.s32 @!p1 $0x0  }
0x14: {  	s2 =	sld [smem:$0x3F98];
	s0 =	simm.s32 @p1 $0x1  }
0x15: {  	[smem:$0x3FB5] =	sst s0;
	s0 =	simm.s32 @!p2 $0x0  }
0x16: {  	s3 =	sld [smem:$0x3FDB];
	s0 =	simm.s32 @p2 $0x1  }
0x17: {  	s4 =	simm.s32 $0x1BF5;
	[smem:$0x3FB7] =	sst s0  }
0x18: {  	s0 =	sld [smem:$0x3F9A];
	_ =	swait.ge [sflag:s4], $0x0  }
0x19: {  	s7 =	sld [smem:$0x3F9B]  }
0x1a: {  	s8 =	sadd.s32 $0xFFFFE003, lr  }
0x1b: {  	s9 =	sadd.s32 $0xFFFFFEF7, lr;
	s5 =	simm.s32 $0xFFFFFFFF;
	p2 =	slt.u32 s8, $0xFFFFF086  }
0x1c: {  	p1 =	slt.u32 s9, $0xF7A;
	s5 =	simm.s32 @!p2 $0x0  }
0x1d: {  	s5 =	simm.s32 @p1 $0x1;
	p0 =	seq.s32 s7, s2  }
0x1e: {  	s7 =	smul.u32 @!p0 $0xF7A, s2;
	p2 =	seq.s32 @!p0 s5, $0x0  }
0x1f: {  	s9 =	smul.u32 $0xF7A, s1;
	s8 =	simm.s32 @!p0 $0x1BF5;
	p2 =	por !p2, p0  }
0x20: {  	[sflag:s8] =	ssyncset.s32 @!p0 $0xFFFFF086;
	s6 =	sadd.s32 @!p0 s3, s7;
	s7 =	simm.s32 @!p0 $0x108  }
0x21: {  	s3 =	sadd.s32 s3, s9;
	s6 =	sadd.s32 @!p0 $0x88, s6;
	s7 =	simm.s32 @p2 $0x1082  }
0x22: {  	[simem:s7], [sflag:s8] =	dma.local @!p0 [hbm:s6], $0xF7A  }
0x23: {  	s9 =	sor.u32 $0xD0000000, s2;
	s6 =	simm.s32 $0x108;
	_ =	swait.ge @!p0 [sflag:s8], $0x0  }
0x24: {  	s3 =	sadd.s32 $0x88, s3;
	s6 =	simm.s32 @!p1 $0x1082;
	[sflag:s4] =	ssyncset.s32 $0xFFFFF086  }
0x25: {  	[simem:s6], [sflag:s4] =	dma.local [hbm:s3], $0xF7A  }
0x26: {  	[smem:$0x3F9B] =	sst s1;
	(tag) =	ssettag s2;
	_ =	strace s9  }
0x27: {  	s1 =	sld [smem:$0x3FAB]  }
0x28: {  	s2 =	sld [smem:$0x3FAC]  }
0x29: {  	s4 =	sld [smem:$0x3FAE]  }
0x2a: {  	p0 =	seq.s32 s5, $0x0;
	s5 =	sld [smem:$0x3FAF]  }
0x2b: {  	s6 =	sld [smem:$0x3FB0]  }
0x2c: {  	s7 =	sld [smem:$0x3FB1]  }
0x2d: {  	s3 =	simm.s32 $0x108;
	s8 =	sld [smem:$0x3FB2]  }
0x2e: {  	s3 =	simm.s32 @!p0 $0x1082;
	s9 =	sld [smem:$0x3FB3]  }
0x2f: {  	lr =	sadd.s32 s0, s3;
	s0 =	sld [smem:$0x3FAA]  }
0x30: {  	s3 =	sld [smem:$0x3FAD]  }
0x31: {  	[smem:$0x3FB6] =	sst s10  }
0x32: {  	s10 =	sld [smem:$0x3FB4];
	_ =	sdelay $0x3  }
0x33: {  	p0 =	seq.s32 s10, $0x1;
	s10 =	sld [smem:$0x3FB6];
	_ =	sdelay $0x3  }
0x34: {  	[smem:$0x3FB6] =	sst s10  }
0x35: {  	s10 =	sld [smem:$0x3FB5];
	_ =	sdelay $0x3  }
0x36: {  	p1 =	seq.s32 s10, $0x1;
	s10 =	sld [smem:$0x3FB6];
	_ =	sdelay $0x3  }
0x37: {  	[smem:$0x3FB6] =	sst s10  }
0x38: {  	s10 =	sld [smem:$0x3FB7]  }
0x39: {  	_ = 	snop;
	(pc) =	sbr.ind lr, $3  }
0x3a: {  	_ = 	snop  }
0x3b: {  	_ = 	snop  }
0x3c: {  	p2 =	seq.s32 s10, $0x1;
	s10 =	sld [smem:$0x3FB6]  }
0x3d: {  	_ =	shalt  }
0x3e: {  	_ =	shalt  }
0x3f: {  	_ =	shalt  }
0x40: {  	_ =	shalt  }
0x41: {  	_ =	shalt  }
0x42: {  	_ =	shalt  }
0x43: {  	_ =	shalt  }
0x44: {  	_ =	shalt  }
0x45: {  	_ =	shalt  }
0x46: {  	_ =	shalt  }
0x47: {  	_ =	shalt  }
0x48: {  	_ =	shalt  }
0x49: {  	_ =	shalt  }
0x4a: {  	_ =	shalt  }
0x4b: {  	_ =	shalt  }
0x4c: {  	_ =	shalt  }
0x4d: {  	_ =	shalt  }
0x4e: {  	_ =	shalt  }
0x4f: {  	_ =	shalt  }
0x50: {  	_ =	shalt  }
0x51: {  	_ =	shalt  }
0x52: {  	_ =	shalt  }
0x53: {  	_ =	shalt  }
0x54: {  	_ =	shalt  }
0x55: {  	_ =	shalt  }
0x56: {  	_ =	shalt  }
0x57: {  	_ =	shalt  }
0x58: {  	_ =	shalt  }
0x59: {  	_ =	shalt  }
0x5a: {  	_ =	shalt  }
0x5b: {  	_ =	shalt  }
0x5c: {  	_ =	shalt  }
0x5d: {  	_ =	shalt  }
0x5e: {  	_ =	shalt  }
0x5f: {  	_ =	shalt  }
0x60: {  	_ =	shalt  }
0x61: {  	_ =	shalt  }
0x62: {  	_ =	shalt  }
0x63: {  	_ =	shalt  }
0x64: {  	_ =	shalt  }
0x65: {  	_ =	shalt  }
0x66: {  	_ =	shalt  }
0x67: {  	_ =	shalt  }
0x68: {  	_ =	shalt  }
0x69: {  	_ =	shalt  }
0x6a: {  	_ =	shalt  }
0x6b: {  	_ =	shalt  }
0x6c: {  	_ =	shalt  }
0x6d: {  	_ =	shalt  }
0x6e: {  	_ =	shalt  }
0x6f: {  	_ =	shalt  }
0x70: {  	_ =	shalt  }
0x71: {  	_ =	shalt  }
0x72: {  	_ =	shalt  }
0x73: {  	_ =	shalt  }
0x74: {  	_ =	shalt  }
0x75: {  	_ =	shalt  }
0x76: {  	_ =	shalt  }
0x77: {  	_ =	shalt  }
0x78: {  	_ =	shalt  }
0x79: {  	_ =	shalt  }
0x7a: {  	_ =	shalt  }
0x7b: {  	_ =	shalt  }
0x7c: {  	_ =	shalt  }
0x7d: {  	_ =	shalt  }
0x7e: {  	_ =	shalt  }
0x7f: {  	_ =	shalt  }
0x80: {  	_ =	shalt  }
0x81: {  	_ =	shalt  }
0x82: {  	_ =	shalt  }
0x83: {  	_ =	shalt  }
0x84: {  	_ =	shalt  }
0x85: {  	_ =	shalt  }
0x86: {  	_ =	shalt  }
0x87: {  	_ =	shalt  }
.Lfunc_end0:
.L_simem_size_0:
called_computation.1_lowered:
.L_overlay_start_0:
0x88: {  	s2 =	sld [smem:$0x3FD9]  }
0x89: {  	s3 =	sld [smem:$0x3FFE];
	_ =	sdelay $0x1  }
0x8a: {  	s1 =	srdreg.scid  }
0x8b: {  	s0 =	sand.u32 $0x1, s1  }
0x8c: {  	s16 =	sshll.u32 s0, $0xA;
	s2 =	sadd.s32 s3, s2  }
0x8d: {  	s2 =	sadd.s32 s2, s16  }
0x8e: {  	[smem:$0x3FC2] =	sst s2  }
0x8f: {  	_ = 	snop  }
0x90: {  	(tm) =	ssettm $0x1  }
0x91: {  	s17 =	sld [smem:$0x3FFB];
	_ =	sdelay $0x3  }
0x92: {  	_ =	strace s17  }
0x93: {  	s2 =	sld [smem:$0x3FFC];
	_ =	sdelay $0x3  }
0x94: {  	_ =	strace s2  }
0x95: {  	s2 =	sld [smem:$0x3FFD];
	_ =	sdelay $0x3  }
0x96: {  	_ =	strace s2  }
0x97: {  	_ =	strace $0x8FFFFFFF  }
0x98: {  	s18 =	sld [smem:$0x3FDB];
	_ =	sdelay $0x1  }
0x99: {  	s19 =	simm.s32 $_scs_section_size  }
0x9a: {  	s4 =	simm.s32 $_size__tile_overlayer_lowered;
	s5 =	simm.s32 $_tile_overlayer_lowered  }
0x9b: {  	s22 =	simm.s32 $0x1BFF;
	s21 =	sshll.u32 s5, $0x1;
	s2 =	sadd.s32 s19, s18  }
0x9c: {  	s6 =	simm.s32 $0x0;
	s20 =	sshll.u32 s4, $0x1;
	s4 =	sadd.s32 s21, s2  }
0x9d: {  	[timem:s6], [sflag:s22] =	dma.local [hbm:s4], s20  }
0x9e: {  	_ =	swait.ge [sflag:s22], s20  }
0x9f: {  	s3 =	ssub.s32 $0x0, s20;
	[sflag:s22] =	ssyncset.done $0x0  }
0xa0: {  	[sflag:s22] =	ssyncadd.s32 s3;
	_ =	sdelay $0x1  }
0xa1: {  	s23 =	simm.s32 $0x1B8B  }
0xa2: {  	_ =	swait.ge [sflag:s23], $0x1  }
0xa3: {  	[sflag:s23] =	ssyncset.done $0x0  }
0xa4: {  	s25 =	simm.s32 $0x1B8E;
	s24 =	sld [smem:$0x3FFE];
	[sflag:s23] =	ssyncadd.s32 $0xFFFFFFFF  }
0xa5: {  	s26 =	simm.s32 $execute0_lowered;
	[smem:$0x3FD2] =	sst s25  }
0xa6: {  	s4 =	sshll.u32 s26, $0x1;
	_ =	strace $0x80000049;
	[dreg:$0x1] =	wrdreg $0xFFFFFFFF  }
0xa7: {  	s28 =	simm.s32 $_size_execute0_lowered;
	s2 =	sadd.s32 s2, s4;
	[dreg:$0x0] =	wrdreg $0x0  }
0xa8: {  	s4 =	sshll.u32 s28, $0x1;
	[dreg:$0x2] =	wrdreg s2  }
0xa9: {  	[dreg:$0x3] =	wrdreg s4  }
0xaa: {  	[dreg:$0x4] =	wrdreg $0xC0  }
0xab: {  	_ =	task [dreg:s6], $0x5FFFF  }
0xac: {  	[dreg:$0x1] =	wrdreg $0xFFFFFFFF  }
0xad: {  	[dreg:$0x0] =	wrdreg $0x60  }
0xae: {  	[dreg:$0x2] =	wrdreg s24  }
0xaf: {  	[dreg:$0x3] =	wrdreg $0x9E200  }
0xb0: {  	[dreg:$0x4] =	wrdreg $0xC6200  }
0xb1: {  	[dreg:$0x5] =	wrdreg $0x9  }
0xb2: {  	_ =	task.clear_ibuf [dreg:s6], $0x6FFFF;
	_ =	strace $0x90000049  }
0xb3: {  	s29 =	simm.s32 $0x9;
	_ =	strace $0x8000004B  }
0xb4: {  	_ =	swait.ge [sflag:s29], $0x1  }
0xb5: {  	[sflag:s29] =	ssyncadd.s32 $0xFFFFFFFF  }
0xb6: {  	_ =	strace $0x9000004B  }
0xb7: {  	_ =	sfence  }
0xb8: {  	s30 =	sld [smem:$0x0];
	_ =	sdelay $0x2  }
0xb9: {  	s31 =	sshll.u32 s1, $0xD;
	s1 =	sshrl.u32 s1, $0x2  }
0xba: {  	s3 =	sand.u32 $0x4000, s31;
	s1 =	sadd.s32 s1, s30  }
0xbb: {  	s0 =	sor.u32 s3, s0;
	s1 =	sshll.u32 s1, $0x11  }
0xbc: {  	s0 =	sor.u32 s1, s0  }
0xbd: {  	s0 =	sadd.s32 $0x8F2B, s0  }
0xbe: {  	[sflag:s0] =	ssyncadd.remote.s32 $0x1  }
0xbf: {  	_ =	sfence.sel $0xFFFF  }
0xc0: {  	[dreg:$0x0] =	wrdreg $0xFFFFFFFF;
	(pc) =	sbr.abs _section_cstart, $3  }
0xc1: {  	[dreg:$0x1] =	wrdreg $0xFFFFFFFF  }
0xc2: {  	_ =	task.clear_ibuf [dreg:s6], $0x2FFFF;
	_ =	strace $0x9FFFFFFF  }
0xc3: {  	(tm) =	ssettm $0x7FFFFFFF  }
tec
execute0_lowered:
.L_overlay_start_1:
0x0: {  	(tag) =	ssettag $0x1  }
0x1: {  	s0 =	rddreg [dreg:$0x0]  }
0x2: {  	s2 =	rddreg [dreg:$0x1]  }
0x3: {  	s3 =	rddreg [dreg:$0x2];
	s6 =	simm.s32 $0x0;
	s9 =	stileid.u32  }
0x4: {  	s1 =	srdreg.scid;
	s16 =	simm.s32 $0x7D;
	s17 =	simm.s32 $0x5000  }
0x5: {  	s28 =	simm.s32 $0x7710;
	s29 =	simm.s32 $0x2;
	s30 =	simm.s32 $0x7EE0  }
0x6: {  	s31 =	simm.s32 $0x3;
	s12 =	simm.s32 $0x8E80;
	s18 =	simm.s32 $0x5  }
0x7: {  	s10 =	simm.s32 $0xF;
	s4 =	smul.u32 $0x2800, s9;
	s1 =	sand.u32 $0x1, s1  }
0x8: {  	s5 =	sshll.u32 s9, $0x1;
	[smem:$0x7FF] =	sst s6;
	s25 =	sshll.u32 s9, $0x6  }
0x9: {  	s9 =	simm.s32 $0x0;
	s5 =	sor.u32 s1, s5;
	s19 =	smul.u32 $0x28000, s1  }
0xa: {  	_ =	strace $0x8000004A;
	s1 =	ssub.s32 $0x2, s1;
	s11 =	sor.u32 $0x1C15, s25  }
0xb: {  	s25 =	simm.s32 $0x6F40;
	s7 =	sshrl.u32 s4, $0x3;
	s5 =	smul.u32 $0x2800, s5  }
0xc: {  	s8 =	sshrl.u32 s1, $0x1;
	s21 =	sadd.s32 s4, s2;
	[dreg:$0xa] =	wrdreg s11  }
0xd: {  	s7 =	sadd.s32 s7, s0;
	s6 =	sadd.s32 s4, s19;
	s1 =	ssub.s32 s1, s8  }
0xe: {  	s4 =	sadd.s32 s4, s3;
	s13 =	sshrl.u32 s21, $0x3;
	s19 =	simm.s32 $0x57D0  }
0xf: {  	s21 =	simm.s32 $0x5FA0;
	s5 =	sshrl.u32 s5, $0x3;
	s6 =	sshrl.u32 s6, $0x3  }
0x10: {  	s22 =	sadd.s32 $0x1BA00, s7;
	s23 =	sadd.s32 $0x16A00, s7;
	[dreg:$0xb] =	wrdreg s13  }
0x11: {  	s24 =	smax.u32 s1, $0x1;
	s7 =	simm.s32 $0x15;
	[dreg:$0x6] =	wrdreg s22  }
0x12: {  	s26 =	sshrl.u32 s4, $0x3;
	s1 =	simm.s32 $0x4;
	[dreg:$0x7] =	wrdreg s23  }
0x13: {  	s5 =	sadd.s32 s5, s0;
	s0 =	sadd.s32 s6, s0;
	[dreg:$0x9] =	wrdreg s24  }
.Ltmp0:
0x14: {  	[dreg:$0xc] =	wrdreg s26;
	s20 =	sadd.s32 $0x2A00, s5;
	(pc) =	sbr.rel .LBB2_1-.Ltmp0, $4  }
0x15: {  	s23 =	simm.s32 $0x6770;
	s5 =	sadd.s32 $0xCA00, s5;
	[dreg:$0x4] =	wrdreg s20  }
0x16: {  	s26 =	simm.s32 $0x1;
	s0 =	sadd.s32 $0x20A00, s0;
	[dreg:$0x5] =	wrdreg s5  }
0x17: {  	s22 =	simm.s32 $0x6;
	s24 =	simm.s32 $0x8;
	[dreg:$0x8] =	wrdreg s0  }
0x18: {  	s0 =	simm.s32 $0x86B0;
	s20 =	simm.s32 $0x9650;
	s5 =	simm.s32 $0xA  }
.LBB2_4:
0x19: {  	s4 =	simm.s32 $0xB  }
0x1a: {  	_ =	swait.ge [sflag:s4], $0x7D0  }
0x1b: {  	[sflag:s4] =	ssyncset.done $0x0  }
0x1c: {  	s13 =	simm.s32 $0xC;
	[sflag:s4] =	ssyncadd.s32 $0xFFFFF830  }
0x1d: {  	_ =	swait.ge [sflag:s13], $0x7D0  }
0x1e: {  	[sflag:s13] =	ssyncset.done $0x0  }
0x1f: {  	s14 =	simm.s32 $0xD;
	[sflag:s13] =	ssyncadd.s32 $0xFFFFF830  }
0x20: {  	_ =	swait.ge [sflag:s14], $0x7D0  }
0x21: {  	[sflag:s14] =	ssyncset.done $0x0  }
0x22: {  	s15 =	simm.s32 $0xE;
	[sflag:s14] =	ssyncadd.s32 $0xFFFFF830  }
0x23: {  	_ =	swait.ge [sflag:s15], $0x7D0  }
0x24: {  	[sflag:s15] =	ssyncset.done $0x0  }
0x25: {  	[sflag:s15] =	ssyncadd.s32 $0xFFFFF830  }
0x26: {  	_ =	swait.ge [sflag:s10], $0x7D0  }
0x27: {  	[sflag:s10] =	ssyncset.done $0x0  }
0x28: {  	s6 =	simm.s32 $0x10;
	[sflag:s10] =	ssyncadd.s32 $0xFFFFF830  }
0x29: {  	_ =	swait.ge [sflag:s6], $0x7D0  }
0x2a: {  	[sflag:s6] =	ssyncset.done $0x0  }
0x2b: {  	s7 =	simm.s32 $0x11;
	[sflag:s6] =	ssyncadd.s32 $0xFFFFF830  }
0x2c: {  	_ =	swait.ge [sflag:s7], $0x7D0  }
0x2d: {  	[sflag:s7] =	ssyncset.done $0x0  }
0x2e: {  	s8 =	simm.s32 $0x12;
	[sflag:s7] =	ssyncadd.s32 $0xFFFFF830  }
0x2f: {  	_ =	swait.ge [sflag:s8], $0x7D0  }
0x30: {  	[sflag:s8] =	ssyncset.done $0x0  }
0x31: {  	s11 =	simm.s32 $0x13;
	[sflag:s8] =	ssyncadd.s32 $0xFFFFF830  }
0x32: {  	_ =	swait.ge [sflag:s11], $0x7D0  }
0x33: {  	[sflag:s11] =	ssyncset.done $0x0  }
0x34: {  	s13 =	simm.s32 $0x14;
	[sflag:s11] =	ssyncadd.s32 $0xFFFFF830  }
0x35: {  	_ =	swait.ge [sflag:s13], $0x7D0  }
0x36: {  	[sflag:s13] =	ssyncset.done $0x0  }
0x37: {  	[sflag:s13] =	ssyncadd.s32 $0xFFFFF830  }
0x38: {  	[bflag:$0x0] =	sbarrier.arrive $0xFFFF  }
0x39: {  	s14 =	rddreg [dreg:$0x8]  }
0x3a: {  	s11 =	rddreg [dreg:$0xa]  }
0x3b: {  	s7 =	simm.s32 $0x15;
	s13 =	rddreg [dreg:$0xb]  }
0x3c: {  	[hbm:s14], [sflag:s11] =	dma.local [spmem:s13], $0x500  }
0x3d: {  	_ =	swait.ge [sflag:s7], $0x500  }
0x3e: {  	s9 =	sadd.s32 $0x1, s9;
	s15 =	rddreg [dreg:$0x9]  }
0x3f: {  	p0 =	sne.s32 s9, s15  }
.Ltmp1:
0x40: {  	_ = 	snop;
	(pc) =	sbr.rel @!p0 .LBB2_5-.Ltmp1, $3  }
0x41: {  	_ =	sdelay $0x1  }
0x42: {  	[sflag:s7] =	ssyncset.done $0x0  }
0x43: {  	[sflag:s7] =	ssyncadd.s32 $0xFFFFFB00  }
.LBB2_1:
0x44: {  	s4 =	simm.s32 $0x0;
	s6 =	rddreg [dreg:$0x4]  }
0x45: {  	[tilespmem:s4], [sflag:$0x15] =	stream.linear.gather [hbm4b:s6+s4], $0x2800, $0x38;
	[tilespmem:$0xEE20] =	vst v63  }
0x46: {  	_ =	swait.ge [sflag:s7], $0x2800  }
0x47: {  	[sflag:s7] =	ssyncset.done $0x0  }
0x48: {  	s8 =	simm.s32 $0x2800;
	s15 =	rddreg [dreg:$0x5];
	[sflag:s7] =	ssyncadd.s32 $0xFFFFD800  }
0x49: {  	[tilespmem:s8], [sflag:$0x15] =	stream.linear.gather [hbm4b:s15+s4], $0x2800, $0x38;
	[tilespmem:$0xEE20] =	vst v63  }
0x4a: {  	_ =	swait.ge [sflag:s7], $0x2800  }
0x4b: {  	[sflag:s7] =	ssyncset.done $0x0  }
0x4c: {  	s8 =	rddreg [dreg:$0x6];
	[sflag:s7] =	ssyncadd.s32 $0xFFFFD800  }
0x4d: {  	[spmem:s13], [sflag:s11] =	dma.local [hbm:s8], $0x500  }
0x4e: {  	_ =	swait.ge [sflag:s7], $0x500  }
0x4f: {  	[sflag:s7] =	ssyncset.done $0x0;
	s14 =	rddreg [dreg:$0x7]  }
0x50: {  	s15 =	rddreg [dreg:$0xc];
	[sflag:s7] =	ssyncadd.s32 $0xFFFFFB00  }
0x51: {  	[spmem:s15], [sflag:s11] =	dma.local [hbm:s14], $0x500  }
0x52: {  	_ =	swait.ge [sflag:s7], $0x500  }
0x53: {  	[sflag:s7] =	ssyncset.done $0x0  }
0x54: {  	[sflag:s7] =	ssyncadd.s32 $0xFFFFFB00  }
0x55: {  	[bflag:$0x0] =	sbarrier.arrive $0xFFFF  }
0x56: {  	[tilespmem:s17], [sflag:$0x1] =	stream.indirect.gather [spmem:s3], $0x10, s4, s16, $0xb8;
	[tilespmem:$0xEE20] =	vst v63  }
0x57: {  	s11 =	simm.s32 $0x80  }
0x58: {  	[tilespmem:s19], [sflag:$0x2] =	stream.indirect.gather [spmem:s3], $0x10, s11, s16, $0xb8;
	[tilespmem:$0xEE20] =	vst v63  }
0x59: {  	s13 =	simm.s32 $0x100  }
0x5a: {  	[tilespmem:s21], [sflag:$0x3] =	stream.indirect.gather [spmem:s3], $0x10, s13, s16, $0xb8;
	[tilespmem:$0xEE20] =	vst v63  }
0x5b: {  	s14 =	simm.s32 $0x180  }
0x5c: {  	[tilespmem:s23], [sflag:$0x4] =	stream.indirect.gather [spmem:s3], $0x10, s14, s16, $0xb8;
	[tilespmem:$0xEE20] =	vst v63  }
0x5d: {  	s15 =	simm.s32 $0x200  }
0x5e: {  	[tilespmem:s25], [sflag:$0x5] =	stream.indirect.gather [spmem:s3], $0x10, s15, s16, $0xb8;
	[tilespmem:$0xEE20] =	vst v63  }
0x5f: {  	s15 =	simm.s32 $0x0  }
.LBB2_2:
0x60: {  	_ =	swait.ge [sflag:s26], $0x7D0  }
0x61: {  	s4 =	sshra.s32 s15, $0x2;
	[sflag:s26] =	ssyncset.done $0x0  }
0x62: {  	p0 =	seq.s32 s15, $0x0;
	s6 =	sadd.s32 $0x2800, s4;
	[sflag:s26] =	ssyncadd.s32 $0xFFFFF830  }
0x63: {  	[spmem:s2] =	stream.indirect.scatter.add.f32 [tilespmem:s17], [sflag:$0xB], $0x10, s6, s16, $0xb8;
	[tilespmem:$0xEE20] =	vst v63  }
0x64: {  	s6 =	simm.s32 @!p0 $0x10  }
0x65: {  	_ =	swait.ge @!p0 [sflag:s6], $0x7D0  }
0x66: {  	[sflag:s6] =	ssyncset.done @!p0 $0x0  }
0x67: {  	s14 =	sadd.s32 $0x280, s4;
	[sflag:s6] =	ssyncadd.s32 @!p0 $0xFFFFF830  }
0x68: {  	[tilespmem:s28], [sflag:$0x6] =	stream.indirect.gather [spmem:s3], $0x10, s14, s16, $0xb8;
	[tilespmem:$0xEE20] =	vst v63  }
0x69: {  	_ =	swait.ge [sflag:s29], $0x7D0  }
0x6a: {  	[sflag:s29] =	ssyncset.done $0x0  }
0x6b: {  	s7 =	sadd.s32 $0x2880, s4;
	s6 =	simm.s32 @!p0 $0x11;
	[sflag:s29] =	ssyncadd.s32 $0xFFFFF830  }
0x6c: {  	[spmem:s2] =	stream.indirect.scatter.add.f32 [tilespmem:s19], [sflag:$0xC], $0x10, s7, s16, $0xb8;
	[tilespmem:$0xEE20] =	vst v63  }
0x6d: {  	_ =	swait.ge @!p0 [sflag:s6], $0x7D0  }
0x6e: {  	[sflag:s6] =	ssyncset.done @!p0 $0x0  }
0x6f: {  	s8 =	sadd.s32 $0x300, s4;
	[sflag:s6] =	ssyncadd.s32 @!p0 $0xFFFFF830  }
0x70: {  	[tilespmem:s30], [sflag:$0x7] =	stream.indirect.gather [spmem:s3], $0x10, s8, s16, $0xb8;
	[tilespmem:$0xEE20] =	vst v63  }
0x71: {  	_ =	swait.ge [sflag:s31], $0x7D0  }
0x72: {  	[sflag:s31] =	ssyncset.done $0x0  }
0x73: {  	s11 =	sadd.s32 $0x2900, s4;
	s6 =	simm.s32 @!p0 $0x12;
	[sflag:s31] =	ssyncadd.s32 $0xFFFFF830  }
0x74: {  	[spmem:s2] =	stream.indirect.scatter.add.f32 [tilespmem:s21], [sflag:$0xD], $0x10, s11, s16, $0xb8;
	[tilespmem:$0xEE20] =	vst v63  }
0x75: {  	_ =	swait.ge @!p0 [sflag:s6], $0x7D0  }
0x76: {  	[sflag:s6] =	ssyncset.done @!p0 $0x0  }
0x77: {  	s13 =	sadd.s32 $0x380, s4;
	[sflag:s6] =	ssyncadd.s32 @!p0 $0xFFFFF830  }
0x78: {  	[tilespmem:s0], [sflag:$0x8] =	stream.indirect.gather [spmem:s3], $0x10, s13, s16, $0xb8;
	[tilespmem:$0xEE20] =	vst v63  }
0x79: {  	_ =	swait.ge [sflag:s1], $0x7D0  }
0x7a: {  	[sflag:s1] =	ssyncset.done $0x0  }
0x7b: {  	s14 =	sadd.s32 $0x2980, s4;
	s6 =	simm.s32 @!p0 $0x13;
	[sflag:s1] =	ssyncadd.s32 $0xFFFFF830  }
0x7c: {  	[spmem:s2] =	stream.indirect.scatter.add.f32 [tilespmem:s23], [sflag:$0xE], $0x10, s14, s16, $0xb8;
	[tilespmem:$0xEE20] =	vst v63  }
0x7d: {  	_ =	swait.ge @!p0 [sflag:s6], $0x7D0  }
0x7e: {  	[sflag:s6] =	ssyncset.done @!p0 $0x0  }
0x7f: {  	s7 =	sadd.s32 $0x400, s4;
	[sflag:s6] =	ssyncadd.s32 @!p0 $0xFFFFF830  }
0x80: {  	[tilespmem:s12], [sflag:$0x9] =	stream.indirect.gather [spmem:s3], $0x10, s7, s16, $0xb8;
	[tilespmem:$0xEE20] =	vst v63  }
0x81: {  	_ =	swait.ge [sflag:s18], $0x7D0  }
0x82: {  	[sflag:s18] =	ssyncset.done $0x0  }
0x83: {  	s8 =	sadd.s32 $0x2A00, s4;
	s6 =	simm.s32 @!p0 $0x14;
	[sflag:s18] =	ssyncadd.s32 $0xFFFFF830  }
0x84: {  	[spmem:s2] =	stream.indirect.scatter.add.f32 [tilespmem:s25], [sflag:$0xF], $0x10, s8, s16, $0xb8;
	[tilespmem:$0xEE20] =	vst v63  }
0x85: {  	_ =	swait.ge @!p0 [sflag:s6], $0x7D0  }
0x86: {  	[sflag:s6] =	ssyncset.done @!p0 $0x0  }
0x87: {  	s11 =	sadd.s32 $0x480, s4;
	[sflag:s6] =	ssyncadd.s32 @!p0 $0xFFFFF830  }
0x88: {  	[tilespmem:s20], [sflag:$0xA] =	stream.indirect.gather [spmem:s3], $0x10, s11, s16, $0xb8;
	[tilespmem:$0xEE20] =	vst v63  }
0x89: {  	_ =	swait.ge [sflag:s22], $0x7D0  }
0x8a: {  	p0 =	seq.s32 s15, $0x8C00;
	[sflag:s22] =	ssyncset.done $0x0  }
0x8b: {  	s13 =	sadd.s32 $0x2A80, s4;
	s6 =	simm.s32 @p0 $0x7;
	[sflag:s22] =	ssyncadd.s32 $0xFFFFF830  }
0x8c: {  	[spmem:s2] =	stream.indirect.scatter.add.f32 [tilespmem:s28], [sflag:$0x10], $0x10, s13, s16, $0xb8;
	[tilespmem:$0xEE20] =	vst v63  }
0x8d: {  	_ =	swait.ge @p0 [sflag:s6], $0x7D0  }
0x8e: {  	[sflag:s6] =	ssyncset.done @p0 $0x0  }
0x8f: {  	[sflag:s6] =	ssyncadd.s32 @p0 $0xFFFFF830;
	s6 =	sshra.s32 @p0 s15, $0x2  }
0x90: {  	s8 =	simm.s32 @p0 $0x7D;
	s14 =	simm.s32 @p0 $0x7EE0;
	s7 =	sadd.s32 @p0 $0x2B00, s6  }
0x91: {  	[spmem:s2] =	stream.indirect.scatter.add.f32 @p0 [tilespmem:s14], [sflag:$0x11], $0x10, s7, s8, $0xb8;
	[tilespmem:$0xEE20] =	vst v63  }
0x92: {  	s7 =	simm.s32 @!p0 $0xB  }
0x93: {  	_ =	swait.ge @!p0 [sflag:s7], $0x7D0  }
0x94: {  	[sflag:s7] =	ssyncset.done @!p0 $0x0  }
0x95: {  	[sflag:s7] =	ssyncadd.s32 @!p0 $0xFFFFF830;
	s7 =	sshra.s32 @!p0 s15, $0x2  }
0x96: {  	s11 =	simm.s32 @!p0 $0x5000;
	s13 =	simm.s32 @!p0 $0x7D;
	s14 =	sadd.s32 @!p0 $0x500, s7  }
0x97: {  	[tilespmem:s11], [sflag:$0x1] =	stream.indirect.gather @!p0 [spmem:s3], $0x10, s14, s13, $0xb8;
	[tilespmem:$0xEE20] =	vst v63  }
0x98: {  	s11 =	simm.s32 @!p0 $0x7  }
0x99: {  	_ =	swait.ge @!p0 [sflag:s11], $0x7D0  }
0x9a: {  	[sflag:s11] =	ssyncset.done @!p0 $0x0  }
0x9b: {  	s14 =	simm.s32 @!p0 $0x7EE0;
	[sflag:s11] =	ssyncadd.s32 @!p0 $0xFFFFF830;
	s11 =	sadd.s32 @!p0 $0x2B00, s7  }
0x9c: {  	[spmem:s2] =	stream.indirect.scatter.add.f32 @!p0 [tilespmem:s14], [sflag:$0x11], $0x10, s11, s13, $0xb8;
	[tilespmem:$0xEE20] =	vst v63  }
0x9d: {  	s11 =	simm.s32 @!p0 $0xC  }
0x9e: {  	_ =	swait.ge @!p0 [sflag:s11], $0x7D0  }
0x9f: {  	[sflag:s11] =	ssyncset.done @!p0 $0x0  }
0xa0: {  	s14 =	simm.s32 @!p0 $0x57D0;
	[sflag:s11] =	ssyncadd.s32 @!p0 $0xFFFFF830;
	s11 =	sadd.s32 @!p0 $0x580, s7  }
0xa1: {  	[tilespmem:s14], [sflag:$0x2] =	stream.indirect.gather @!p0 [spmem:s3], $0x10, s11, s13, $0xb8;
	[tilespmem:$0xEE20] =	vst v63  }
0xa2: {  	_ =	swait.ge [sflag:s24], $0x7D0  }
0xa3: {  	[sflag:s24] =	ssyncset.done $0x0  }
0xa4: {  	s14 =	sadd.s32 $0x2B80, s4;
	s11 =	simm.s32 @p0 $0x9;
	[sflag:s24] =	ssyncadd.s32 $0xFFFFF830  }
0xa5: {  	[spmem:s2] =	stream.indirect.scatter.add.f32 [tilespmem:s0], [sflag:$0x12], $0x10, s14, s16, $0xb8;
	[tilespmem:$0xEE20] =	vst v63  }
0xa6: {  	_ =	swait.ge @p0 [sflag:s11], $0x7D0  }
0xa7: {  	[sflag:s11] =	ssyncset.done @p0 $0x0  }
0xa8: {  	s6 =	sadd.s32 @p0 $0x2C00, s6;
	[sflag:s11] =	ssyncadd.s32 @p0 $0xFFFFF830;
	s11 =	simm.s32 @p0 $0x8E80  }
0xa9: {  	[spmem:s2] =	stream.indirect.scatter.add.f32 @p0 [tilespmem:s11], [sflag:$0x13], $0x10, s6, s8, $0xb8;
	[tilespmem:$0xEE20] =	vst v63  }
0xaa: {  	s6 =	simm.s32 @!p0 $0xD  }
0xab: {  	_ =	swait.ge @!p0 [sflag:s6], $0x7D0  }
0xac: {  	[sflag:s6] =	ssyncset.done @!p0 $0x0  }
0xad: {  	s8 =	simm.s32 @!p0 $0x5FA0;
	[sflag:s6] =	ssyncadd.s32 @!p0 $0xFFFFF830;
	s6 =	sadd.s32 @!p0 $0x600, s7  }
0xae: {  	[tilespmem:s8], [sflag:$0x3] =	stream.indirect.gather @!p0 [spmem:s3], $0x10, s6, s13, $0xb8;
	[tilespmem:$0xEE20] =	vst v63  }
0xaf: {  	s6 =	simm.s32 @!p0 $0x9  }
0xb0: {  	_ =	swait.ge @!p0 [sflag:s6], $0x7D0  }
0xb1: {  	[sflag:s6] =	ssyncset.done @!p0 $0x0  }
0xb2: {  	s8 =	simm.s32 @!p0 $0x8E80;
	[sflag:s6] =	ssyncadd.s32 @!p0 $0xFFFFF830;
	s6 =	sadd.s32 @!p0 $0x2C00, s7  }
0xb3: {  	[spmem:s2] =	stream.indirect.scatter.add.f32 @!p0 [tilespmem:s8], [sflag:$0x13], $0x10, s6, s13, $0xb8;
	[tilespmem:$0xEE20] =	vst v63  }
0xb4: {  	s6 =	simm.s32 @!p0 $0xE  }
0xb5: {  	_ =	swait.ge @!p0 [sflag:s6], $0x7D0  }
0xb6: {  	[sflag:s6] =	ssyncset.done @!p0 $0x0  }
0xb7: {  	[sflag:s6] =	ssyncadd.s32 @!p0 $0xFFFFF830;
	s6 =	sadd.s32 @!p0 $0x680, s7;
	s7 =	simm.s32 @!p0 $0x6770  }
0xb8: {  	[tilespmem:s7], [sflag:$0x4] =	stream.indirect.gather @!p0 [spmem:s3], $0x10, s6, s13, $0xb8;
	[tilespmem:$0xEE20] =	vst v63  }
.Ltmp2:
0xb9: {  	_ = 	snop;
	(pc) =	sbr.rel @p0 .LBB2_4-.Ltmp2, $4  }
0xba: {  	_ =	swait.ge [sflag:s5], $0x7D0  }
0xbb: {  	[sflag:s5] =	ssyncset.done $0x0  }
0xbc: {  	s14 =	sadd.s32 $0x2C80, s4;
	[sflag:s5] =	ssyncadd.s32 $0xFFFFF830  }
0xbd: {  	[spmem:s2] =	stream.indirect.scatter.add.f32 [tilespmem:s20], [sflag:$0x14], $0x10, s14, s16, $0xb8;
	[tilespmem:$0xEE20] =	vst v63  }
.Ltmp3:
0xbe: {  	(pc) =	sbr.rel .LBB2_2-.Ltmp3, $4  }
0xbf: {  	_ =	swait.ge [sflag:s10], $0x7D0  }
0xc0: {  	[sflag:s10] =	ssyncset.done $0x0  }
0xc1: {  	s4 =	sadd.s32 $0x700, s4;
	s15 =	sadd.s32 $0x1400, s15;
	[sflag:s10] =	ssyncadd.s32 $0xFFFFF830  }
0xc2: {  	[tilespmem:s25], [sflag:$0x5] =	stream.indirect.gather [spmem:s3], $0x10, s4, s16, $0xb8;
	[tilespmem:$0xEE20] =	vst v63  }
.LBB2_5:
0xc3: {  	_ =	sfence.sel $0x180000  }
0xc4: {  	[bflag:$0x0] =	sbarrier.arrive $0xFFFF  }
0xc5: {  	_ =	strace $0x9000004A  }
0xc6: {  	s0 =	stileid.u32;
	[bflag:$0x2] =	sbarrier.arrive $0xFFFF  }
0xc7: {  	p0 =	sne.s32 s0, $0x0;
	s0 =	rddreg [dreg:$0x3]  }
0xc8: {  	s0 =	sadd.s32 @!p0 $0x100000, s0  }
0xc9: {  	[sflag:s0] =	ssyncadd.tile.s32 @!p0 $0x1;
	_ =	shalt  }
.Lfunc_end2:
_tile_overlayer_lowered:
.L_overlay_start_2:
0xca: {  	(tag) =	ssettag $0x2  }
0xcb: {  	s0 =	rddreg [dreg:$0x0];
	s2 =	stileid.u32  }
0xcc: {  	s1 =	rddreg [dreg:$0x1];
	p0 =	sne.s32 s2, $0x0  }
0xcd: {  	s3 =	rddreg [dreg:$0x2];
	[bflag:$0x3] =	sbarrier.arrive $0xFFFF;
	s2 =	simm.s32 @!p0 $0x1C15  }
0xce: {  	[timem:s3], [sflag:s2] =	dma.local @!p0 [hbm:s0], s1  }
0xcf: {  	s0 =	simm.s32 @!p0 $0x15  }
0xd0: {  	_ =	swait.ge @!p0 [sflag:s0], s1  }
0xd1: {  	s1 =	ssub.s32 @!p0 $0x0, s1;
	[sflag:s0] =	ssyncset.done @!p0 $0x0  }
0xd2: {  	[sflag:s0] =	ssyncadd.s32 @!p0 s1  }
0xd3: {  	[bflag:$0x3] =	sbarrier.arrive $0xFFFF  }
0xd4: {  	_ =	shalt  }

// kernel: kernel.15.cloned.1.call-start
scs
__scs_entry_jumppad:
0x0: {  	(pc) =	sbr.rel $0x88, $3  }
0x1: {  	(tag) =	ssettag $0x0;
	lr =	simm.s32 $0x1  }
0x2: {  	[smem:$0x3F9B] =	sst lr;
	_ =	strace $0xD0000000  }
0x3: {  	_ = 	snop  }
0x4: {  	_ = 	snop  }
0x5: {  	_ = 	snop  }
0x6: {  	_ = 	snop  }
0x7: {  	_ = 	snop  }
__scs_overlays_trampoline_lowered:
0x8: {  	[smem:$0x3FAA] =	sst s0  }
0x9: {  	[smem:$0x3FAB] =	sst s1  }
0xa: {  	[smem:$0x3FAC] =	sst s2  }
0xb: {  	[smem:$0x3FAD] =	sst s3  }
0xc: {  	[smem:$0x3FAE] =	sst s4  }
0xd: {  	[smem:$0x3FAF] =	sst s5  }
0xe: {  	[smem:$0x3FB0] =	sst s6  }
0xf: {  	[smem:$0x3FB1] =	sst s7  }
0x10: {  	[smem:$0x3FB2] =	sst s8  }
0x11: {  	[smem:$0x3FB3] =	sst s9;
	s0 =	simm.s32 @!p0 $0x0  }
0x12: {  	s1 =	sld [smem:$0x3F99];
	s0 =	simm.s32 @p0 $0x1  }
0x13: {  	[smem:$0x3FB4] =	sst s0;
	s0 =	simm.s32 @!p1 $0x0  }
0x14: {  	s2 =	sld [smem:$0x3F98];
	s0 =	simm.s32 @p1 $0x1  }
0x15: {  	[smem:$0x3FB5] =	sst s0;
	s0 =	simm.s32 @!p2 $0x0  }
0x16: {  	s3 =	sld [smem:$0x3FDB];
	s0 =	simm.s32 @p2 $0x1  }
0x17: {  	s4 =	simm.s32 $0x1BF5;
	[smem:$0x3FB7] =	sst s0  }
0x18: {  	s0 =	sld [smem:$0x3F9A];
	_ =	swait.ge [sflag:s4], $0x0  }
0x19: {  	s7 =	sld [smem:$0x3F9B]  }
0x1a: {  	s8 =	sadd.s32 $0xFFFFE003, lr  }
0x1b: {  	s9 =	sadd.s32 $0xFFFFFEF7, lr;
	s5 =	simm.s32 $0xFFFFFFFF;
	p2 =	slt.u32 s8, $0xFFFFF086  }
0x1c: {  	p1 =	slt.u32 s9, $0xF7A;
	s5 =	simm.s32 @!p2 $0x0  }
0x1d: {  	s5 =	simm.s32 @p1 $0x1;
	p0 =	seq.s32 s7, s2  }
0x1e: {  	s7 =	smul.u32 @!p0 $0xF7A, s2;
	p2 =	seq.s32 @!p0 s5, $0x0  }
0x1f: {  	s9 =	smul.u32 $0xF7A, s1;
	s8 =	simm.s32 @!p0 $0x1BF5;
	p2 =	por !p2, p0  }
0x20: {  	[sflag:s8] =	ssyncset.s32 @!p0 $0xFFFFF086;
	s6 =	sadd.s32 @!p0 s3, s7;
	s7 =	simm.s32 @!p0 $0x108  }
0x21: {  	s3 =	sadd.s32 s3, s9;
	s6 =	sadd.s32 @!p0 $0x88, s6;
	s7 =	simm.s32 @p2 $0x1082  }
0x22: {  	[simem:s7], [sflag:s8] =	dma.local @!p0 [hbm:s6], $0xF7A  }
0x23: {  	s9 =	sor.u32 $0xD0000000, s2;
	s6 =	simm.s32 $0x108;
	_ =	swait.ge @!p0 [sflag:s8], $0x0  }
0x24: {  	s3 =	sadd.s32 $0x88, s3;
	s6 =	simm.s32 @!p1 $0x1082;
	[sflag:s4] =	ssyncset.s32 $0xFFFFF086  }
0x25: {  	[simem:s6], [sflag:s4] =	dma.local [hbm:s3], $0xF7A  }
0x26: {  	[smem:$0x3F9B] =	sst s1;
	(tag) =	ssettag s2;
	_ =	strace s9  }
0x27: {  	s1 =	sld [smem:$0x3FAB]  }
0x28: {  	s2 =	sld [smem:$0x3FAC]  }
0x29: {  	s4 =	sld [smem:$0x3FAE]  }
0x2a: {  	p0 =	seq.s32 s5, $0x0;
	s5 =	sld [smem:$0x3FAF]  }
0x2b: {  	s6 =	sld [smem:$0x3FB0]  }
0x2c: {  	s7 =	sld [smem:$0x3FB1]  }
0x2d: {  	s3 =	simm.s32 $0x108;
	s8 =	sld [smem:$0x3FB2]  }
0x2e: {  	s3 =	simm.s32 @!p0 $0x1082;
	s9 =	sld [smem:$0x3FB3]  }
0x2f: {  	lr =	sadd.s32 s0, s3;
	s0 =	sld [smem:$0x3FAA]  }
0x30: {  	s3 =	sld [smem:$0x3FAD]  }
0x31: {  	[smem:$0x3FB6] =	sst s10  }
0x32: {  	s10 =	sld [smem:$0x3FB4];
	_ =	sdelay $0x3  }
0x33: {  	p0 =	seq.s32 s10, $0x1;
	s10 =	sld [smem:$0x3FB6];
	_ =	sdelay $0x3  }
0x34: {  	[smem:$0x3FB6] =	sst s10  }
0x35: {  	s10 =	sld [smem:$0x3FB5];
	_ =	sdelay $0x3  }
0x36: {  	p1 =	seq.s32 s10, $0x1;
	s10 =	sld [smem:$0x3FB6];
	_ =	sdelay $0x3  }
0x37: {  	[smem:$0x3FB6] =	sst s10  }
0x38: {  	s10 =	sld [smem:$0x3FB7]  }
0x39: {  	_ = 	snop;
	(pc) =	sbr.ind lr, $3  }
0x3a: {  	_ = 	snop  }
0x3b: {  	_ = 	snop  }
0x3c: {  	p2 =	seq.s32 s10, $0x1;
	s10 =	sld [smem:$0x3FB6]  }
0x3d: {  	_ =	shalt  }
0x3e: {  	_ =	shalt  }
0x3f: {  	_ =	shalt  }
0x40: {  	_ =	shalt  }
0x41: {  	_ =	shalt  }
0x42: {  	_ =	shalt  }
0x43: {  	_ =	shalt  }
0x44: {  	_ =	shalt  }
0x45: {  	_ =	shalt  }
0x46: {  	_ =	shalt  }
0x47: {  	_ =	shalt  }
0x48: {  	_ =	shalt  }
0x49: {  	_ =	shalt  }
0x4a: {  	_ =	shalt  }
0x4b: {  	_ =	shalt  }
0x4c: {  	_ =	shalt  }
0x4d: {  	_ =	shalt  }
0x4e: {  	_ =	shalt  }
0x4f: {  	_ =	shalt  }
0x50: {  	_ =	shalt  }
0x51: {  	_ =	shalt  }
0x52: {  	_ =	shalt  }
0x53: {  	_ =	shalt  }
0x54: {  	_ =	shalt  }
0x55: {  	_ =	shalt  }
0x56: {  	_ =	shalt  }
0x57: {  	_ =	shalt  }
0x58: {  	_ =	shalt  }
0x59: {  	_ =	shalt  }
0x5a: {  	_ =	shalt  }
0x5b: {  	_ =	shalt  }
0x5c: {  	_ =	shalt  }
0x5d: {  	_ =	shalt  }
0x5e: {  	_ =	shalt  }
0x5f: {  	_ =	shalt  }
0x60: {  	_ =	shalt  }
0x61: {  	_ =	shalt  }
0x62: {  	_ =	shalt  }
0x63: {  	_ =	shalt  }
0x64: {  	_ =	shalt  }
0x65: {  	_ =	shalt  }
0x66: {  	_ =	shalt  }
0x67: {  	_ =	shalt  }
0x68: {  	_ =	shalt  }
0x69: {  	_ =	shalt  }
0x6a: {  	_ =	shalt  }
0x6b: {  	_ =	shalt  }
0x6c: {  	_ =	shalt  }
0x6d: {  	_ =	shalt  }
0x6e: {  	_ =	shalt  }
0x6f: {  	_ =	shalt  }
0x70: {  	_ =	shalt  }
0x71: {  	_ =	shalt  }
0x72: {  	_ =	shalt  }
0x73: {  	_ =	shalt  }
0x74: {  	_ =	shalt  }
0x75: {  	_ =	shalt  }
0x76: {  	_ =	shalt  }
0x77: {  	_ =	shalt  }
0x78: {  	_ =	shalt  }
0x79: {  	_ =	shalt  }
0x7a: {  	_ =	shalt  }
0x7b: {  	_ =	shalt  }
0x7c: {  	_ =	shalt  }
0x7d: {  	_ =	shalt  }
0x7e: {  	_ =	shalt  }
0x7f: {  	_ =	shalt  }
0x80: {  	_ =	shalt  }
0x81: {  	_ =	shalt  }
0x82: {  	_ =	shalt  }
0x83: {  	_ =	shalt  }
0x84: {  	_ =	shalt  }
0x85: {  	_ =	shalt  }
0x86: {  	_ =	shalt  }
0x87: {  	_ =	shalt  }
.Lfunc_end0:
.L_simem_size_0:
called_computation.2_lowered:
.L_overlay_start_0:
0x88: {  	s2 =	sld [smem:$0x3FD9]  }
0x89: {  	s3 =	sld [smem:$0x3FFE];
	_ =	sdelay $0x1  }
0x8a: {  	s1 =	srdreg.scid  }
0x8b: {  	s0 =	sand.u32 $0x1, s1  }
0x8c: {  	s16 =	sshll.u32 s0, $0xA;
	s2 =	sadd.s32 s3, s2  }
0x8d: {  	s2 =	sadd.s32 s2, s16  }
0x8e: {  	[smem:$0x3FC2] =	sst s2  }
0x8f: {  	_ = 	snop  }
0x90: {  	(tm) =	ssettm $0x1  }
0x91: {  	s17 =	sld [smem:$0x3FFB];
	_ =	sdelay $0x3  }
0x92: {  	_ =	strace s17  }
0x93: {  	s2 =	sld [smem:$0x3FFC];
	_ =	sdelay $0x3  }
0x94: {  	_ =	strace s2  }
0x95: {  	s2 =	sld [smem:$0x3FFD];
	_ =	sdelay $0x3  }
0x96: {  	_ =	strace s2  }
0x97: {  	_ =	strace $0x8FFFFFFF  }
0x98: {  	s18 =	sld [smem:$0x3FDB];
	_ =	sdelay $0x1  }
0x99: {  	s19 =	simm.s32 $_scs_section_size  }
0x9a: {  	s4 =	simm.s32 $_size__tile_overlayer_lowered;
	s5 =	simm.s32 $_tile_overlayer_lowered  }
0x9b: {  	s22 =	simm.s32 $0x1BFF;
	s21 =	sshll.u32 s5, $0x1;
	s2 =	sadd.s32 s19, s18  }
0x9c: {  	s6 =	simm.s32 $0x0;
	s20 =	sshll.u32 s4, $0x1;
	s4 =	sadd.s32 s21, s2  }
0x9d: {  	[timem:s6], [sflag:s22] =	dma.local [hbm:s4], s20  }
0x9e: {  	_ =	swait.ge [sflag:s22], s20  }
0x9f: {  	s3 =	ssub.s32 $0x0, s20;
	[sflag:s22] =	ssyncset.done $0x0  }
0xa0: {  	[sflag:s22] =	ssyncadd.s32 s3;
	_ =	sdelay $0x1  }
0xa1: {  	s23 =	simm.s32 $0x1B8B  }
0xa2: {  	_ =	swait.ge [sflag:s23], $0x1  }
0xa3: {  	[sflag:s23] =	ssyncset.done $0x0  }
0xa4: {  	s25 =	simm.s32 $0x1B8E;
	s24 =	sld [smem:$0x3FFE];
	[sflag:s23] =	ssyncadd.s32 $0xFFFFFFFF  }
0xa5: {  	s26 =	simm.s32 $execute0_lowered;
	[smem:$0x3FD2] =	sst s25  }
0xa6: {  	s4 =	sshll.u32 s26, $0x1;
	_ =	strace $0x8000004C;
	[dreg:$0x1] =	wrdreg $0xFFFFFFFF  }
0xa7: {  	s28 =	simm.s32 $_size_execute0_lowered;
	s2 =	sadd.s32 s2, s4;
	[dreg:$0x0] =	wrdreg $0x0  }
0xa8: {  	s4 =	sshll.u32 s28, $0x1;
	[dreg:$0x2] =	wrdreg s2  }
0xa9: {  	[dreg:$0x3] =	wrdreg s4  }
0xaa: {  	[dreg:$0x4] =	wrdreg $0xC0  }
0xab: {  	_ =	task [dreg:s6], $0x5FFFF  }
0xac: {  	[dreg:$0x1] =	wrdreg $0xFFFFFFFF  }
0xad: {  	[dreg:$0x0] =	wrdreg $0x60  }
0xae: {  	[dreg:$0x2] =	wrdreg s24  }
0xaf: {  	[dreg:$0x3] =	wrdreg $0x9E200  }
0xb0: {  	[dreg:$0x4] =	wrdreg $0xC6200  }
0xb1: {  	[dreg:$0x5] =	wrdreg $0x9  }
0xb2: {  	_ =	task.clear_ibuf [dreg:s6], $0x6FFFF;
	_ =	strace $0x9000004C  }
0xb3: {  	s29 =	simm.s32 $0x9;
	_ =	strace $0x8000004E  }
0xb4: {  	_ =	swait.ge [sflag:s29], $0x1  }
0xb5: {  	[sflag:s29] =	ssyncadd.s32 $0xFFFFFFFF  }
0xb6: {  	_ =	strace $0x9000004E  }
0xb7: {  	_ =	sfence  }
0xb8: {  	s30 =	sld [smem:$0x0];
	_ =	sdelay $0x2  }
0xb9: {  	s31 =	sshll.u32 s1, $0xD;
	s1 =	sshrl.u32 s1, $0x2  }
0xba: {  	s3 =	sand.u32 $0x4000, s31;
	s1 =	sadd.s32 s1, s30  }
0xbb: {  	s0 =	sor.u32 s3, s0;
	s1 =	sshll.u32 s1, $0x11  }
0xbc: {  	s0 =	sor.u32 s1, s0  }
0xbd: {  	s0 =	sadd.s32 $0x8F2B, s0  }
0xbe: {  	[sflag:s0] =	ssyncadd.remote.s32 $0x1  }
0xbf: {  	_ =	sfence.sel $0xFFFF  }
0xc0: {  	[dreg:$0x0] =	wrdreg $0xFFFFFFFF;
	(pc) =	sbr.abs _section_cstart, $3  }
0xc1: {  	[dreg:$0x1] =	wrdreg $0xFFFFFFFF  }
0xc2: {  	_ =	task.clear_ibuf [dreg:s6], $0x2FFFF;
	_ =	strace $0x9FFFFFFF  }
0xc3: {  	(tm) =	ssettm $0x7FFFFFFF  }
tec
execute0_lowered:
.L_overlay_start_1:
0x0: {  	(tag) =	ssettag $0x1  }
0x1: {  	s0 =	rddreg [dreg:$0x0]  }
0x2: {  	s2 =	rddreg [dreg:$0x1]  }
0x3: {  	s3 =	rddreg [dreg:$0x2];
	s6 =	simm.s32 $0x0;
	s9 =	stileid.u32  }
0x4: {  	s1 =	srdreg.scid;
	s16 =	simm.s32 $0x7D;
	s17 =	simm.s32 $0x5000  }
0x5: {  	s28 =	simm.s32 $0x7710;
	s29 =	simm.s32 $0x2;
	s30 =	simm.s32 $0x7EE0  }
0x6: {  	s31 =	simm.s32 $0x3;
	s12 =	simm.s32 $0x8E80;
	s18 =	simm.s32 $0x5  }
0x7: {  	s10 =	simm.s32 $0xF;
	s4 =	smul.u32 $0x2800, s9;
	s1 =	sand.u32 $0x1, s1  }
0x8: {  	s5 =	sshll.u32 s9, $0x1;
	[smem:$0x7FF] =	sst s6;
	s25 =	sshll.u32 s9, $0x6  }
0x9: {  	s9 =	simm.s32 $0x0;
	s5 =	sor.u32 s1, s5;
	s19 =	smul.u32 $0x28000, s1  }
0xa: {  	_ =	strace $0x8000004D;
	s1 =	ssub.s32 $0x2, s1;
	s11 =	sor.u32 $0x1C15, s25  }
0xb: {  	s25 =	simm.s32 $0x6F40;
	s7 =	sshrl.u32 s4, $0x3;
	s5 =	smul.u32 $0x2800, s5  }
0xc: {  	s8 =	sshrl.u32 s1, $0x1;
	s21 =	sadd.s32 s4, s2;
	[dreg:$0xa] =	wrdreg s11  }
0xd: {  	s7 =	sadd.s32 s7, s0;
	s6 =	sadd.s32 s4, s19;
	s1 =	ssub.s32 s1, s8  }
0xe: {  	s4 =	sadd.s32 s4, s3;
	s13 =	sshrl.u32 s21, $0x3;
	s19 =	simm.s32 $0x57D0  }
0xf: {  	s21 =	simm.s32 $0x5FA0;
	s5 =	sshrl.u32 s5, $0x3;
	s6 =	sshrl.u32 s6, $0x3  }
0x10: {  	s22 =	sadd.s32 $0x1BA00, s7;
	s23 =	sadd.s32 $0x16A00, s7;
	[dreg:$0xb] =	wrdreg s13  }
0x11: {  	s24 =	smax.u32 s1, $0x1;
	s7 =	simm.s32 $0x15;
	[dreg:$0x6] =	wrdreg s22  }
0x12: {  	s26 =	sshrl.u32 s4, $0x3;
	s1 =	simm.s32 $0x4;
	[dreg:$0x7] =	wrdreg s23  }
0x13: {  	s5 =	sadd.s32 s5, s0;
	s0 =	sadd.s32 s6, s0;
	[dreg:$0x9] =	wrdreg s24  }
.Ltmp0:
0x14: {  	[dreg:$0xc] =	wrdreg s26;
	s20 =	sadd.s32 $0x2A00, s5;
	(pc) =	sbr.rel .LBB2_1-.Ltmp0, $4  }
0x15: {  	s23 =	simm.s32 $0x6770;
	s5 =	sadd.s32 $0xCA00, s5;
	[dreg:$0x4] =	wrdreg s20  }
0x16: {  	s26 =	simm.s32 $0x1;
	s0 =	sadd.s32 $0x20A00, s0;
	[dreg:$0x5] =	wrdreg s5  }
0x17: {  	s22 =	simm.s32 $0x6;
	s24 =	simm.s32 $0x8;
	[dreg:$0x8] =	wrdreg s0  }
0x18: {  	s0 =	simm.s32 $0x86B0;
	s20 =	simm.s32 $0x9650;
	s5 =	simm.s32 $0xA  }
.LBB2_4:
0x19: {  	s4 =	simm.s32 $0xB  }
0x1a: {  	_ =	swait.ge [sflag:s4], $0x7D0  }
0x1b: {  	[sflag:s4] =	ssyncset.done $0x0  }
0x1c: {  	s13 =	simm.s32 $0xC;
	[sflag:s4] =	ssyncadd.s32 $0xFFFFF830  }
0x1d: {  	_ =	swait.ge [sflag:s13], $0x7D0  }
0x1e: {  	[sflag:s13] =	ssyncset.done $0x0  }
0x1f: {  	s14 =	simm.s32 $0xD;
	[sflag:s13] =	ssyncadd.s32 $0xFFFFF830  }
0x20: {  	_ =	swait.ge [sflag:s14], $0x7D0  }
0x21: {  	[sflag:s14] =	ssyncset.done $0x0  }
0x22: {  	s15 =	simm.s32 $0xE;
	[sflag:s14] =	ssyncadd.s32 $0xFFFFF830  }
0x23: {  	_ =	swait.ge [sflag:s15], $0x7D0  }
0x24: {  	[sflag:s15] =	ssyncset.done $0x0  }
0x25: {  	[sflag:s15] =	ssyncadd.s32 $0xFFFFF830  }
0x26: {  	_ =	swait.ge [sflag:s10], $0x7D0  }
0x27: {  	[sflag:s10] =	ssyncset.done $0x0  }
0x28: {  	s6 =	simm.s32 $0x10;
	[sflag:s10] =	ssyncadd.s32 $0xFFFFF830  }
0x29: {  	_ =	swait.ge [sflag:s6], $0x7D0  }
0x2a: {  	[sflag:s6] =	ssyncset.done $0x0  }
0x2b: {  	s7 =	simm.s32 $0x11;
	[sflag:s6] =	ssyncadd.s32 $0xFFFFF830  }
0x2c: {  	_ =	swait.ge [sflag:s7], $0x7D0  }
0x2d: {  	[sflag:s7] =	ssyncset.done $0x0  }
0x2e: {  	s8 =	simm.s32 $0x12;
	[sflag:s7] =	ssyncadd.s32 $0xFFFFF830  }
0x2f: {  	_ =	swait.ge [sflag:s8], $0x7D0  }
0x30: {  	[sflag:s8] =	ssyncset.done $0x0  }
0x31: {  	s11 =	simm.s32 $0x13;
	[sflag:s8] =	ssyncadd.s32 $0xFFFFF830  }
0x32: {  	_ =	swait.ge [sflag:s11], $0x7D0  }
0x33: {  	[sflag:s11] =	ssyncset.done $0x0  }
0x34: {  	s13 =	simm.s32 $0x14;
	[sflag:s11] =	ssyncadd.s32 $0xFFFFF830  }
0x35: {  	_ =	swait.ge [sflag:s13], $0x7D0  }
0x36: {  	[sflag:s13] =	ssyncset.done $0x0  }
0x37: {  	[sflag:s13] =	ssyncadd.s32 $0xFFFFF830  }
0x38: {  	[bflag:$0x0] =	sbarrier.arrive $0xFFFF  }
0x39: {  	s14 =	rddreg [dreg:$0x8]  }
0x3a: {  	s11 =	rddreg [dreg:$0xa]  }
0x3b: {  	s7 =	simm.s32 $0x15;
	s13 =	rddreg [dreg:$0xb]  }
0x3c: {  	[hbm:s14], [sflag:s11] =	dma.local [spmem:s13], $0x500  }
0x3d: {  	_ =	swait.ge [sflag:s7], $0x500  }
0x3e: {  	s9 =	sadd.s32 $0x1, s9;
	s15 =	rddreg [dreg:$0x9]  }
0x3f: {  	p0 =	sne.s32 s9, s15  }
.Ltmp1:
0x40: {  	_ = 	snop;
	(pc) =	sbr.rel @!p0 .LBB2_5-.Ltmp1, $3  }
0x41: {  	_ =	sdelay $0x1  }
0x42: {  	[sflag:s7] =	ssyncset.done $0x0  }
0x43: {  	[sflag:s7] =	ssyncadd.s32 $0xFFFFFB00  }
.LBB2_1:
0x44: {  	s4 =	simm.s32 $0x0;
	s6 =	rddreg [dreg:$0x4]  }
0x45: {  	[tilespmem:s4], [sflag:$0x15] =	stream.linear.gather [hbm4b:s6+s4], $0x2800, $0x38;
	[tilespmem:$0xEE20] =	vst v63  }
0x46: {  	_ =	swait.ge [sflag:s7], $0x2800  }
0x47: {  	[sflag:s7] =	ssyncset.done $0x0  }
0x48: {  	s8 =	simm.s32 $0x2800;
	s15 =	rddreg [dreg:$0x5];
	[sflag:s7] =	ssyncadd.s32 $0xFFFFD800  }
0x49: {  	[tilespmem:s8], [sflag:$0x15] =	stream.linear.gather [hbm4b:s15+s4], $0x2800, $0x38;
	[tilespmem:$0xEE20] =	vst v63  }
0x4a: {  	_ =	swait.ge [sflag:s7], $0x2800  }
0x4b: {  	[sflag:s7] =	ssyncset.done $0x0  }
0x4c: {  	s8 =	rddreg [dreg:$0x6];
	[sflag:s7] =	ssyncadd.s32 $0xFFFFD800  }
0x4d: {  	[spmem:s13], [sflag:s11] =	dma.local [hbm:s8], $0x500  }
0x4e: {  	_ =	swait.ge [sflag:s7], $0x500  }
0x4f: {  	[sflag:s7] =	ssyncset.done $0x0;
	s14 =	rddreg [dreg:$0x7]  }
0x50: {  	s15 =	rddreg [dreg:$0xc];
	[sflag:s7] =	ssyncadd.s32 $0xFFFFFB00  }
0x51: {  	[spmem:s15], [sflag:s11] =	dma.local [hbm:s14], $0x500  }
0x52: {  	_ =	swait.ge [sflag:s7], $0x500  }
0x53: {  	[sflag:s7] =	ssyncset.done $0x0  }
0x54: {  	[sflag:s7] =	ssyncadd.s32 $0xFFFFFB00  }
0x55: {  	[bflag:$0x0] =	sbarrier.arrive $0xFFFF  }
0x56: {  	[tilespmem:s17], [sflag:$0x1] =	stream.indirect.gather [spmem:s3], $0x10, s4, s16, $0xb8;
	[tilespmem:$0xEE20] =	vst v63  }
0x57: {  	s11 =	simm.s32 $0x80  }
0x58: {  	[tilespmem:s19], [sflag:$0x2] =	stream.indirect.gather [spmem:s3], $0x10, s11, s16, $0xb8;
	[tilespmem:$0xEE20] =	vst v63  }
0x59: {  	s13 =	simm.s32 $0x100  }
0x5a: {  	[tilespmem:s21], [sflag:$0x3] =	stream.indirect.gather [spmem:s3], $0x10, s13, s16, $0xb8;
	[tilespmem:$0xEE20] =	vst v63  }
0x5b: {  	s14 =	simm.s32 $0x180  }
0x5c: {  	[tilespmem:s23], [sflag:$0x4] =	stream.indirect.gather [spmem:s3], $0x10, s14, s16, $0xb8;
	[tilespmem:$0xEE20] =	vst v63  }
0x5d: {  	s15 =	simm.s32 $0x200  }
0x5e: {  	[tilespmem:s25], [sflag:$0x5] =	stream.indirect.gather [spmem:s3], $0x10, s15, s16, $0xb8;
	[tilespmem:$0xEE20] =	vst v63  }
0x5f: {  	s15 =	simm.s32 $0x0  }
.LBB2_2:
0x60: {  	_ =	swait.ge [sflag:s26], $0x7D0  }
0x61: {  	s4 =	sshra.s32 s15, $0x2;
	[sflag:s26] =	ssyncset.done $0x0  }
0x62: {  	p0 =	seq.s32 s15, $0x0;
	s6 =	sadd.s32 $0x2800, s4;
	[sflag:s26] =	ssyncadd.s32 $0xFFFFF830  }
0x63: {  	[spmem:s2] =	stream.indirect.scatter.add.f32 [tilespmem:s17], [sflag:$0xB], $0x10, s6, s16, $0xb8;
	[tilespmem:$0xEE20] =	vst v63  }
0x64: {  	s6 =	simm.s32 @!p0 $0x10  }
0x65: {  	_ =	swait.ge @!p0 [sflag:s6], $0x7D0  }
0x66: {  	[sflag:s6] =	ssyncset.done @!p0 $0x0  }
0x67: {  	s14 =	sadd.s32 $0x280, s4;
	[sflag:s6] =	ssyncadd.s32 @!p0 $0xFFFFF830  }
0x68: {  	[tilespmem:s28], [sflag:$0x6] =	stream.indirect.gather [spmem:s3], $0x10, s14, s16, $0xb8;
	[tilespmem:$0xEE20] =	vst v63  }
0x69: {  	_ =	swait.ge [sflag:s29], $0x7D0  }
0x6a: {  	[sflag:s29] =	ssyncset.done $0x0  }
0x6b: {  	s7 =	sadd.s32 $0x2880, s4;
	s6 =	simm.s32 @!p0 $0x11;
	[sflag:s29] =	ssyncadd.s32 $0xFFFFF830  }
0x6c: {  	[spmem:s2] =	stream.indirect.scatter.add.f32 [tilespmem:s19], [sflag:$0xC], $0x10, s7, s16, $0xb8;
	[tilespmem:$0xEE20] =	vst v63  }
0x6d: {  	_ =	swait.ge @!p0 [sflag:s6], $0x7D0  }
0x6e: {  	[sflag:s6] =	ssyncset.done @!p0 $0x0  }
0x6f: {  	s8 =	sadd.s32 $0x300, s4;
	[sflag:s6] =	ssyncadd.s32 @!p0 $0xFFFFF830  }
0x70: {  	[tilespmem:s30], [sflag:$0x7] =	stream.indirect.gather [spmem:s3], $0x10, s8, s16, $0xb8;
	[tilespmem:$0xEE20] =	vst v63  }
0x71: {  	_ =	swait.ge [sflag:s31], $0x7D0  }
0x72: {  	[sflag:s31] =	ssyncset.done $0x0  }
0x73: {  	s11 =	sadd.s32 $0x2900, s4;
	s6 =	simm.s32 @!p0 $0x12;
	[sflag:s31] =	ssyncadd.s32 $0xFFFFF830  }
0x74: {  	[spmem:s2] =	stream.indirect.scatter.add.f32 [tilespmem:s21], [sflag:$0xD], $0x10, s11, s16, $0xb8;
	[tilespmem:$0xEE20] =	vst v63  }
0x75: {  	_ =	swait.ge @!p0 [sflag:s6], $0x7D0  }
0x76: {  	[sflag:s6] =	ssyncset.done @!p0 $0x0  }
0x77: {  	s13 =	sadd.s32 $0x380, s4;
	[sflag:s6] =	ssyncadd.s32 @!p0 $0xFFFFF830  }
0x78: {  	[tilespmem:s0], [sflag:$0x8] =	stream.indirect.gather [spmem:s3], $0x10, s13, s16, $0xb8;
	[tilespmem:$0xEE20] =	vst v63  }
0x79: {  	_ =	swait.ge [sflag:s1], $0x7D0  }
0x7a: {  	[sflag:s1] =	ssyncset.done $0x0  }
0x7b: {  	s14 =	sadd.s32 $0x2980, s4;
	s6 =	simm.s32 @!p0 $0x13;
	[sflag:s1] =	ssyncadd.s32 $0xFFFFF830  }
0x7c: {  	[spmem:s2] =	stream.indirect.scatter.add.f32 [tilespmem:s23], [sflag:$0xE], $0x10, s14, s16, $0xb8;
	[tilespmem:$0xEE20] =	vst v63  }
0x7d: {  	_ =	swait.ge @!p0 [sflag:s6], $0x7D0  }
0x7e: {  	[sflag:s6] =	ssyncset.done @!p0 $0x0  }
0x7f: {  	s7 =	sadd.s32 $0x400, s4;
	[sflag:s6] =	ssyncadd.s32 @!p0 $0xFFFFF830  }
0x80: {  	[tilespmem:s12], [sflag:$0x9] =	stream.indirect.gather [spmem:s3], $0x10, s7, s16, $0xb8;
	[tilespmem:$0xEE20] =	vst v63  }
0x81: {  	_ =	swait.ge [sflag:s18], $0x7D0  }
0x82: {  	[sflag:s18] =	ssyncset.done $0x0  }
0x83: {  	s8 =	sadd.s32 $0x2A00, s4;
	s6 =	simm.s32 @!p0 $0x14;
	[sflag:s18] =	ssyncadd.s32 $0xFFFFF830  }
0x84: {  	[spmem:s2] =	stream.indirect.scatter.add.f32 [tilespmem:s25], [sflag:$0xF], $0x10, s8, s16, $0xb8;
	[tilespmem:$0xEE20] =	vst v63  }
0x85: {  	_ =	swait.ge @!p0 [sflag:s6], $0x7D0  }
0x86: {  	[sflag:s6] =	ssyncset.done @!p0 $0x0  }
0x87: {  	s11 =	sadd.s32 $0x480, s4;
	[sflag:s6] =	ssyncadd.s32 @!p0 $0xFFFFF830  }
0x88: {  	[tilespmem:s20], [sflag:$0xA] =	stream.indirect.gather [spmem:s3], $0x10, s11, s16, $0xb8;
	[tilespmem:$0xEE20] =	vst v63  }
0x89: {  	_ =	swait.ge [sflag:s22], $0x7D0  }
0x8a: {  	p0 =	seq.s32 s15, $0x8C00;
	[sflag:s22] =	ssyncset.done $0x0  }
0x8b: {  	s13 =	sadd.s32 $0x2A80, s4;
	s6 =	simm.s32 @p0 $0x7;
	[sflag:s22] =	ssyncadd.s32 $0xFFFFF830  }
0x8c: {  	[spmem:s2] =	stream.indirect.scatter.add.f32 [tilespmem:s28], [sflag:$0x10], $0x10, s13, s16, $0xb8;
	[tilespmem:$0xEE20] =	vst v63  }
0x8d: {  	_ =	swait.ge @p0 [sflag:s6], $0x7D0  }
0x8e: {  	[sflag:s6] =	ssyncset.done @p0 $0x0  }
0x8f: {  	[sflag:s6] =	ssyncadd.s32 @p0 $0xFFFFF830;
	s6 =	sshra.s32 @p0 s15, $0x2  }
0x90: {  	s8 =	simm.s32 @p0 $0x7D;
	s14 =	simm.s32 @p0 $0x7EE0;
	s7 =	sadd.s32 @p0 $0x2B00, s6  }
0x91: {  	[spmem:s2] =	stream.indirect.scatter.add.f32 @p0 [tilespmem:s14], [sflag:$0x11], $0x10, s7, s8, $0xb8;
	[tilespmem:$0xEE20] =	vst v63  }
0x92: {  	s7 =	simm.s32 @!p0 $0xB  }
0x93: {  	_ =	swait.ge @!p0 [sflag:s7], $0x7D0  }
0x94: {  	[sflag:s7] =	ssyncset.done @!p0 $0x0  }
0x95: {  	[sflag:s7] =	ssyncadd.s32 @!p0 $0xFFFFF830;
	s7 =	sshra.s32 @!p0 s15, $0x2  }
0x96: {  	s11 =	simm.s32 @!p0 $0x5000;
	s13 =	simm.s32 @!p0 $0x7D;
	s14 =	sadd.s32 @!p0 $0x500, s7  }
0x97: {  	[tilespmem:s11], [sflag:$0x1] =	stream.indirect.gather @!p0 [spmem:s3], $0x10, s14, s13, $0xb8;
	[tilespmem:$0xEE20] =	vst v63  }
0x98: {  	s11 =	simm.s32 @!p0 $0x7  }
0x99: {  	_ =	swait.ge @!p0 [sflag:s11], $0x7D0  }
0x9a: {  	[sflag:s11] =	ssyncset.done @!p0 $0x0  }
0x9b: {  	s14 =	simm.s32 @!p0 $0x7EE0;
	[sflag:s11] =	ssyncadd.s32 @!p0 $0xFFFFF830;
	s11 =	sadd.s32 @!p0 $0x2B00, s7  }
0x9c: {  	[spmem:s2] =	stream.indirect.scatter.add.f32 @!p0 [tilespmem:s14], [sflag:$0x11], $0x10, s11, s13, $0xb8;
	[tilespmem:$0xEE20] =	vst v63  }
0x9d: {  	s11 =	simm.s32 @!p0 $0xC  }
0x9e: {  	_ =	swait.ge @!p0 [sflag:s11], $0x7D0  }
0x9f: {  	[sflag:s11] =	ssyncset.done @!p0 $0x0  }
0xa0: {  	s14 =	simm.s32 @!p0 $0x57D0;
	[sflag:s11] =	ssyncadd.s32 @!p0 $0xFFFFF830;
	s11 =	sadd.s32 @!p0 $0x580, s7  }
0xa1: {  	[tilespmem:s14], [sflag:$0x2] =	stream.indirect.gather @!p0 [spmem:s3], $0x10, s11, s13, $0xb8;
	[tilespmem:$0xEE20] =	vst v63  }
0xa2: {  	_ =	swait.ge [sflag:s24], $0x7D0  }
0xa3: {  	[sflag:s24] =	ssyncset.done $0x0  }
0xa4: {  	s14 =	sadd.s32 $0x2B80, s4;
	s11 =	simm.s32 @p0 $0x9;
	[sflag:s24] =	ssyncadd.s32 $0xFFFFF830  }
0xa5: {  	[spmem:s2] =	stream.indirect.scatter.add.f32 [tilespmem:s0], [sflag:$0x12], $0x10, s14, s16, $0xb8;
	[tilespmem:$0xEE20] =	vst v63  }
0xa6: {  	_ =	swait.ge @p0 [sflag:s11], $0x7D0  }
0xa7: {  	[sflag:s11] =	ssyncset.done @p0 $0x0  }
0xa8: {  	s6 =	sadd.s32 @p0 $0x2C00, s6;
	[sflag:s11] =	ssyncadd.s32 @p0 $0xFFFFF830;
	s11 =	simm.s32 @p0 $0x8E80  }
0xa9: {  	[spmem:s2] =	stream.indirect.scatter.add.f32 @p0 [tilespmem:s11], [sflag:$0x13], $0x10, s6, s8, $0xb8;
	[tilespmem:$0xEE20] =	vst v63  }
0xaa: {  	s6 =	simm.s32 @!p0 $0xD  }
0xab: {  	_ =	swait.ge @!p0 [sflag:s6], $0x7D0  }
0xac: {  	[sflag:s6] =	ssyncset.done @!p0 $0x0  }
0xad: {  	s8 =	simm.s32 @!p0 $0x5FA0;
	[sflag:s6] =	ssyncadd.s32 @!p0 $0xFFFFF830;
	s6 =	sadd.s32 @!p0 $0x600, s7  }
0xae: {  	[tilespmem:s8], [sflag:$0x3] =	stream.indirect.gather @!p0 [spmem:s3], $0x10, s6, s13, $0xb8;
	[tilespmem:$0xEE20] =	vst v63  }
0xaf: {  	s6 =	simm.s32 @!p0 $0x9  }
0xb0: {  	_ =	swait.ge @!p0 [sflag:s6], $0x7D0  }
0xb1: {  	[sflag:s6] =	ssyncset.done @!p0 $0x0  }
0xb2: {  	s8 =	simm.s32 @!p0 $0x8E80;
	[sflag:s6] =	ssyncadd.s32 @!p0 $0xFFFFF830;
	s6 =	sadd.s32 @!p0 $0x2C00, s7  }
0xb3: {  	[spmem:s2] =	stream.indirect.scatter.add.f32 @!p0 [tilespmem:s8], [sflag:$0x13], $0x10, s6, s13, $0xb8;
	[tilespmem:$0xEE20] =	vst v63  }
0xb4: {  	s6 =	simm.s32 @!p0 $0xE  }
0xb5: {  	_ =	swait.ge @!p0 [sflag:s6], $0x7D0  }
0xb6: {  	[sflag:s6] =	ssyncset.done @!p0 $0x0  }
0xb7: {  	[sflag:s6] =	ssyncadd.s32 @!p0 $0xFFFFF830;
	s6 =	sadd.s32 @!p0 $0x680, s7;
	s7 =	simm.s32 @!p0 $0x6770  }
0xb8: {  	[tilespmem:s7], [sflag:$0x4] =	stream.indirect.gather @!p0 [spmem:s3], $0x10, s6, s13, $0xb8;
	[tilespmem:$0xEE20] =	vst v63  }
.Ltmp2:
0xb9: {  	_ = 	snop;
	(pc) =	sbr.rel @p0 .LBB2_4-.Ltmp2, $4  }
0xba: {  	_ =	swait.ge [sflag:s5], $0x7D0  }
0xbb: {  	[sflag:s5] =	ssyncset.done $0x0  }
0xbc: {  	s14 =	sadd.s32 $0x2C80, s4;
	[sflag:s5] =	ssyncadd.s32 $0xFFFFF830  }
0xbd: {  	[spmem:s2] =	stream.indirect.scatter.add.f32 [tilespmem:s20], [sflag:$0x14], $0x10, s14, s16, $0xb8;
	[tilespmem:$0xEE20] =	vst v63  }
.Ltmp3:
0xbe: {  	(pc) =	sbr.rel .LBB2_2-.Ltmp3, $4  }
0xbf: {  	_ =	swait.ge [sflag:s10], $0x7D0  }
0xc0: {  	[sflag:s10] =	ssyncset.done $0x0  }
0xc1: {  	s4 =	sadd.s32 $0x700, s4;
	s15 =	sadd.s32 $0x1400, s15;
	[sflag:s10] =	ssyncadd.s32 $0xFFFFF830  }
0xc2: {  	[tilespmem:s25], [sflag:$0x5] =	stream.indirect.gather [spmem:s3], $0x10, s4, s16, $0xb8;
	[tilespmem:$0xEE20] =	vst v63  }
.LBB2_5:
0xc3: {  	_ =	sfence.sel $0x180000  }
0xc4: {  	[bflag:$0x0] =	sbarrier.arrive $0xFFFF  }
0xc5: {  	_ =	strace $0x9000004D  }
0xc6: {  	s0 =	stileid.u32;
	[bflag:$0x2] =	sbarrier.arrive $0xFFFF  }
0xc7: {  	p0 =	sne.s32 s0, $0x0;
	s0 =	rddreg [dreg:$0x3]  }
0xc8: {  	s0 =	sadd.s32 @!p0 $0x100000, s0  }
0xc9: {  	[sflag:s0] =	ssyncadd.tile.s32 @!p0 $0x1;
	_ =	shalt  }
.Lfunc_end2:
_tile_overlayer_lowered:
.L_overlay_start_2:
0xca: {  	(tag) =	ssettag $0x2  }
0xcb: {  	s0 =	rddreg [dreg:$0x0];
	s2 =	stileid.u32  }
0xcc: {  	s1 =	rddreg [dreg:$0x1];
	p0 =	sne.s32 s2, $0x0  }
0xcd: {  	s3 =	rddreg [dreg:$0x2];
	[bflag:$0x3] =	sbarrier.arrive $0xFFFF;
	s2 =	simm.s32 @!p0 $0x1C15  }
0xce: {  	[timem:s3], [sflag:s2] =	dma.local @!p0 [hbm:s0], s1  }
0xcf: {  	s0 =	simm.s32 @!p0 $0x15  }
0xd0: {  	_ =	swait.ge @!p0 [sflag:s0], s1  }
0xd1: {  	s1 =	ssub.s32 @!p0 $0x0, s1;
	[sflag:s0] =	ssyncset.done @!p0 $0x0  }
0xd2: {  	[sflag:s0] =	ssyncadd.s32 @!p0 s1  }
0xd3: {  	[bflag:$0x3] =	sbarrier.arrive $0xFFFF  }
0xd4: {  	_ =	shalt  }

// kernel: kernel.9.cloned.1.call-start
scs
__scs_entry_jumppad:
0x0: {  	(pc) =	sbr.rel $0x88, $3  }
0x1: {  	(tag) =	ssettag $0x0;
	lr =	simm.s32 $0x1  }
0x2: {  	[smem:$0x3F9B] =	sst lr;
	_ =	strace $0xD0000000  }
0x3: {  	_ = 	snop  }
0x4: {  	_ = 	snop  }
0x5: {  	_ = 	snop  }
0x6: {  	_ = 	snop  }
0x7: {  	_ = 	snop  }
__scs_overlays_trampoline_lowered:
0x8: {  	[smem:$0x3FAA] =	sst s0  }
0x9: {  	[smem:$0x3FAB] =	sst s1  }
0xa: {  	[smem:$0x3FAC] =	sst s2  }
0xb: {  	[smem:$0x3FAD] =	sst s3  }
0xc: {  	[smem:$0x3FAE] =	sst s4  }
0xd: {  	[smem:$0x3FAF] =	sst s5  }
0xe: {  	[smem:$0x3FB0] =	sst s6  }
0xf: {  	[smem:$0x3FB1] =	sst s7  }
0x10: {  	[smem:$0x3FB2] =	sst s8  }
0x11: {  	[smem:$0x3FB3] =	sst s9;
	s0 =	simm.s32 @!p0 $0x0  }
0x12: {  	s1 =	sld [smem:$0x3F99];
	s0 =	simm.s32 @p0 $0x1  }
0x13: {  	[smem:$0x3FB4] =	sst s0;
	s0 =	simm.s32 @!p1 $0x0  }
0x14: {  	s2 =	sld [smem:$0x3F98];
	s0 =	simm.s32 @p1 $0x1  }
0x15: {  	[smem:$0x3FB5] =	sst s0;
	s0 =	simm.s32 @!p2 $0x0  }
0x16: {  	s3 =	sld [smem:$0x3FDB];
	s0 =	simm.s32 @p2 $0x1  }
0x17: {  	s4 =	simm.s32 $0x1BF5;
	[smem:$0x3FB7] =	sst s0  }
0x18: {  	s0 =	sld [smem:$0x3F9A];
	_ =	swait.ge [sflag:s4], $0x0  }
0x19: {  	s7 =	sld [smem:$0x3F9B]  }
0x1a: {  	s8 =	sadd.s32 $0xFFFFE003, lr  }
0x1b: {  	s9 =	sadd.s32 $0xFFFFFEF7, lr;
	s5 =	simm.s32 $0xFFFFFFFF;
	p2 =	slt.u32 s8, $0xFFFFF086  }
0x1c: {  	p1 =	slt.u32 s9, $0xF7A;
	s5 =	simm.s32 @!p2 $0x0  }
0x1d: {  	s5 =	simm.s32 @p1 $0x1;
	p0 =	seq.s32 s7, s2  }
0x1e: {  	s7 =	smul.u32 @!p0 $0xF7A, s2;
	p2 =	seq.s32 @!p0 s5, $0x0  }
0x1f: {  	s9 =	smul.u32 $0xF7A, s1;
	s8 =	simm.s32 @!p0 $0x1BF5;
	p2 =	por !p2, p0  }
0x20: {  	[sflag:s8] =	ssyncset.s32 @!p0 $0xFFFFF086;
	s6 =	sadd.s32 @!p0 s3, s7;
	s7 =	simm.s32 @!p0 $0x108  }
0x21: {  	s3 =	sadd.s32 s3, s9;
	s6 =	sadd.s32 @!p0 $0x88, s6;
	s7 =	simm.s32 @p2 $0x1082  }
0x22: {  	[simem:s7], [sflag:s8] =	dma.local @!p0 [hbm:s6], $0xF7A  }
0x23: {  	s9 =	sor.u32 $0xD0000000, s2;
	s6 =	simm.s32 $0x108;
	_ =	swait.ge @!p0 [sflag:s8], $0x0  }
0x24: {  	s3 =	sadd.s32 $0x88, s3;
	s6 =	simm.s32 @!p1 $0x1082;
	[sflag:s4] =	ssyncset.s32 $0xFFFFF086  }
0x25: {  	[simem:s6], [sflag:s4] =	dma.local [hbm:s3], $0xF7A  }
0x26: {  	[smem:$0x3F9B] =	sst s1;
	(tag) =	ssettag s2;
	_ =	strace s9  }
0x27: {  	s1 =	sld [smem:$0x3FAB]  }
0x28: {  	s2 =	sld [smem:$0x3FAC]  }
0x29: {  	s4 =	sld [smem:$0x3FAE]  }
0x2a: {  	p0 =	seq.s32 s5, $0x0;
	s5 =	sld [smem:$0x3FAF]  }
0x2b: {  	s6 =	sld [smem:$0x3FB0]  }
0x2c: {  	s7 =	sld [smem:$0x3FB1]  }
0x2d: {  	s3 =	simm.s32 $0x108;
	s8 =	sld [smem:$0x3FB2]  }
0x2e: {  	s3 =	simm.s32 @!p0 $0x1082;
	s9 =	sld [smem:$0x3FB3]  }
0x2f: {  	lr =	sadd.s32 s0, s3;
	s0 =	sld [smem:$0x3FAA]  }
0x30: {  	s3 =	sld [smem:$0x3FAD]  }
0x31: {  	[smem:$0x3FB6] =	sst s10  }
0x32: {  	s10 =	sld [smem:$0x3FB4];
	_ =	sdelay $0x3  }
0x33: {  	p0 =	seq.s32 s10, $0x1;
	s10 =	sld [smem:$0x3FB6];
	_ =	sdelay $0x3  }
0x34: {  	[smem:$0x3FB6] =	sst s10  }
0x35: {  	s10 =	sld [smem:$0x3FB5];
	_ =	sdelay $0x3  }
0x36: {  	p1 =	seq.s32 s10, $0x1;
	s10 =	sld [smem:$0x3FB6];
	_ =	sdelay $0x3  }
0x37: {  	[smem:$0x3FB6] =	sst s10  }
0x38: {  	s10 =	sld [smem:$0x3FB7]  }
0x39: {  	_ = 	snop;
	(pc) =	sbr.ind lr, $3  }
0x3a: {  	_ = 	snop  }
0x3b: {  	_ = 	snop  }
0x3c: {  	p2 =	seq.s32 s10, $0x1;
	s10 =	sld [smem:$0x3FB6]  }
0x3d: {  	_ =	shalt  }
0x3e: {  	_ =	shalt  }
0x3f: {  	_ =	shalt  }
0x40: {  	_ =	shalt  }
0x41: {  	_ =	shalt  }
0x42: {  	_ =	shalt  }
0x43: {  	_ =	shalt  }
0x44: {  	_ =	shalt  }
0x45: {  	_ =	shalt  }
0x46: {  	_ =	shalt  }
0x47: {  	_ =	shalt  }
0x48: {  	_ =	shalt  }
0x49: {  	_ =	shalt  }
0x4a: {  	_ =	shalt  }
0x4b: {  	_ =	shalt  }
0x4c: {  	_ =	shalt  }
0x4d: {  	_ =	shalt  }
0x4e: {  	_ =	shalt  }
0x4f: {  	_ =	shalt  }
0x50: {  	_ =	shalt  }
0x51: {  	_ =	shalt  }
0x52: {  	_ =	shalt  }
0x53: {  	_ =	shalt  }
0x54: {  	_ =	shalt  }
0x55: {  	_ =	shalt  }
0x56: {  	_ =	shalt  }
0x57: {  	_ =	shalt  }
0x58: {  	_ =	shalt  }
0x59: {  	_ =	shalt  }
0x5a: {  	_ =	shalt  }
0x5b: {  	_ =	shalt  }
0x5c: {  	_ =	shalt  }
0x5d: {  	_ =	shalt  }
0x5e: {  	_ =	shalt  }
0x5f: {  	_ =	shalt  }
0x60: {  	_ =	shalt  }
0x61: {  	_ =	shalt  }
0x62: {  	_ =	shalt  }
0x63: {  	_ =	shalt  }
0x64: {  	_ =	shalt  }
0x65: {  	_ =	shalt  }
0x66: {  	_ =	shalt  }
0x67: {  	_ =	shalt  }
0x68: {  	_ =	shalt  }
0x69: {  	_ =	shalt  }
0x6a: {  	_ =	shalt  }
0x6b: {  	_ =	shalt  }
0x6c: {  	_ =	shalt  }
0x6d: {  	_ =	shalt  }
0x6e: {  	_ =	shalt  }
0x6f: {  	_ =	shalt  }
0x70: {  	_ =	shalt  }
0x71: {  	_ =	shalt  }
0x72: {  	_ =	shalt  }
0x73: {  	_ =	shalt  }
0x74: {  	_ =	shalt  }
0x75: {  	_ =	shalt  }
0x76: {  	_ =	shalt  }
0x77: {  	_ =	shalt  }
0x78: {  	_ =	shalt  }
0x79: {  	_ =	shalt  }
0x7a: {  	_ =	shalt  }
0x7b: {  	_ =	shalt  }
0x7c: {  	_ =	shalt  }
0x7d: {  	_ =	shalt  }
0x7e: {  	_ =	shalt  }
0x7f: {  	_ =	shalt  }
0x80: {  	_ =	shalt  }
0x81: {  	_ =	shalt  }
0x82: {  	_ =	shalt  }
0x83: {  	_ =	shalt  }
0x84: {  	_ =	shalt  }
0x85: {  	_ =	shalt  }
0x86: {  	_ =	shalt  }
0x87: {  	_ =	shalt  }
.Lfunc_end0:
.L_simem_size_0:
called_computation_lowered:
.L_overlay_start_0:
0x88: {  	s2 =	sld [smem:$0x3FD9]  }
0x89: {  	s3 =	sld [smem:$0x3FFE];
	_ =	sdelay $0x1  }
0x8a: {  	s1 =	srdreg.scid  }
0x8b: {  	s0 =	sand.u32 $0x1, s1  }
0x8c: {  	s17 =	sshll.u32 s0, $0xA;
	s2 =	sadd.s32 s3, s2  }
0x8d: {  	s2 =	sadd.s32 s2, s17  }
0x8e: {  	[smem:$0x3FC2] =	sst s2  }
0x8f: {  	_ = 	snop  }
0x90: {  	s2 =	sld [smem:$0x3FD0];
	(tm) =	ssettm $0x1  }
0x91: {  	s18 =	sld [smem:$0x3FFB];
	_ =	sdelay $0x3  }
0x92: {  	_ =	strace s18  }
0x93: {  	s3 =	sld [smem:$0x3FFC];
	_ =	sdelay $0x3  }
0x94: {  	_ =	strace s3  }
0x95: {  	s3 =	sld [smem:$0x3FFD];
	_ =	sdelay $0x3  }
0x96: {  	_ =	strace s3  }
0x97: {  	_ =	strace $0x8FFFFFFF  }
0x98: {  	s19 =	sld [smem:$0x3FDB];
	_ =	sdelay $0x1  }
0x99: {  	s4 =	simm.s32 $_scs_section_size  }
0x9a: {  	s5 =	simm.s32 $_size__tile_overlayer_lowered;
	s6 =	simm.s32 $_tile_overlayer_lowered  }
0x9b: {  	s22 =	simm.s32 $0x1BFF;
	s21 =	sshll.u32 s6, $0x1;
	s3 =	sadd.s32 s4, s19  }
0x9c: {  	s7 =	simm.s32 $0x0;
	s20 =	sshll.u32 s5, $0x1;
	s5 =	sadd.s32 s21, s3  }
0x9d: {  	[timem:s7], [sflag:s22] =	dma.local [hbm:s5], s20  }
0x9e: {  	_ =	swait.ge [sflag:s22], s20  }
0x9f: {  	s4 =	ssub.s32 $0x0, s20;
	[sflag:s22] =	ssyncset.done $0x0  }
0xa0: {  	[sflag:s22] =	ssyncadd.s32 s4;
	_ =	sdelay $0x1  }
0xa1: {  	s23 =	simm.s32 $0x1B8B  }
0xa2: {  	_ =	swait.ge [sflag:s23], $0x1  }
0xa3: {  	[sflag:s23] =	ssyncset.done $0x0  }
0xa4: {  	s25 =	simm.s32 $0x1B8E;
	s24 =	sld [smem:$0x3FFE];
	[sflag:s23] =	ssyncadd.s32 $0xFFFFFFFF  }
0xa5: {  	s26 =	simm.s32 $execute0_lowered;
	[smem:$0x3FD2] =	sst s25  }
0xa6: {  	s5 =	sshll.u32 s26, $0x1;
	_ =	strace $0x80000046;
	[dreg:$0x1] =	wrdreg $0xFFFFFFFF  }
0xa7: {  	s28 =	simm.s32 $_size_execute0_lowered;
	s3 =	sadd.s32 s3, s5;
	[dreg:$0x0] =	wrdreg $0x0  }
0xa8: {  	s5 =	sshll.u32 s28, $0x1;
	[dreg:$0x2] =	wrdreg s3  }
0xa9: {  	[dreg:$0x3] =	wrdreg s5  }
0xaa: {  	[dreg:$0x4] =	wrdreg $0xC0  }
0xab: {  	_ =	task [dreg:s7], $0x5FFFF  }
0xac: {  	[dreg:$0x1] =	wrdreg $0xFFFFFFFF  }
0xad: {  	[dreg:$0x0] =	wrdreg $0x60  }
0xae: {  	[dreg:$0x2] =	wrdreg s24  }
0xaf: {  	[dreg:$0x3] =	wrdreg s2  }
0xb0: {  	[dreg:$0x4] =	wrdreg $0x28800  }
0xb1: {  	[dreg:$0x5] =	wrdreg $0x9  }
0xb2: {  	_ =	task.clear_ibuf [dreg:s7], $0x6FFFF;
	_ =	strace $0x90000046  }
0xb3: {  	s29 =	simm.s32 $0x9;
	_ =	strace $0x80000048  }
0xb4: {  	_ =	swait.ge [sflag:s29], $0x1  }
0xb5: {  	[sflag:s29] =	ssyncadd.s32 $0xFFFFFFFF  }
0xb6: {  	_ =	strace $0x90000048  }
0xb7: {  	_ =	sfence  }
0xb8: {  	s30 =	sld [smem:$0x0];
	_ =	sdelay $0x2  }
0xb9: {  	s31 =	sshll.u32 s1, $0xD;
	s1 =	sshrl.u32 s1, $0x2  }
0xba: {  	s3 =	sand.u32 $0x4000, s31;
	s1 =	sadd.s32 s1, s30  }
0xbb: {  	s0 =	sor.u32 s3, s0;
	s1 =	sshll.u32 s1, $0x11  }
0xbc: {  	s0 =	sor.u32 s1, s0  }
0xbd: {  	s0 =	sadd.s32 $0x8F2B, s0  }
0xbe: {  	[sflag:s0] =	ssyncadd.remote.s32 $0x1  }
0xbf: {  	_ =	sfence.sel $0xFFFF  }
0xc0: {  	[dreg:$0x0] =	wrdreg $0xFFFFFFFF;
	(pc) =	sbr.abs _section_cstart, $3  }
0xc1: {  	[dreg:$0x1] =	wrdreg $0xFFFFFFFF  }
0xc2: {  	_ =	task.clear_ibuf [dreg:s7], $0x2FFFF;
	_ =	strace $0x9FFFFFFF  }
0xc3: {  	(tm) =	ssettm $0x7FFFFFFF  }
tec
execute0_lowered:
.L_overlay_start_1:
0x0: {  	(tag) =	ssettag $0x1  }
0x1: {  	s5 =	rddreg [dreg:$0x0]  }
0x2: {  	s6 =	rddreg [dreg:$0x1]  }
0x3: {  	s2 =	rddreg [dreg:$0x2];
	s3 =	srdreg.scid  }
0x4: {  	s1 =	stileid.u32;
	s0 =	rddreg [dreg:$0x3];
	s13 =	simm.s32 $0x7D  }
0x5: {  	s14 =	simm.s32 $0x0;
	s7 =	sand.u32 $0x1, s3;
	s8 =	smul.u32 $0x280, s1  }
0x6: {  	s3 =	simm.s32 $0x0;
	s9 =	sshll.u32 s1, $0x1;
	s31 =	sshll.u32 s1, $0x6  }
0x7: {  	s4 =	smul.u32 $0x2800, s7;
	[smem:$0x7FF] =	sst s3;
	s9 =	sor.u32 s7, s9  }
0x8: {  	s7 =	ssub.s32 $0x2, s7;
	_ =	strace $0x80000047;
	s9 =	smul.u32 $0x2800, s9  }
0x9: {  	s11 =	sshrl.u32 s7, $0x1;
	s30 =	sshrl.u32 s8, $0x3;
	s12 =	sadd.s32 s8, s2  }
0xa: {  	s10 =	sadd.s32 s8, s4;
	s4 =	sadd.s32 $0x16A00, s5;
	s11 =	ssub.s32 s7, s11  }
0xb: {  	s6 =	sadd.s32 s6, s30;
	s12 =	sshrl.u32 s12, $0x3;
	s10 =	sshrl.u32 s10, $0x3  }
0xc: {  	s9 =	sshrl.u32 s9, $0x3;
	s8 =	smax.u32 s11, $0x1;
	s11 =	sor.u32 $0x1C01, s31  }
0xd: {  	s10 =	sadd.s32 s10, s5;
	s5 =	sadd.s32 s5, s9;
	s9 =	simm.s32 $0x1  }
0xe: {  	s5 =	sadd.s32 $0xCA00, s5;
	s7 =	sadd.s32 $0x16C00, s10;
	s10 =	simm.s32 $0x2800  }
.LBB2_1:
0xf: {  	[tilespmem:s3], [sflag:$0x1] =	stream.linear.gather [hbm4b:s5+s3], $0x2800, $0x38;
	[tilespmem:$0x2B00] =	vst v63  }
0x10: {  	_ =	swait.ge [sflag:s9], $0x2800  }
0x11: {  	[sflag:s9] =	ssyncset.done $0x0  }
0x12: {  	[sflag:s9] =	ssyncadd.s32 $0xFFFFD800  }
0x13: {  	[tilespmem:s10], [sflag:$0x1] =	stream.linear.gather [hbm4b:s4+s3], $0x80, $0x38;
	[tilespmem:$0x2B00] =	vst v63  }
0x14: {  	_ =	swait.ge [sflag:s9], $0x80  }
0x15: {  	[sflag:s9] =	ssyncset.done $0x0  }
0x16: {  	[sflag:s9] =	ssyncadd.s32 $0xFFFFFF80  }
0x17: {  	[spmem:s12], [sflag:s11] =	dma.local [hbm:s6], $0x50  }
0x18: {  	_ =	swait.ge [sflag:s9], $0x50  }
0x19: {  	[sflag:s9] =	ssyncset.done $0x0  }
0x1a: {  	[sflag:s9] =	ssyncadd.s32 $0xFFFFFFB0  }
0x1b: {  	s15 =	simm.s32 $0x0;
	[bflag:$0x0] =	sbarrier.arrive $0xFFFF  }
0x1c: {  	[spmem:s2] =	stream.indirect.scatter.add.f32 [tilespmem:s10], [sflag:$0x1], $0x1, s15, s13, $0xb8;
	[tilespmem:$0x2B00] =	vst v63  }
0x1d: {  	_ =	swait.ge [sflag:s9], $0x7D  }
0x1e: {  	s15 =	simm.s32 $0x200;
	[sflag:s9] =	ssyncset.done $0x0  }
.LBB2_2:
0x1f: {  	s16 =	sshra.s32 s15, $0x2;
	[sflag:s9] =	ssyncadd.s32 $0xFFFFFF83;
	p0 =	sne.s32 s15, $0x9E00  }
0x20: {  	[spmem:s2] =	stream.indirect.scatter.add.f32 [tilespmem:s10], [sflag:$0x1], $0x1, s16, s13, $0xb8;
	[tilespmem:$0x2B00] =	vst v63  }
.Ltmp0:
0x21: {  	_ = 	snop;
	(pc) =	sbr.rel @p0 .LBB2_2-.Ltmp0, $4  }
0x22: {  	_ = 	snop  }
0x23: {  	s15 =	sadd.s32 $0x200, s15  }
0x24: {  	_ =	swait.ge [sflag:s9], $0x7D  }
0x25: {  	[sflag:s9] =	ssyncset.done $0x0  }
0x26: {  	s14 =	sadd.s32 $0x1, s14  }
0x27: {  	[sflag:s9] =	ssyncadd.s32 $0xFFFFFF83;
	p0 =	sne.s32 s14, s8  }
.Ltmp1:
0x28: {  	[bflag:$0x0] =	sbarrier.arrive $0xFFFF;
	(pc) =	sbr.rel @p0 .LBB2_1-.Ltmp1, $4  }
0x29: {  	[hbm:s7], [sflag:s11] =	dma.local [spmem:s12], $0x50  }
0x2a: {  	_ =	swait.ge [sflag:s9], $0x50  }
0x2b: {  	[sflag:s9] =	ssyncset.done $0x0  }
0x2c: {  	[sflag:s9] =	ssyncadd.s32 $0xFFFFFFB0  }
0x2d: {  	_ =	sfence.sel $0x180000  }
0x2e: {  	[bflag:$0x0] =	sbarrier.arrive $0xFFFF  }
0x2f: {  	p0 =	sne.s32 s1, $0x0;
	_ =	strace $0x90000047  }
0x30: {  	s0 =	sadd.s32 @!p0 $0x100000, s0;
	[bflag:$0x2] =	sbarrier.arrive $0xFFFF  }
0x31: {  	[sflag:s0] =	ssyncadd.tile.s32 @!p0 $0x1;
	_ =	shalt  }
.Lfunc_end2:
_tile_overlayer_lowered:
.L_overlay_start_2:
0x32: {  	(tag) =	ssettag $0x2  }
0x33: {  	s0 =	rddreg [dreg:$0x0];
	s2 =	stileid.u32  }
0x34: {  	s1 =	rddreg [dreg:$0x1];
	p0 =	sne.s32 s2, $0x0  }
0x35: {  	s3 =	rddreg [dreg:$0x2];
	[bflag:$0x3] =	sbarrier.arrive $0xFFFF;
	s2 =	simm.s32 @!p0 $0x1C01  }
0x36: {  	[timem:s3], [sflag:s2] =	dma.local @!p0 [hbm:s0], s1  }
0x37: {  	s0 =	simm.s32 @!p0 $0x1  }
0x38: {  	_ =	swait.ge @!p0 [sflag:s0], s1  }
0x39: {  	s1 =	ssub.s32 @!p0 $0x0, s1;
	[sflag:s0] =	ssyncset.done @!p0 $0x0  }
0x3a: {  	[sflag:s0] =	ssyncadd.s32 @!p0 s1  }
0x3b: {  	[bflag:$0x3] =	sbarrier.arrive $0xFFFF  }
0x3c: {  	_ =	shalt  }

</sc_bundles>
